<compile_context>
chip_gen: v7x
topology: tpu7x:2x2x1
jax: 0.10.2.dev20260603
libtpu: 0.0.44.dev20260713+nightly
codegen_flags: <defaults>
</compile_context>

<pallas_src>
import functools

import jax
import jax.numpy as jnp
from jax import lax
from jax.experimental import pallas as pl
from jax.experimental.pallas import tpu as pltpu
from jax.experimental.pallas import tpu_sc as plsc

_LOG1P_C = (
    3.7050701212137938e-03,
    -2.2747693583369255e-02,
    6.5802522003650665e-02,
    -1.2435103952884674e-01,
    1.8400530517101288e-01,
    -2.4605530500411987e-01,
    3.3274200558662415e-01,
    -4.9995198845863342e-01,
    9.9999833106994629e-01,
    1.4770298761845880e-08,
)


def _log1p01(u):
    p = jnp.full((16,), _LOG1P_C[0], jnp.float32)
    for c in _LOG1P_C[1:]:
        p = p * u + c
    return p


def _sp100(x):
    l = _log1p01(jnp.exp(-jnp.abs(x)))
    return jnp.minimum(jnp.maximum(x, 0.0) + l, 100.0)


def _sp_both(x):
    l = _log1p01(jnp.exp(-jnp.abs(x)))
    sp_p = jnp.minimum(jnp.maximum(x, 0.0) + l, 100.0)
    sp_n = jnp.minimum(jnp.maximum(-x, 0.0) + l, 100.0)
    return sp_p, sp_n


def _rot(v, lane, s):
    return v.at[(lane + s) & 15].get(mode="promise_in_bounds")


def _lanesum(v):
    lane = lax.iota(jnp.int32, 16)
    for s in (1, 2, 4, 8):
        v = v + v.at[lane ^ s].get(mode="promise_in_bounds")
    return v


def _conf_dense_tc(pt):
    C_, B_, HW_ = pt.shape

    def body(ref, o_ref):
        x = ref[0]
        l = jnp.log1p(jnp.exp(-jnp.abs(x)))
        sp = jnp.minimum(jnp.maximum(x, 0.0) + l, 100.0)
        o_ref[0, 0] = jnp.sum(sp)

    return pl.pallas_call(
        body,
        grid=(1,),
        in_specs=[pl.BlockSpec((1, B_, HW_), lambda i: (4, 0, 0))],
        out_specs=pl.BlockSpec((1, 1), lambda i: (0, 0), memory_space=pltpu.SMEM),
        out_shape=jax.ShapeDtypeStruct((1, 1), jnp.float32),
    )(pt)[0, 0]


def _build_sc_call(B, HW, C, T):
    NCLS = C - 5
    NSLOT = C + 1
    NENT = NSLOT * 16
    NTCH = -(-NENT // 128)
    info = plsc.get_sparse_core_info()
    NC, NS = info.num_cores, info.num_subcores
    NW = NC * NS
    CELLS = B * HW
    TP = 32
    mesh = plsc.VectorSubcoreMesh(core_axis_name="c", subcore_axis_name="s")

    @functools.partial(
        pl.kernel,
        mesh=mesh,
        out_type=jax.ShapeDtypeStruct((NW, 16), jnp.float32),
        scratch_types=[
            pltpu.VMEM((NTCH * 128,), jnp.int32),
            pltpu.VMEM((NTCH * 128,), jnp.float32),
            pltpu.VMEM((5 * TP,), jnp.float32),
            pltpu.VMEM((32,), jnp.float32),
            pltpu.VMEM((16,), jnp.float32),
            pltpu.SemaphoreType.DMA,
        ],
    )
    def sc_fn(flat_hbm, tgt_hbm, grid_hbm, out_hbm,
              tgidx, tgbuf, tgt_v, grid_v, res_v, sem_r):
        wid = lax.axis_index("s") * NC + lax.axis_index("c")
        batch = wid // 2
        half = wid % 2
        lane = lax.iota(jnp.int32, 16)
        zero16 = jnp.zeros((16,), jnp.float32)
        c16 = lambda k: jnp.full((16,), k, jnp.int32)

        pltpu.sync_copy(tgt_hbm.at[batch], tgt_v)
        pltpu.sync_copy(grid_hbm, grid_v)
        wf = grid_v[pl.ds(0, 16)]
        hf = grid_v[pl.ds(16, 16)]
        wi = wf.astype(jnp.int32)

        halves = []
        for h2 in range(2):
            clsf = tgt_v[pl.ds(0 * TP + 16 * h2, 16)]
            cx = tgt_v[pl.ds(1 * TP + 16 * h2, 16)]
            cy = tgt_v[pl.ds(2 * TP + 16 * h2, 16)]
            tw = tgt_v[pl.ds(3 * TP + 16 * h2, 16)]
            th = tgt_v[pl.ds(4 * TP + 16 * h2, 16)]
            gx = (cx * wf).astype(jnp.int32)
            gy = (cy * hf).astype(jnp.int32)
            cell = gy * wi + gx + batch * HW
            valid = (lane + 16 * h2) < T
            halves.append((clsf, cx, cy, tw, th, gx, gy, cell, valid))

        own_is0 = half == 0

        def sel(i):
            return jnp.where(own_is0, halves[0][i], halves[1][i])

        clsf = sel(0)
        cx = sel(1)
        cy = sel(2)
        tw = sel(3)
        th = sel(4)
        cell = sel(7)
        valid = (16 * half + lane) < T
        gx = (cx * wf).astype(jnp.int32)
        gy = (cy * hf).astype(jnp.int32)

        base = jnp.where(valid, cell, batch * HW)
        for s in range(C):
            tgidx[pl.ds(16 * s, 16)] = base + c16(s * CELLS)
        tgidx[pl.ds(16 * C, 16)] = base + (c16(5) + clsf.astype(jnp.int32)) * CELLS
        for e in range(NENT, NTCH * 128, 16):
            tgidx[pl.ds(e, 16)] = c16(4)
        pltpu.async_copy(flat_hbm.at[tgidx], tgbuf, sem_r)

        pltpu.make_async_copy(flat_hbm.at[tgidx], tgbuf, sem_r).wait()

        def slot(s):
            return tgbuf[pl.ds(16 * s, 16)]

        sx = 1.0 / (1.0 + jnp.exp(-slot(0)))
        sy = 1.0 / (1.0 + jnp.exp(-slot(1)))
        dx = sx - (cx * wf - gx.astype(jnp.float32))
        dy = sy - (cy * hf - gy.astype(jnp.float32))
        acc_xy = jnp.where(valid, (dx * dx + dy * dy) * 0.5, 0.0)
        dw = jnp.exp(slot(2)) - tw * wf
        dh = jnp.exp(slot(3)) - th * hf
        acc_wh = jnp.where(valid, (dw * dw + dh * dh) * 0.5, 0.0)
        csum = lax.fori_loop(
            0, NCLS,
            lambda j, a: a + _sp100(tgbuf[pl.ds(16 * j + 80, 16)]),
            zero16)
        kp, kn = _sp_both(slot(C))
        acc_cls = jnp.where(valid, csum + kn - kp, 0.0)
        cp_, cn_ = _sp_both(slot(4))
        c0m = jnp.where(halves[0][8], halves[0][7], -1 - lane)
        c1m = jnp.where(halves[1][8], halves[1][7], -33 - lane)
        own_m = jnp.where(own_is0, c0m, c1m)
        oth_m = jnp.where(own_is0, c1m, c0m)
        cnt = jnp.full((16,), 1.0, jnp.float32)
        one = jnp.full((16,), 1.0, jnp.float32)
        for s in range(16):
            if s > 0:
                cnt = cnt + jnp.where(own_m == _rot(own_m, lane, s), one, 0.0)
            cnt = cnt + jnp.where(own_m == _rot(oth_m, lane, s), one, 0.0)
        corr = jnp.where(valid, (cn_ - cp_) / cnt, 0.0)

        rv = jnp.where(lane == 1, _lanesum(acc_xy), zero16)
        rv = jnp.where(lane == 2, _lanesum(acc_wh), rv)
        rv = jnp.where(lane == 3, _lanesum(acc_cls), rv)
        rv = jnp.where(lane == 4, _lanesum(corr), rv)
        res_v[...] = rv

        pltpu.sync_copy(res_v, out_hbm.at[wid])

    return sc_fn


def kernel(predictions, targets, grid_size):
    B, HW, C = predictions.shape
    T = targets.shape[1]
    NCLS = C - 5
    TP = 32
    pt = jnp.transpose(predictions, (2, 0, 1))
    preds_flat = pt.reshape(C * B * HW)
    conf_dense = _conf_dense_tc(pt)
    tgt_t = jnp.transpose(targets, (0, 2, 1))
    tgt_p = jnp.concatenate(
        [tgt_t, jnp.zeros((B, 5, TP - T), tgt_t.dtype)], axis=-1
    ).reshape(B, 5 * TP)
    wf = grid_size[1].astype(jnp.float32)
    hf = grid_size[0].astype(jnp.float32)
    gridv = jnp.concatenate([jnp.full((16,), wf), jnp.full((16,), hf)])

    sc_fn = _build_sc_call(B, HW, C, T)
    out = sc_fn(preds_flat, tgt_p, gridv)

    sums = jnp.sum(out, axis=0)
    n_tgt = B * T
    loss_xy = sums[1] / n_tgt
    loss_wh = sums[2] / n_tgt
    loss_cls = sums[3] / (NCLS * n_tgt)
    loss_conf = (conf_dense + sums[4]) / (B * HW)
    total = loss_xy * 5.0 + loss_wh * 5.0 + loss_conf + loss_cls
    return (total, loss_xy, loss_wh, loss_conf, loss_cls)

# --- scband reference (transcript-rebuilt; emitter-appended) ---
"""Pipeline reference for scband-minimal-loss-1065151889702 (READ-ONLY COPY).

The authoritative reference and input builder live on the scoring server;
editing this copy changes nothing except your own understanding.
"""

import jax, jax.numpy as jnp
import numpy as np

NUM_CLASSES = 80


def setup_inputs(seed: int = 0) -> dict:
    key = jax.random.key(seed)
    k1, k2 = jax.random.split(key)
    predictions = jax.random.normal(k1, (16, 1600, 5 + NUM_CLASSES), dtype=jnp.float32)
    # targets[b] rows are (class, cx, cy, w, h); rand in [0,1) keeps every box in-grid
    targets = jax.random.uniform(k2, (16, 30, 5), dtype=jnp.float32)
    grid_size = np.array([40, 40], dtype=np.int64)  # H, W with H*W == 1600
    return {'predictions': predictions, 'targets': targets, 'grid_size': grid_size}


def _safe_log(x):
    # torch F.binary_cross_entropy clamps log terms at -100
    return jnp.maximum(jnp.log(x), -100.0)


def reference(predictions, targets, grid_size):
    H = grid_size[0]
    W = grid_size[1]
    HW = predictions.shape[1]
    B = predictions.shape[0]
    num_classes = NUM_CLASSES

    pred_xy = jax.nn.sigmoid(predictions[..., :2])
    pred_wh = jnp.exp(predictions[..., 2:4])
    pred_conf = jax.nn.sigmoid(predictions[..., 4])
    pred_cls = jax.nn.sigmoid(predictions[..., 5:])

    t = targets.reshape(-1, 5)
    n_tgt = t.shape[0]  # all targets valid: finite, cx/cy in [0,1)
    b_idx = jnp.repeat(jnp.arange(B), targets.shape[1])
    cls_id = t[:, 0].astype(jnp.int32)  # rand in [0,1) -> int() truncation -> class 0, matching torch
    cx, cy, w, h = t[:, 1], t[:, 2], t[:, 3], t[:, 4]

    gx = (cx * W).astype(jnp.int32)
    gy = (cy * H).astype(jnp.int32)
    gi = gy * W.astype(jnp.int32) + gx

    obj_mask = jnp.zeros((B, HW), dtype=predictions.dtype).at[b_idx, gi].set(1.0)

    tx = cx * W - gx.astype(cx.dtype)
    ty = cy * H - gy.astype(cy.dtype)
    t_xy = jnp.stack([tx, ty], axis=-1)
    t_wh = jnp.stack([w * W, h * H], axis=-1)

    sel_xy = pred_xy[b_idx, gi]
    sel_wh = pred_wh[b_idx, gi]
    sel_cls = pred_cls[b_idx, gi]

    loss_xy = jnp.sum(jnp.mean((sel_xy - t_xy) ** 2, axis=-1)) / n_tgt
    loss_wh = jnp.sum(jnp.mean((sel_wh - t_wh) ** 2, axis=-1)) / n_tgt

    cls_target = jax.nn.one_hot(cls_id, num_classes, dtype=predictions.dtype)
    bce_cls = -(cls_target * _safe_log(sel_cls) + (1.0 - cls_target) * _safe_log(1.0 - sel_cls))
    loss_cls = jnp.sum(jnp.mean(bce_cls, axis=-1)) / n_tgt

    bce_conf = -(obj_mask * _safe_log(pred_conf) + (1.0 - obj_mask) * _safe_log(1.0 - pred_conf))
    loss_conf = jnp.mean(bce_conf)

    total = loss_xy * 5.0 + loss_wh * 5.0 + loss_conf + loss_cls
    return (total, loss_xy, loss_wh, loss_conf, loss_cls)

if __name__ == "__main__":
    import jax
    _d = setup_inputs()
    print(jax.jit(kernel)(*tuple(_d.values())))

</pallas_src>

<mosaic_0001>
#map = affine_map<(d0, d1) -> (0)>
#map1 = affine_map<(d0, d1) -> (0, 0)>
module attributes {stable_mosaic.version = 14 : i64} {
  func.func @sc_fn(%arg0: i32, %arg1: i32, %arg2: memref<2176000xf32, #tpu.memory_space<hbm>>, %arg3: memref<16x160xf32, #tpu.memory_space<hbm>>, %arg4: memref<32xf32, #tpu.memory_space<hbm>>, %arg5: memref<32x16xf32, #tpu.memory_space<hbm>>, %arg6: memref<1408xi32, #tpu.memory_space<vmem>>, %arg7: memref<1408xf32, #tpu.memory_space<vmem>>, %arg8: memref<160xf32, #tpu.memory_space<vmem>>, %arg9: memref<32xf32, #tpu.memory_space<vmem>>, %arg10: memref<16xf32, #tpu.memory_space<vmem>>, %arg11: memref<!tpu.dma_semaphore, #tpu.memory_space<semaphore_mem>>) attributes {dimension_semantics = [#tpu.dimension_semantics<core_parallel>, #tpu.dimension_semantics<subcore_parallel>], iteration_bounds = array<i64: 2, 16>, scalar_prefetch = 0 : i64, scratch_operands = 6 : i64, tpu.core_type = #tpu.core_type<sc_vector_subcore>, window_params = [{transform_indices = #map}, {transform_indices = #map1}, {transform_indices = #map}, {transform_indices = #map1}]} {
    %mul3A = arith.constant 2 : i32
    %mul3A_0 = arith.muli %arg1, %mul3A : i32
    %add3A = arith.addi %mul3A_0, %arg0 : i32
    %jit3A = arith.constant 2 : i32
    %div3A = arith.divsi %add3A, %jit3A : i32
    %sign3A = arith.constant 0 : i32
    %sign3A_1 = arith.cmpi sgt, %add3A, %sign3A : i32
    %sign3A_2 = arith.extui %sign3A_1 : i1 to i32
    %sign3A_3 = arith.constant 0 : i32
    %sign3A_4 = arith.cmpi slt, %add3A, %sign3A_3 : i32
    %sign3A_5 = arith.extui %sign3A_4 : i1 to i32
    %sign3A_6 = arith.subi %sign3A_2, %sign3A_5 : i32
    %sign3A_7 = arith.constant 0 : i32
    %sign3A_8 = arith.cmpi sgt, %jit3A, %sign3A_7 : i32
    %sign3A_9 = arith.extui %sign3A_8 : i1 to i32
    %sign3A_10 = arith.constant 0 : i32
    %sign3A_11 = arith.cmpi slt, %jit3A, %sign3A_10 : i32
    %sign3A_12 = arith.extui %sign3A_11 : i1 to i32
    %sign3A_13 = arith.subi %sign3A_9, %sign3A_12 : i32
    %ne3A = arith.cmpi ne, %sign3A_6, %sign3A_13 : i32
    %rem3A = arith.remsi %add3A, %jit3A : i32
    %ne3A_14 = arith.constant 0 : i32
    %ne3A_15 = arith.cmpi ne, %rem3A, %ne3A_14 : i32
    %and3A = arith.andi %ne3A, %ne3A_15 : i1
    %sub3A = arith.constant 1 : i32
    %sub3A_16 = arith.subi %div3A, %sub3A : i32
    %select_n3A = arith.select %and3A, %sub3A_16, %div3A : i32
    %jit3A_17 = arith.constant 2 : i32
    %eq3A = arith.constant 0 : i32
    %eq3A_18 = arith.cmpi eq, %jit3A_17, %eq3A : i32
    %jit3A_19 = arith.constant 1 : i32
    %select_n3A_20 = arith.select %eq3A_18, %jit3A_19, %jit3A_17 : i32
    %rem3A_21 = arith.remsi %add3A, %select_n3A_20 : i32
    %ne3A_22 = arith.constant 0 : i32
    %ne3A_23 = arith.cmpi ne, %rem3A_21, %ne3A_22 : i32
    %lt3A = arith.constant 0 : i32
    %lt3A_24 = arith.cmpi slt, %rem3A_21, %lt3A : i32
    %lt3A_25 = arith.constant 0 : i32
    %lt3A_26 = arith.cmpi slt, %select_n3A_20, %lt3A_25 : i32
    %ne3A_27 = arith.xori %lt3A_24, %lt3A_26 : i1
    %and3A_28 = arith.andi %ne3A_27, %ne3A_23 : i1
    %add3A_29 = arith.addi %rem3A_21, %select_n3A_20 : i32
    %select_n3A_30 = arith.select %and3A_28, %add3A_29, %rem3A_21 : i32
    %iota3A = tpu.iota {dimensions = array<i32: 0>} : vector<16xi32>
    %broadcast_in_dim3A = arith.constant 0.000000e+00 : f32
    %broadcast_in_dim3A_31 = vector.broadcast %broadcast_in_dim3A : f32 to vector<16xf32>
    "tpu.region"() ({
      %run_scoped3A = tpu.sem_alloc : memref<!tpu.dma_semaphore, #tpu.memory_space<semaphore_mem>>
      %dma_start3A_1853 = arith.constant 0 : i32
      %dma_start3A_1854 = tpu.memref_slice %arg3[%select_n3A, %dma_start3A_1853] : memref<16x160xf32, #tpu.memory_space<hbm>> -> memref<1x160xf32, #tpu.memory_space<hbm>>
      %dma_start3A_1855 = tpu.memref_squeeze %dma_start3A_1854 : memref<1x160xf32, #tpu.memory_space<hbm>> -> memref<160xf32, #tpu.memory_space<hbm>>
      %dma_start3A_1856 = arith.constant 0 : i32
      %dma_start3A_1857 = tpu.memref_slice %arg3[%select_n3A, %dma_start3A_1856] : memref<16x160xf32, #tpu.memory_space<hbm>> -> memref<1x160xf32, #tpu.memory_space<hbm>>
      %dma_start3A_1858 = tpu.memref_squeeze %dma_start3A_1857 : memref<1x160xf32, #tpu.memory_space<hbm>> -> memref<160xf32, #tpu.memory_space<hbm>>
      tpu.enqueue_dma source(%dma_start3A_1858 : memref<160xf32, #tpu.memory_space<hbm>>) target(%arg8 : memref<160xf32, #tpu.memory_space<vmem>>) target_semaphore(%run_scoped3A : memref<!tpu.dma_semaphore, #tpu.memory_space<semaphore_mem>>)
      %dma_wait3A_1859 = arith.constant 0 : i32
      %dma_wait3A_1860 = tpu.memref_slice %arg3[%select_n3A, %dma_wait3A_1859] : memref<16x160xf32, #tpu.memory_space<hbm>> -> memref<1x160xf32, #tpu.memory_space<hbm>>
      %dma_wait3A_1861 = tpu.memref_squeeze %dma_wait3A_1860 : memref<1x160xf32, #tpu.memory_space<hbm>> -> memref<160xf32, #tpu.memory_space<hbm>>
      %dma_wait3A_1862 = arith.constant 0 : i32
      %dma_wait3A_1863 = tpu.memref_slice %arg3[%select_n3A, %dma_wait3A_1862] : memref<16x160xf32, #tpu.memory_space<hbm>> -> memref<1x160xf32, #tpu.memory_space<hbm>>
      %dma_wait3A_1864 = tpu.memref_squeeze %dma_wait3A_1863 : memref<1x160xf32, #tpu.memory_space<hbm>> -> memref<160xf32, #tpu.memory_space<hbm>>
      tpu.wait_dma2 semaphore(%run_scoped3A : memref<!tpu.dma_semaphore, #tpu.memory_space<semaphore_mem>>) src(%dma_wait3A_1864 : memref<160xf32, #tpu.memory_space<hbm>>) dst(%arg8 : memref<160xf32, #tpu.memory_space<vmem>>)
      tpu.yield
    }) : () -> ()
    "tpu.region"() ({
      %run_scoped3A = tpu.sem_alloc : memref<!tpu.dma_semaphore, #tpu.memory_space<semaphore_mem>>
      tpu.enqueue_dma source(%arg4 : memref<32xf32, #tpu.memory_space<hbm>>) target(%arg9 : memref<32xf32, #tpu.memory_space<vmem>>) target_semaphore(%run_scoped3A : memref<!tpu.dma_semaphore, #tpu.memory_space<semaphore_mem>>)
      tpu.wait_dma2 semaphore(%run_scoped3A : memref<!tpu.dma_semaphore, #tpu.memory_space<semaphore_mem>>) src(%arg4 : memref<32xf32, #tpu.memory_space<hbm>>) dst(%arg9 : memref<32xf32, #tpu.memory_space<vmem>>)
      tpu.yield
    }) : () -> ()
    %get3A = arith.constant 0 : index
    %get3A_32 = tpu.vector_load %arg9[%get3A] {strides = array<i32>} : memref<32xf32, #tpu.memory_space<vmem>>, vector<16xf32>,
    %get3A_33 = vector.shape_cast %get3A_32 : vector<16xf32> to vector<16xf32>
    %get3A_34 = arith.constant 16 : index
    %get3A_35 = tpu.vector_load %arg9[%get3A_34] {strides = array<i32>} : memref<32xf32, #tpu.memory_space<vmem>>, vector<16xf32>,
    %get3A_36 = vector.shape_cast %get3A_35 : vector<16xf32> to vector<16xf32>
    %convert_element_type3A = arith.fptosi %get3A_33 : vector<16xf32> to vector<16xi32>
    %get3A_37 = arith.constant 0 : index
    %get3A_38 = tpu.vector_load %arg8[%get3A_37] {strides = array<i32>} : memref<160xf32, #tpu.memory_space<vmem>>, vector<16xf32>,
    %get3A_39 = vector.shape_cast %get3A_38 : vector<16xf32> to vector<16xf32>
    %get3A_40 = arith.constant 32 : index
    %get3A_41 = tpu.vector_load %arg8[%get3A_40] {strides = array<i32>} : memref<160xf32, #tpu.memory_space<vmem>>, vector<16xf32>,
    %get3A_42 = vector.shape_cast %get3A_41 : vector<16xf32> to vector<16xf32>
    %get3A_43 = arith.constant 64 : index
    %get3A_44 = tpu.vector_load %arg8[%get3A_43] {strides = array<i32>} : memref<160xf32, #tpu.memory_space<vmem>>, vector<16xf32>,
    %get3A_45 = vector.shape_cast %get3A_44 : vector<16xf32> to vector<16xf32>
    %get3A_46 = arith.constant 96 : index
    %get3A_47 = tpu.vector_load %arg8[%get3A_46] {strides = array<i32>} : memref<160xf32, #tpu.memory_space<vmem>>, vector<16xf32>,
    %get3A_48 = vector.shape_cast %get3A_47 : vector<16xf32> to vector<16xf32>
    %get3A_49 = arith.constant 128 : index
    %get3A_50 = tpu.vector_load %arg8[%get3A_49] {strides = array<i32>} : memref<160xf32, #tpu.memory_space<vmem>>, vector<16xf32>,
    %get3A_51 = vector.shape_cast %get3A_50 : vector<16xf32> to vector<16xf32>
    %mul3A_52 = arith.mulf %get3A_42, %get3A_33 : vector<16xf32>
    %convert_element_type3A_53 = arith.fptosi %mul3A_52 : vector<16xf32> to vector<16xi32>
    %mul3A_54 = arith.mulf %get3A_45, %get3A_36 : vector<16xf32>
    %convert_element_type3A_55 = arith.fptosi %mul3A_54 : vector<16xf32> to vector<16xi32>
    %mul3A_56 = arith.muli %convert_element_type3A_55, %convert_element_type3A : vector<16xi32>
    %add3A_57 = arith.addi %mul3A_56, %convert_element_type3A_53 : vector<16xi32>
    %mul3A_58 = arith.constant 1600 : i32
    %mul3A_59 = arith.muli %select_n3A, %mul3A_58 : i32
    %add3A_60 = vector.broadcast %mul3A_59 : i32 to vector<16xi32>
    %add3A_61 = arith.addi %add3A_57, %add3A_60 : vector<16xi32>
    %add3A_62 = arith.constant 0 : i32
    %add3A_63 = vector.broadcast %add3A_62 : i32 to vector<16xi32>
    %add3A_64 = arith.addi %iota3A, %add3A_63 : vector<16xi32>
    %lt3A_65 = arith.constant 30 : i32
    %lt3A_66 = vector.broadcast %lt3A_65 : i32 to vector<16xi32>
    %lt3A_67 = arith.cmpi slt, %add3A_64, %lt3A_66 : vector<16xi32>
    %get3A_68 = arith.constant 16 : index
    %get3A_69 = tpu.vector_load %arg8[%get3A_68] {strides = array<i32>} : memref<160xf32, #tpu.memory_space<vmem>>, vector<16xf32>,
    %get3A_70 = vector.shape_cast %get3A_69 : vector<16xf32> to vector<16xf32>
    %get3A_71 = arith.constant 48 : index
    %get3A_72 = tpu.vector_load %arg8[%get3A_71] {strides = array<i32>} : memref<160xf32, #tpu.memory_space<vmem>>, vector<16xf32>,
    %get3A_73 = vector.shape_cast %get3A_72 : vector<16xf32> to vector<16xf32>
    %get3A_74 = arith.constant 80 : index
    %get3A_75 = tpu.vector_load %arg8[%get3A_74] {strides = array<i32>} : memref<160xf32, #tpu.memory_space<vmem>>, vector<16xf32>,
    %get3A_76 = vector.shape_cast %get3A_75 : vector<16xf32> to vector<16xf32>
    %get3A_77 = arith.constant 112 : index
    %get3A_78 = tpu.vector_load %arg8[%get3A_77] {strides = array<i32>} : memref<160xf32, #tpu.memory_space<vmem>>, vector<16xf32>,
    %get3A_79 = vector.shape_cast %get3A_78 : vector<16xf32> to vector<16xf32>
    %get3A_80 = arith.constant 144 : index
    %get3A_81 = tpu.vector_load %arg8[%get3A_80] {strides = array<i32>} : memref<160xf32, #tpu.memory_space<vmem>>, vector<16xf32>,
    %get3A_82 = vector.shape_cast %get3A_81 : vector<16xf32> to vector<16xf32>
    %mul3A_83 = arith.mulf %get3A_73, %get3A_33 : vector<16xf32>
    %convert_element_type3A_84 = arith.fptosi %mul3A_83 : vector<16xf32> to vector<16xi32>
    %mul3A_85 = arith.mulf %get3A_76, %get3A_36 : vector<16xf32>
    %convert_element_type3A_86 = arith.fptosi %mul3A_85 : vector<16xf32> to vector<16xi32>
    %mul3A_87 = arith.muli %convert_element_type3A_86, %convert_element_type3A : vector<16xi32>
    %add3A_88 = arith.addi %mul3A_87, %convert_element_type3A_84 : vector<16xi32>
    %mul3A_89 = arith.constant 1600 : i32
    %mul3A_90 = arith.muli %select_n3A, %mul3A_89 : i32
    %add3A_91 = vector.broadcast %mul3A_90 : i32 to vector<16xi32>
    %add3A_92 = arith.addi %add3A_88, %add3A_91 : vector<16xi32>
    %add3A_93 = arith.constant 16 : i32
    %add3A_94 = vector.broadcast %add3A_93 : i32 to vector<16xi32>
    %add3A_95 = arith.addi %iota3A, %add3A_94 : vector<16xi32>
    %lt3A_96 = arith.constant 30 : i32
    %lt3A_97 = vector.broadcast %lt3A_96 : i32 to vector<16xi32>
    %lt3A_98 = arith.cmpi slt, %add3A_95, %lt3A_97 : vector<16xi32>
    %eq3A_99 = arith.constant 0 : i32
    %eq3A_100 = arith.cmpi eq, %select_n3A_30, %eq3A_99 : i32
    %select_n3A_101 = arith.select %eq3A_100, %get3A_39, %get3A_70 : vector<16xf32>
    %select_n3A_102 = arith.select %eq3A_100, %get3A_42, %get3A_73 : vector<16xf32>
    %select_n3A_103 = arith.select %eq3A_100, %get3A_45, %get3A_76 : vector<16xf32>
    %select_n3A_104 = arith.select %eq3A_100, %get3A_48, %get3A_79 : vector<16xf32>
    %select_n3A_105 = arith.select %eq3A_100, %get3A_51, %get3A_82 : vector<16xf32>
    %select_n3A_106 = arith.select %eq3A_100, %add3A_61, %add3A_92 : vector<16xi32>
    %mul3A_107 = arith.constant 16 : i32
    %mul3A_108 = arith.muli %mul3A_107, %select_n3A_30 : i32
    %add3A_109 = vector.broadcast %mul3A_108 : i32 to vector<16xi32>
    %add3A_110 = arith.addi %add3A_109, %iota3A : vector<16xi32>
    %lt3A_111 = arith.constant 30 : i32
    %lt3A_112 = vector.broadcast %lt3A_111 : i32 to vector<16xi32>
    %lt3A_113 = arith.cmpi slt, %add3A_110, %lt3A_112 : vector<16xi32>
    %mul3A_114 = arith.mulf %select_n3A_102, %get3A_33 : vector<16xf32>
    %convert_element_type3A_115 = arith.fptosi %mul3A_114 : vector<16xf32> to vector<16xi32>
    %mul3A_116 = arith.mulf %select_n3A_103, %get3A_36 : vector<16xf32>
    %convert_element_type3A_117 = arith.fptosi %mul3A_116 : vector<16xf32> to vector<16xi32>
    %mul3A_118 = arith.constant 1600 : i32
    %mul3A_119 = arith.muli %select_n3A, %mul3A_118 : i32
    %broadcast_in_dim3A_120 = vector.broadcast %mul3A_119 : i32 to vector<16xi32>
    %select_n3A_121 = arith.select %lt3A_113, %select_n3A_106, %broadcast_in_dim3A_120 : vector<16xi1>, vector<16xi32>
    %broadcast_in_dim3A_122 = arith.constant 0 : i32
    %broadcast_in_dim3A_123 = vector.broadcast %broadcast_in_dim3A_122 : i32 to vector<16xi32>
    %add3A_124 = arith.addi %select_n3A_121, %broadcast_in_dim3A_123 : vector<16xi32>
    %swap3A = arith.constant 0 : index
    %swap3A_125 = tpu.vector_load %arg6[%swap3A] {strides = array<i32>} : memref<1408xi32, #tpu.memory_space<vmem>>, vector<16xi32>,
    %swap3A_126 = vector.shape_cast %swap3A_125 : vector<16xi32> to vector<16xi32>
    %swap3A_127 = vector.shape_cast %add3A_124 : vector<16xi32> to vector<16xi32>
    tpu.vector_store %arg6[%swap3A], %swap3A_127 {strides = array<i32>} : memref<1408xi32, #tpu.memory_space<vmem>>, vector<16xi32>,
    %broadcast_in_dim3A_128 = arith.constant 25600 : i32
    %broadcast_in_dim3A_129 = vector.broadcast %broadcast_in_dim3A_128 : i32 to vector<16xi32>
    %add3A_130 = arith.addi %select_n3A_121, %broadcast_in_dim3A_129 : vector<16xi32>
    %swap3A_131 = arith.constant 16 : index
    %swap3A_132 = tpu.vector_load %arg6[%swap3A_131] {strides = array<i32>} : memref<1408xi32, #tpu.memory_space<vmem>>, vector<16xi32>,
    %swap3A_133 = vector.shape_cast %swap3A_132 : vector<16xi32> to vector<16xi32>
    %swap3A_134 = vector.shape_cast %add3A_130 : vector<16xi32> to vector<16xi32>
    tpu.vector_store %arg6[%swap3A_131], %swap3A_134 {strides = array<i32>} : memref<1408xi32, #tpu.memory_space<vmem>>, vector<16xi32>,
    %broadcast_in_dim3A_135 = arith.constant 51200 : i32
    %broadcast_in_dim3A_136 = vector.broadcast %broadcast_in_dim3A_135 : i32 to vector<16xi32>
    %add3A_137 = arith.addi %select_n3A_121, %broadcast_in_dim3A_136 : vector<16xi32>
    %swap3A_138 = arith.constant 32 : index
    %swap3A_139 = tpu.vector_load %arg6[%swap3A_138] {strides = array<i32>} : memref<1408xi32, #tpu.memory_space<vmem>>, vector<16xi32>,
    %swap3A_140 = vector.shape_cast %swap3A_139 : vector<16xi32> to vector<16xi32>
    %swap3A_141 = vector.shape_cast %add3A_137 : vector<16xi32> to vector<16xi32>
    tpu.vector_store %arg6[%swap3A_138], %swap3A_141 {strides = array<i32>} : memref<1408xi32, #tpu.memory_space<vmem>>, vector<16xi32>,
    %broadcast_in_dim3A_142 = arith.constant 76800 : i32
    %broadcast_in_dim3A_143 = vector.broadcast %broadcast_in_dim3A_142 : i32 to vector<16xi32>
    %add3A_144 = arith.addi %select_n3A_121, %broadcast_in_dim3A_143 : vector<16xi32>
    %swap3A_145 = arith.constant 48 : index
    %swap3A_146 = tpu.vector_load %arg6[%swap3A_145] {strides = array<i32>} : memref<1408xi32, #tpu.memory_space<vmem>>, vector<16xi32>,
    %swap3A_147 = vector.shape_cast %swap3A_146 : vector<16xi32> to vector<16xi32>
    %swap3A_148 = vector.shape_cast %add3A_144 : vector<16xi32> to vector<16xi32>
    tpu.vector_store %arg6[%swap3A_145], %swap3A_148 {strides = array<i32>} : memref<1408xi32, #tpu.memory_space<vmem>>, vector<16xi32>,
    %broadcast_in_dim3A_149 = arith.constant 102400 : i32
    %broadcast_in_dim3A_150 = vector.broadcast %broadcast_in_dim3A_149 : i32 to vector<16xi32>
    %add3A_151 = arith.addi %select_n3A_121, %broadcast_in_dim3A_150 : vector<16xi32>
    %swap3A_152 = arith.constant 64 : index
    %swap3A_153 = tpu.vector_load %arg6[%swap3A_152] {strides = array<i32>} : memref<1408xi32, #tpu.memory_space<vmem>>, vector<16xi32>,
    %swap3A_154 = vector.shape_cast %swap3A_153 : vector<16xi32> to vector<16xi32>
    %swap3A_155 = vector.shape_cast %add3A_151 : vector<16xi32> to vector<16xi32>
    tpu.vector_store %arg6[%swap3A_152], %swap3A_155 {strides = array<i32>} : memref<1408xi32, #tpu.memory_space<vmem>>, vector<16xi32>,
    %broadcast_in_dim3A_156 = arith.constant 128000 : i32
    %broadcast_in_dim3A_157 = vector.broadcast %broadcast_in_dim3A_156 : i32 to vector<16xi32>
    %add3A_158 = arith.addi %select_n3A_121, %broadcast_in_dim3A_157 : vector<16xi32>
    %swap3A_159 = arith.constant 80 : index
    %swap3A_160 = tpu.vector_load %arg6[%swap3A_159] {strides = array<i32>} : memref<1408xi32, #tpu.memory_space<vmem>>, vector<16xi32>,
    %swap3A_161 = vector.shape_cast %swap3A_160 : vector<16xi32> to vector<16xi32>
    %swap3A_162 = vector.shape_cast %add3A_158 : vector<16xi32> to vector<16xi32>
    tpu.vector_store %arg6[%swap3A_159], %swap3A_162 {strides = array<i32>} : memref<1408xi32, #tpu.memory_space<vmem>>, vector<16xi32>,
    %broadcast_in_dim3A_163 = arith.constant 153600 : i32
    %broadcast_in_dim3A_164 = vector.broadcast %broadcast_in_dim3A_163 : i32 to vector<16xi32>
    %add3A_165 = arith.addi %select_n3A_121, %broadcast_in_dim3A_164 : vector<16xi32>
    %swap3A_166 = arith.constant 96 : index
    %swap3A_167 = tpu.vector_load %arg6[%swap3A_166] {strides = array<i32>} : memref<1408xi32, #tpu.memory_space<vmem>>, vector<16xi32>,
    %swap3A_168 = vector.shape_cast %swap3A_167 : vector<16xi32> to vector<16xi32>
    %swap3A_169 = vector.shape_cast %add3A_165 : vector<16xi32> to vector<16xi32>
    tpu.vector_store %arg6[%swap3A_166], %swap3A_169 {strides = array<i32>} : memref<1408xi32, #tpu.memory_space<vmem>>, vector<16xi32>,
    %broadcast_in_dim3A_170 = arith.constant 179200 : i32
    %broadcast_in_dim3A_171 = vector.broadcast %broadcast_in_dim3A_170 : i32 to vector<16xi32>
    %add3A_172 = arith.addi %select_n3A_121, %broadcast_in_dim3A_171 : vector<16xi32>
    %swap3A_173 = arith.constant 112 : index
    %swap3A_174 = tpu.vector_load %arg6[%swap3A_173] {strides = array<i32>} : memref<1408xi32, #tpu.memory_space<vmem>>, vector<16xi32>,
    %swap3A_175 = vector.shape_cast %swap3A_174 : vector<16xi32> to vector<16xi32>
    %swap3A_176 = vector.shape_cast %add3A_172 : vector<16xi32> to vector<16xi32>
    tpu.vector_store %arg6[%swap3A_173], %swap3A_176 {strides = array<i32>} : memref<1408xi32, #tpu.memory_space<vmem>>, vector<16xi32>,
    %broadcast_in_dim3A_177 = arith.constant 204800 : i32
    %broadcast_in_dim3A_178 = vector.broadcast %broadcast_in_dim3A_177 : i32 to vector<16xi32>
    %add3A_179 = arith.addi %select_n3A_121, %broadcast_in_dim3A_178 : vector<16xi32>
    %swap3A_180 = arith.constant 128 : index
    %swap3A_181 = tpu.vector_load %arg6[%swap3A_180] {strides = array<i32>} : memref<1408xi32, #tpu.memory_space<vmem>>, vector<16xi32>,
    %swap3A_182 = vector.shape_cast %swap3A_181 : vector<16xi32> to vector<16xi32>
    %swap3A_183 = vector.shape_cast %add3A_179 : vector<16xi32> to vector<16xi32>
    tpu.vector_store %arg6[%swap3A_180], %swap3A_183 {strides = array<i32>} : memref<1408xi32, #tpu.memory_space<vmem>>, vector<16xi32>,
    %broadcast_in_dim3A_184 = arith.constant 230400 : i32
    %broadcast_in_dim3A_185 = vector.broadcast %broadcast_in_dim3A_184 : i32 to vector<16xi32>
    %add3A_186 = arith.addi %select_n3A_121, %broadcast_in_dim3A_185 : vector<16xi32>
    %swap3A_187 = arith.constant 144 : index
    %swap3A_188 = tpu.vector_load %arg6[%swap3A_187] {strides = array<i32>} : memref<1408xi32, #tpu.memory_space<vmem>>, vector<16xi32>,
    %swap3A_189 = vector.shape_cast %swap3A_188 : vector<16xi32> to vector<16xi32>
    %swap3A_190 = vector.shape_cast %add3A_186 : vector<16xi32> to vector<16xi32>
    tpu.vector_store %arg6[%swap3A_187], %swap3A_190 {strides = array<i32>} : memref<1408xi32, #tpu.memory_space<vmem>>, vector<16xi32>,
    %broadcast_in_dim3A_191 = arith.constant 256000 : i32
    %broadcast_in_dim3A_192 = vector.broadcast %broadcast_in_dim3A_191 : i32 to vector<16xi32>
    %add3A_193 = arith.addi %select_n3A_121, %broadcast_in_dim3A_192 : vector<16xi32>
    %swap3A_194 = arith.constant 160 : index
    %swap3A_195 = tpu.vector_load %arg6[%swap3A_194] {strides = array<i32>} : memref<1408xi32, #tpu.memory_space<vmem>>, vector<16xi32>,
    %swap3A_196 = vector.shape_cast %swap3A_195 : vector<16xi32> to vector<16xi32>
    %swap3A_197 = vector.shape_cast %add3A_193 : vector<16xi32> to vector<16xi32>
    tpu.vector_store %arg6[%swap3A_194], %swap3A_197 {strides = array<i32>} : memref<1408xi32, #tpu.memory_space<vmem>>, vector<16xi32>,
    %broadcast_in_dim3A_198 = arith.constant 281600 : i32
    %broadcast_in_dim3A_199 = vector.broadcast %broadcast_in_dim3A_198 : i32 to vector<16xi32>
    %add3A_200 = arith.addi %select_n3A_121, %broadcast_in_dim3A_199 : vector<16xi32>
    %swap3A_201 = arith.constant 176 : index
    %swap3A_202 = tpu.vector_load %arg6[%swap3A_201] {strides = array<i32>} : memref<1408xi32, #tpu.memory_space<vmem>>, vector<16xi32>,
    %swap3A_203 = vector.shape_cast %swap3A_202 : vector<16xi32> to vector<16xi32>
    %swap3A_204 = vector.shape_cast %add3A_200 : vector<16xi32> to vector<16xi32>
    tpu.vector_store %arg6[%swap3A_201], %swap3A_204 {strides = array<i32>} : memref<1408xi32, #tpu.memory_space<vmem>>, vector<16xi32>,
    %broadcast_in_dim3A_205 = arith.constant 307200 : i32
    %broadcast_in_dim3A_206 = vector.broadcast %broadcast_in_dim3A_205 : i32 to vector<16xi32>
    %add3A_207 = arith.addi %select_n3A_121, %broadcast_in_dim3A_206 : vector<16xi32>
    %swap3A_208 = arith.constant 192 : index
    %swap3A_209 = tpu.vector_load %arg6[%swap3A_208] {strides = array<i32>} : memref<1408xi32, #tpu.memory_space<vmem>>, vector<16xi32>,
    %swap3A_210 = vector.shape_cast %swap3A_209 : vector<16xi32> to vector<16xi32>
    %swap3A_211 = vector.shape_cast %add3A_207 : vector<16xi32> to vector<16xi32>
    tpu.vector_store %arg6[%swap3A_208], %swap3A_211 {strides = array<i32>} : memref<1408xi32, #tpu.memory_space<vmem>>, vector<16xi32>,
    %broadcast_in_dim3A_212 = arith.constant 332800 : i32
    %broadcast_in_dim3A_213 = vector.broadcast %broadcast_in_dim3A_212 : i32 to vector<16xi32>
    %add3A_214 = arith.addi %select_n3A_121, %broadcast_in_dim3A_213 : vector<16xi32>
    %swap3A_215 = arith.constant 208 : index
    %swap3A_216 = tpu.vector_load %arg6[%swap3A_215] {strides = array<i32>} : memref<1408xi32, #tpu.memory_space<vmem>>, vector<16xi32>,
    %swap3A_217 = vector.shape_cast %swap3A_216 : vector<16xi32> to vector<16xi32>
    %swap3A_218 = vector.shape_cast %add3A_214 : vector<16xi32> to vector<16xi32>
    tpu.vector_store %arg6[%swap3A_215], %swap3A_218 {strides = array<i32>} : memref<1408xi32, #tpu.memory_space<vmem>>, vector<16xi32>,
    %broadcast_in_dim3A_219 = arith.constant 358400 : i32
    %broadcast_in_dim3A_220 = vector.broadcast %broadcast_in_dim3A_219 : i32 to vector<16xi32>
    %add3A_221 = arith.addi %select_n3A_121, %broadcast_in_dim3A_220 : vector<16xi32>
    %swap3A_222 = arith.constant 224 : index
    %swap3A_223 = tpu.vector_load %arg6[%swap3A_222] {strides = array<i32>} : memref<1408xi32, #tpu.memory_space<vmem>>, vector<16xi32>,
    %swap3A_224 = vector.shape_cast %swap3A_223 : vector<16xi32> to vector<16xi32>
    %swap3A_225 = vector.shape_cast %add3A_221 : vector<16xi32> to vector<16xi32>
    tpu.vector_store %arg6[%swap3A_222], %swap3A_225 {strides = array<i32>} : memref<1408xi32, #tpu.memory_space<vmem>>, vector<16xi32>,
    %broadcast_in_dim3A_226 = arith.constant 384000 : i32
    %broadcast_in_dim3A_227 = vector.broadcast %broadcast_in_dim3A_226 : i32 to vector<16xi32>
    %add3A_228 = arith.addi %select_n3A_121, %broadcast_in_dim3A_227 : vector<16xi32>
    %swap3A_229 = arith.constant 240 : index
    %swap3A_230 = tpu.vector_load %arg6[%swap3A_229] {strides = array<i32>} : memref<1408xi32, #tpu.memory_space<vmem>>, vector<16xi32>,
    %swap3A_231 = vector.shape_cast %swap3A_230 : vector<16xi32> to vector<16xi32>
    %swap3A_232 = vector.shape_cast %add3A_228 : vector<16xi32> to vector<16xi32>
    tpu.vector_store %arg6[%swap3A_229], %swap3A_232 {strides = array<i32>} : memref<1408xi32, #tpu.memory_space<vmem>>, vector<16xi32>,
    %broadcast_in_dim3A_233 = arith.constant 409600 : i32
    %broadcast_in_dim3A_234 = vector.broadcast %broadcast_in_dim3A_233 : i32 to vector<16xi32>
    %add3A_235 = arith.addi %select_n3A_121, %broadcast_in_dim3A_234 : vector<16xi32>
    %swap3A_236 = arith.constant 256 : index
    %swap3A_237 = tpu.vector_load %arg6[%swap3A_236] {strides = array<i32>} : memref<1408xi32, #tpu.memory_space<vmem>>, vector<16xi32>,
    %swap3A_238 = vector.shape_cast %swap3A_237 : vector<16xi32> to vector<16xi32>
    %swap3A_239 = vector.shape_cast %add3A_235 : vector<16xi32> to vector<16xi32>
    tpu.vector_store %arg6[%swap3A_236], %swap3A_239 {strides = array<i32>} : memref<1408xi32, #tpu.memory_space<vmem>>, vector<16xi32>,
    %broadcast_in_dim3A_240 = arith.constant 435200 : i32
    %broadcast_in_dim3A_241 = vector.broadcast %broadcast_in_dim3A_240 : i32 to vector<16xi32>
    %add3A_242 = arith.addi %select_n3A_121, %broadcast_in_dim3A_241 : vector<16xi32>
    %swap3A_243 = arith.constant 272 : index
    %swap3A_244 = tpu.vector_load %arg6[%swap3A_243] {strides = array<i32>} : memref<1408xi32, #tpu.memory_space<vmem>>, vector<16xi32>,
    %swap3A_245 = vector.shape_cast %swap3A_244 : vector<16xi32> to vector<16xi32>
    %swap3A_246 = vector.shape_cast %add3A_242 : vector<16xi32> to vector<16xi32>
    tpu.vector_store %arg6[%swap3A_243], %swap3A_246 {strides = array<i32>} : memref<1408xi32, #tpu.memory_space<vmem>>, vector<16xi32>,
    %broadcast_in_dim3A_247 = arith.constant 460800 : i32
    %broadcast_in_dim3A_248 = vector.broadcast %broadcast_in_dim3A_247 : i32 to vector<16xi32>
    %add3A_249 = arith.addi %select_n3A_121, %broadcast_in_dim3A_248 : vector<16xi32>
    %swap3A_250 = arith.constant 288 : index
    %swap3A_251 = tpu.vector_load %arg6[%swap3A_250] {strides = array<i32>} : memref<1408xi32, #tpu.memory_space<vmem>>, vector<16xi32>,
    %swap3A_252 = vector.shape_cast %swap3A_251 : vector<16xi32> to vector<16xi32>
    %swap3A_253 = vector.shape_cast %add3A_249 : vector<16xi32> to vector<16xi32>
    tpu.vector_store %arg6[%swap3A_250], %swap3A_253 {strides = array<i32>} : memref<1408xi32, #tpu.memory_space<vmem>>, vector<16xi32>,
    %broadcast_in_dim3A_254 = arith.constant 486400 : i32
    %broadcast_in_dim3A_255 = vector.broadcast %broadcast_in_dim3A_254 : i32 to vector<16xi32>
    %add3A_256 = arith.addi %select_n3A_121, %broadcast_in_dim3A_255 : vector<16xi32>
    %swap3A_257 = arith.constant 304 : index
    %swap3A_258 = tpu.vector_load %arg6[%swap3A_257] {strides = array<i32>} : memref<1408xi32, #tpu.memory_space<vmem>>, vector<16xi32>,
    %swap3A_259 = vector.shape_cast %swap3A_258 : vector<16xi32> to vector<16xi32>
    %swap3A_260 = vector.shape_cast %add3A_256 : vector<16xi32> to vector<16xi32>
    tpu.vector_store %arg6[%swap3A_257], %swap3A_260 {strides = array<i32>} : memref<1408xi32, #tpu.memory_space<vmem>>, vector<16xi32>,
    %broadcast_in_dim3A_261 = arith.constant 512000 : i32
    %broadcast_in_dim3A_262 = vector.broadcast %broadcast_in_dim3A_261 : i32 to vector<16xi32>
    %add3A_263 = arith.addi %select_n3A_121, %broadcast_in_dim3A_262 : vector<16xi32>
    %swap3A_264 = arith.constant 320 : index
    %swap3A_265 = tpu.vector_load %arg6[%swap3A_264] {strides = array<i32>} : memref<1408xi32, #tpu.memory_space<vmem>>, vector<16xi32>,
    %swap3A_266 = vector.shape_cast %swap3A_265 : vector<16xi32> to vector<16xi32>
    %swap3A_267 = vector.shape_cast %add3A_263 : vector<16xi32> to vector<16xi32>
    tpu.vector_store %arg6[%swap3A_264], %swap3A_267 {strides = array<i32>} : memref<1408xi32, #tpu.memory_space<vmem>>, vector<16xi32>,
    %broadcast_in_dim3A_268 = arith.constant 537600 : i32
    %broadcast_in_dim3A_269 = vector.broadcast %broadcast_in_dim3A_268 : i32 to vector<16xi32>
    %add3A_270 = arith.addi %select_n3A_121, %broadcast_in_dim3A_269 : vector<16xi32>
    %swap3A_271 = arith.constant 336 : index
    %swap3A_272 = tpu.vector_load %arg6[%swap3A_271] {strides = array<i32>} : memref<1408xi32, #tpu.memory_space<vmem>>, vector<16xi32>,
    %swap3A_273 = vector.shape_cast %swap3A_272 : vector<16xi32> to vector<16xi32>
    %swap3A_274 = vector.shape_cast %add3A_270 : vector<16xi32> to vector<16xi32>
    tpu.vector_store %arg6[%swap3A_271], %swap3A_274 {strides = array<i32>} : memref<1408xi32, #tpu.memory_space<vmem>>, vector<16xi32>,
    %broadcast_in_dim3A_275 = arith.constant 563200 : i32
    %broadcast_in_dim3A_276 = vector.broadcast %broadcast_in_dim3A_275 : i32 to vector<16xi32>
    %add3A_277 = arith.addi %select_n3A_121, %broadcast_in_dim3A_276 : vector<16xi32>
    %swap3A_278 = arith.constant 352 : index
    %swap3A_279 = tpu.vector_load %arg6[%swap3A_278] {strides = array<i32>} : memref<1408xi32, #tpu.memory_space<vmem>>, vector<16xi32>,
    %swap3A_280 = vector.shape_cast %swap3A_279 : vector<16xi32> to vector<16xi32>
    %swap3A_281 = vector.shape_cast %add3A_277 : vector<16xi32> to vector<16xi32>
    tpu.vector_store %arg6[%swap3A_278], %swap3A_281 {strides = array<i32>} : memref<1408xi32, #tpu.memory_space<vmem>>, vector<16xi32>,
    %broadcast_in_dim3A_282 = arith.constant 588800 : i32
    %broadcast_in_dim3A_283 = vector.broadcast %broadcast_in_dim3A_282 : i32 to vector<16xi32>
    %add3A_284 = arith.addi %select_n3A_121, %broadcast_in_dim3A_283 : vector<16xi32>
    %swap3A_285 = arith.constant 368 : index
    %swap3A_286 = tpu.vector_load %arg6[%swap3A_285] {strides = array<i32>} : memref<1408xi32, #tpu.memory_space<vmem>>, vector<16xi32>,
    %swap3A_287 = vector.shape_cast %swap3A_286 : vector<16xi32> to vector<16xi32>
    %swap3A_288 = vector.shape_cast %add3A_284 : vector<16xi32> to vector<16xi32>
    tpu.vector_store %arg6[%swap3A_285], %swap3A_288 {strides = array<i32>} : memref<1408xi32, #tpu.memory_space<vmem>>, vector<16xi32>,
    %broadcast_in_dim3A_289 = arith.constant 614400 : i32
    %broadcast_in_dim3A_290 = vector.broadcast %broadcast_in_dim3A_289 : i32 to vector<16xi32>
    %add3A_291 = arith.addi %select_n3A_121, %broadcast_in_dim3A_290 : vector<16xi32>
    %swap3A_292 = arith.constant 384 : index
    %swap3A_293 = tpu.vector_load %arg6[%swap3A_292] {strides = array<i32>} : memref<1408xi32, #tpu.memory_space<vmem>>, vector<16xi32>,
    %swap3A_294 = vector.shape_cast %swap3A_293 : vector<16xi32> to vector<16xi32>
    %swap3A_295 = vector.shape_cast %add3A_291 : vector<16xi32> to vector<16xi32>
    tpu.vector_store %arg6[%swap3A_292], %swap3A_295 {strides = array<i32>} : memref<1408xi32, #tpu.memory_space<vmem>>, vector<16xi32>,
    %broadcast_in_dim3A_296 = arith.constant 640000 : i32
    %broadcast_in_dim3A_297 = vector.broadcast %broadcast_in_dim3A_296 : i32 to vector<16xi32>
    %add3A_298 = arith.addi %select_n3A_121, %broadcast_in_dim3A_297 : vector<16xi32>
    %swap3A_299 = arith.constant 400 : index
    %swap3A_300 = tpu.vector_load %arg6[%swap3A_299] {strides = array<i32>} : memref<1408xi32, #tpu.memory_space<vmem>>, vector<16xi32>,
    %swap3A_301 = vector.shape_cast %swap3A_300 : vector<16xi32> to vector<16xi32>
    %swap3A_302 = vector.shape_cast %add3A_298 : vector<16xi32> to vector<16xi32>
    tpu.vector_store %arg6[%swap3A_299], %swap3A_302 {strides = array<i32>} : memref<1408xi32, #tpu.memory_space<vmem>>, vector<16xi32>,
    %broadcast_in_dim3A_303 = arith.constant 665600 : i32
    %broadcast_in_dim3A_304 = vector.broadcast %broadcast_in_dim3A_303 : i32 to vector<16xi32>
    %add3A_305 = arith.addi %select_n3A_121, %broadcast_in_dim3A_304 : vector<16xi32>
    %swap3A_306 = arith.constant 416 : index
    %swap3A_307 = tpu.vector_load %arg6[%swap3A_306] {strides = array<i32>} : memref<1408xi32, #tpu.memory_space<vmem>>, vector<16xi32>,
    %swap3A_308 = vector.shape_cast %swap3A_307 : vector<16xi32> to vector<16xi32>
    %swap3A_309 = vector.shape_cast %add3A_305 : vector<16xi32> to vector<16xi32>
    tpu.vector_store %arg6[%swap3A_306], %swap3A_309 {strides = array<i32>} : memref<1408xi32, #tpu.memory_space<vmem>>, vector<16xi32>,
    %broadcast_in_dim3A_310 = arith.constant 691200 : i32
    %broadcast_in_dim3A_311 = vector.broadcast %broadcast_in_dim3A_310 : i32 to vector<16xi32>
    %add3A_312 = arith.addi %select_n3A_121, %broadcast_in_dim3A_311 : vector<16xi32>
    %swap3A_313 = arith.constant 432 : index
    %swap3A_314 = tpu.vector_load %arg6[%swap3A_313] {strides = array<i32>} : memref<1408xi32, #tpu.memory_space<vmem>>, vector<16xi32>,
    %swap3A_315 = vector.shape_cast %swap3A_314 : vector<16xi32> to vector<16xi32>
    %swap3A_316 = vector.shape_cast %add3A_312 : vector<16xi32> to vector<16xi32>
    tpu.vector_store %arg6[%swap3A_313], %swap3A_316 {strides = array<i32>} : memref<1408xi32, #tpu.memory_space<vmem>>, vector<16xi32>,
    %broadcast_in_dim3A_317 = arith.constant 716800 : i32
    %broadcast_in_dim3A_318 = vector.broadcast %broadcast_in_dim3A_317 : i32 to vector<16xi32>
    %add3A_319 = arith.addi %select_n3A_121, %broadcast_in_dim3A_318 : vector<16xi32>
    %swap3A_320 = arith.constant 448 : index
    %swap3A_321 = tpu.vector_load %arg6[%swap3A_320] {strides = array<i32>} : memref<1408xi32, #tpu.memory_space<vmem>>, vector<16xi32>,
    %swap3A_322 = vector.shape_cast %swap3A_321 : vector<16xi32> to vector<16xi32>
    %swap3A_323 = vector.shape_cast %add3A_319 : vector<16xi32> to vector<16xi32>
    tpu.vector_store %arg6[%swap3A_320], %swap3A_323 {strides = array<i32>} : memref<1408xi32, #tpu.memory_space<vmem>>, vector<16xi32>,
    %broadcast_in_dim3A_324 = arith.constant 742400 : i32
    %broadcast_in_dim3A_325 = vector.broadcast %broadcast_in_dim3A_324 : i32 to vector<16xi32>
    %add3A_326 = arith.addi %select_n3A_121, %broadcast_in_dim3A_325 : vector<16xi32>
    %swap3A_327 = arith.constant 464 : index
    %swap3A_328 = tpu.vector_load %arg6[%swap3A_327] {strides = array<i32>} : memref<1408xi32, #tpu.memory_space<vmem>>, vector<16xi32>,
    %swap3A_329 = vector.shape_cast %swap3A_328 : vector<16xi32> to vector<16xi32>
    %swap3A_330 = vector.shape_cast %add3A_326 : vector<16xi32> to vector<16xi32>
    tpu.vector_store %arg6[%swap3A_327], %swap3A_330 {strides = array<i32>} : memref<1408xi32, #tpu.memory_space<vmem>>, vector<16xi32>,
    %broadcast_in_dim3A_331 = arith.constant 768000 : i32
    %broadcast_in_dim3A_332 = vector.broadcast %broadcast_in_dim3A_331 : i32 to vector<16xi32>
    %add3A_333 = arith.addi %select_n3A_121, %broadcast_in_dim3A_332 : vector<16xi32>
    %swap3A_334 = arith.constant 480 : index
    %swap3A_335 = tpu.vector_load %arg6[%swap3A_334] {strides = array<i32>} : memref<1408xi32, #tpu.memory_space<vmem>>, vector<16xi32>,
    %swap3A_336 = vector.shape_cast %swap3A_335 : vector<16xi32> to vector<16xi32>
    %swap3A_337 = vector.shape_cast %add3A_333 : vector<16xi32> to vector<16xi32>
    tpu.vector_store %arg6[%swap3A_334], %swap3A_337 {strides = array<i32>} : memref<1408xi32, #tpu.memory_space<vmem>>, vector<16xi32>,
    %broadcast_in_dim3A_338 = arith.constant 793600 : i32
    %broadcast_in_dim3A_339 = vector.broadcast %broadcast_in_dim3A_338 : i32 to vector<16xi32>
    %add3A_340 = arith.addi %select_n3A_121, %broadcast_in_dim3A_339 : vector<16xi32>
    %swap3A_341 = arith.constant 496 : index
    %swap3A_342 = tpu.vector_load %arg6[%swap3A_341] {strides = array<i32>} : memref<1408xi32, #tpu.memory_space<vmem>>, vector<16xi32>,
    %swap3A_343 = vector.shape_cast %swap3A_342 : vector<16xi32> to vector<16xi32>
    %swap3A_344 = vector.shape_cast %add3A_340 : vector<16xi32> to vector<16xi32>
    tpu.vector_store %arg6[%swap3A_341], %swap3A_344 {strides = array<i32>} : memref<1408xi32, #tpu.memory_space<vmem>>, vector<16xi32>,
    %broadcast_in_dim3A_345 = arith.constant 819200 : i32
    %broadcast_in_dim3A_346 = vector.broadcast %broadcast_in_dim3A_345 : i32 to vector<16xi32>
    %add3A_347 = arith.addi %select_n3A_121, %broadcast_in_dim3A_346 : vector<16xi32>
    %swap3A_348 = arith.constant 512 : index
    %swap3A_349 = tpu.vector_load %arg6[%swap3A_348] {strides = array<i32>} : memref<1408xi32, #tpu.memory_space<vmem>>, vector<16xi32>,
    %swap3A_350 = vector.shape_cast %swap3A_349 : vector<16xi32> to vector<16xi32>
    %swap3A_351 = vector.shape_cast %add3A_347 : vector<16xi32> to vector<16xi32>
    tpu.vector_store %arg6[%swap3A_348], %swap3A_351 {strides = array<i32>} : memref<1408xi32, #tpu.memory_space<vmem>>, vector<16xi32>,
    %broadcast_in_dim3A_352 = arith.constant 844800 : i32
    %broadcast_in_dim3A_353 = vector.broadcast %broadcast_in_dim3A_352 : i32 to vector<16xi32>
    %add3A_354 = arith.addi %select_n3A_121, %broadcast_in_dim3A_353 : vector<16xi32>
    %swap3A_355 = arith.constant 528 : index
    %swap3A_356 = tpu.vector_load %arg6[%swap3A_355] {strides = array<i32>} : memref<1408xi32, #tpu.memory_space<vmem>>, vector<16xi32>,
    %swap3A_357 = vector.shape_cast %swap3A_356 : vector<16xi32> to vector<16xi32>
    %swap3A_358 = vector.shape_cast %add3A_354 : vector<16xi32> to vector<16xi32>
    tpu.vector_store %arg6[%swap3A_355], %swap3A_358 {strides = array<i32>} : memref<1408xi32, #tpu.memory_space<vmem>>, vector<16xi32>,
    %broadcast_in_dim3A_359 = arith.constant 870400 : i32
    %broadcast_in_dim3A_360 = vector.broadcast %broadcast_in_dim3A_359 : i32 to vector<16xi32>
    %add3A_361 = arith.addi %select_n3A_121, %broadcast_in_dim3A_360 : vector<16xi32>
    %swap3A_362 = arith.constant 544 : index
    %swap3A_363 = tpu.vector_load %arg6[%swap3A_362] {strides = array<i32>} : memref<1408xi32, #tpu.memory_space<vmem>>, vector<16xi32>,
    %swap3A_364 = vector.shape_cast %swap3A_363 : vector<16xi32> to vector<16xi32>
    %swap3A_365 = vector.shape_cast %add3A_361 : vector<16xi32> to vector<16xi32>
    tpu.vector_store %arg6[%swap3A_362], %swap3A_365 {strides = array<i32>} : memref<1408xi32, #tpu.memory_space<vmem>>, vector<16xi32>,
    %broadcast_in_dim3A_366 = arith.constant 896000 : i32
    %broadcast_in_dim3A_367 = vector.broadcast %broadcast_in_dim3A_366 : i32 to vector<16xi32>
    %add3A_368 = arith.addi %select_n3A_121, %broadcast_in_dim3A_367 : vector<16xi32>
    %swap3A_369 = arith.constant 560 : index
    %swap3A_370 = tpu.vector_load %arg6[%swap3A_369] {strides = array<i32>} : memref<1408xi32, #tpu.memory_space<vmem>>, vector<16xi32>,
    %swap3A_371 = vector.shape_cast %swap3A_370 : vector<16xi32> to vector<16xi32>
    %swap3A_372 = vector.shape_cast %add3A_368 : vector<16xi32> to vector<16xi32>
    tpu.vector_store %arg6[%swap3A_369], %swap3A_372 {strides = array<i32>} : memref<1408xi32, #tpu.memory_space<vmem>>, vector<16xi32>,
    %broadcast_in_dim3A_373 = arith.constant 921600 : i32
    %broadcast_in_dim3A_374 = vector.broadcast %broadcast_in_dim3A_373 : i32 to vector<16xi32>
    %add3A_375 = arith.addi %select_n3A_121, %broadcast_in_dim3A_374 : vector<16xi32>
    %swap3A_376 = arith.constant 576 : index
    %swap3A_377 = tpu.vector_load %arg6[%swap3A_376] {strides = array<i32>} : memref<1408xi32, #tpu.memory_space<vmem>>, vector<16xi32>,
    %swap3A_378 = vector.shape_cast %swap3A_377 : vector<16xi32> to vector<16xi32>
    %swap3A_379 = vector.shape_cast %add3A_375 : vector<16xi32> to vector<16xi32>
    tpu.vector_store %arg6[%swap3A_376], %swap3A_379 {strides = array<i32>} : memref<1408xi32, #tpu.memory_space<vmem>>, vector<16xi32>,
    %broadcast_in_dim3A_380 = arith.constant 947200 : i32
    %broadcast_in_dim3A_381 = vector.broadcast %broadcast_in_dim3A_380 : i32 to vector<16xi32>
    %add3A_382 = arith.addi %select_n3A_121, %broadcast_in_dim3A_381 : vector<16xi32>
    %swap3A_383 = arith.constant 592 : index
    %swap3A_384 = tpu.vector_load %arg6[%swap3A_383] {strides = array<i32>} : memref<1408xi32, #tpu.memory_space<vmem>>, vector<16xi32>,
    %swap3A_385 = vector.shape_cast %swap3A_384 : vector<16xi32> to vector<16xi32>
    %swap3A_386 = vector.shape_cast %add3A_382 : vector<16xi32> to vector<16xi32>
    tpu.vector_store %arg6[%swap3A_383], %swap3A_386 {strides = array<i32>} : memref<1408xi32, #tpu.memory_space<vmem>>, vector<16xi32>,
    %broadcast_in_dim3A_387 = arith.constant 972800 : i32
    %broadcast_in_dim3A_388 = vector.broadcast %broadcast_in_dim3A_387 : i32 to vector<16xi32>
    %add3A_389 = arith.addi %select_n3A_121, %broadcast_in_dim3A_388 : vector<16xi32>
    %swap3A_390 = arith.constant 608 : index
    %swap3A_391 = tpu.vector_load %arg6[%swap3A_390] {strides = array<i32>} : memref<1408xi32, #tpu.memory_space<vmem>>, vector<16xi32>,
    %swap3A_392 = vector.shape_cast %swap3A_391 : vector<16xi32> to vector<16xi32>
    %swap3A_393 = vector.shape_cast %add3A_389 : vector<16xi32> to vector<16xi32>
    tpu.vector_store %arg6[%swap3A_390], %swap3A_393 {strides = array<i32>} : memref<1408xi32, #tpu.memory_space<vmem>>, vector<16xi32>,
    %broadcast_in_dim3A_394 = arith.constant 998400 : i32
    %broadcast_in_dim3A_395 = vector.broadcast %broadcast_in_dim3A_394 : i32 to vector<16xi32>
    %add3A_396 = arith.addi %select_n3A_121, %broadcast_in_dim3A_395 : vector<16xi32>
    %swap3A_397 = arith.constant 624 : index
    %swap3A_398 = tpu.vector_load %arg6[%swap3A_397] {strides = array<i32>} : memref<1408xi32, #tpu.memory_space<vmem>>, vector<16xi32>,
    %swap3A_399 = vector.shape_cast %swap3A_398 : vector<16xi32> to vector<16xi32>
    %swap3A_400 = vector.shape_cast %add3A_396 : vector<16xi32> to vector<16xi32>
    tpu.vector_store %arg6[%swap3A_397], %swap3A_400 {strides = array<i32>} : memref<1408xi32, #tpu.memory_space<vmem>>, vector<16xi32>,
    %broadcast_in_dim3A_401 = arith.constant 1024000 : i32
    %broadcast_in_dim3A_402 = vector.broadcast %broadcast_in_dim3A_401 : i32 to vector<16xi32>
    %add3A_403 = arith.addi %select_n3A_121, %broadcast_in_dim3A_402 : vector<16xi32>
    %swap3A_404 = arith.constant 640 : index
    %swap3A_405 = tpu.vector_load %arg6[%swap3A_404] {strides = array<i32>} : memref<1408xi32, #tpu.memory_space<vmem>>, vector<16xi32>,
    %swap3A_406 = vector.shape_cast %swap3A_405 : vector<16xi32> to vector<16xi32>
    %swap3A_407 = vector.shape_cast %add3A_403 : vector<16xi32> to vector<16xi32>
    tpu.vector_store %arg6[%swap3A_404], %swap3A_407 {strides = array<i32>} : memref<1408xi32, #tpu.memory_space<vmem>>, vector<16xi32>,
    %broadcast_in_dim3A_408 = arith.constant 1049600 : i32
    %broadcast_in_dim3A_409 = vector.broadcast %broadcast_in_dim3A_408 : i32 to vector<16xi32>
    %add3A_410 = arith.addi %select_n3A_121, %broadcast_in_dim3A_409 : vector<16xi32>
    %swap3A_411 = arith.constant 656 : index
    %swap3A_412 = tpu.vector_load %arg6[%swap3A_411] {strides = array<i32>} : memref<1408xi32, #tpu.memory_space<vmem>>, vector<16xi32>,
    %swap3A_413 = vector.shape_cast %swap3A_412 : vector<16xi32> to vector<16xi32>
    %swap3A_414 = vector.shape_cast %add3A_410 : vector<16xi32> to vector<16xi32>
    tpu.vector_store %arg6[%swap3A_411], %swap3A_414 {strides = array<i32>} : memref<1408xi32, #tpu.memory_space<vmem>>, vector<16xi32>,
    %broadcast_in_dim3A_415 = arith.constant 1075200 : i32
    %broadcast_in_dim3A_416 = vector.broadcast %broadcast_in_dim3A_415 : i32 to vector<16xi32>
    %add3A_417 = arith.addi %select_n3A_121, %broadcast_in_dim3A_416 : vector<16xi32>
    %swap3A_418 = arith.constant 672 : index
    %swap3A_419 = tpu.vector_load %arg6[%swap3A_418] {strides = array<i32>} : memref<1408xi32, #tpu.memory_space<vmem>>, vector<16xi32>,
    %swap3A_420 = vector.shape_cast %swap3A_419 : vector<16xi32> to vector<16xi32>
    %swap3A_421 = vector.shape_cast %add3A_417 : vector<16xi32> to vector<16xi32>
    tpu.vector_store %arg6[%swap3A_418], %swap3A_421 {strides = array<i32>} : memref<1408xi32, #tpu.memory_space<vmem>>, vector<16xi32>,
    %broadcast_in_dim3A_422 = arith.constant 1100800 : i32
    %broadcast_in_dim3A_423 = vector.broadcast %broadcast_in_dim3A_422 : i32 to vector<16xi32>
    %add3A_424 = arith.addi %select_n3A_121, %broadcast_in_dim3A_423 : vector<16xi32>
    %swap3A_425 = arith.constant 688 : index
    %swap3A_426 = tpu.vector_load %arg6[%swap3A_425] {strides = array<i32>} : memref<1408xi32, #tpu.memory_space<vmem>>, vector<16xi32>,
    %swap3A_427 = vector.shape_cast %swap3A_426 : vector<16xi32> to vector<16xi32>
    %swap3A_428 = vector.shape_cast %add3A_424 : vector<16xi32> to vector<16xi32>
    tpu.vector_store %arg6[%swap3A_425], %swap3A_428 {strides = array<i32>} : memref<1408xi32, #tpu.memory_space<vmem>>, vector<16xi32>,
    %broadcast_in_dim3A_429 = arith.constant 1126400 : i32
    %broadcast_in_dim3A_430 = vector.broadcast %broadcast_in_dim3A_429 : i32 to vector<16xi32>
    %add3A_431 = arith.addi %select_n3A_121, %broadcast_in_dim3A_430 : vector<16xi32>
    %swap3A_432 = arith.constant 704 : index
    %swap3A_433 = tpu.vector_load %arg6[%swap3A_432] {strides = array<i32>} : memref<1408xi32, #tpu.memory_space<vmem>>, vector<16xi32>,
    %swap3A_434 = vector.shape_cast %swap3A_433 : vector<16xi32> to vector<16xi32>
    %swap3A_435 = vector.shape_cast %add3A_431 : vector<16xi32> to vector<16xi32>
    tpu.vector_store %arg6[%swap3A_432], %swap3A_435 {strides = array<i32>} : memref<1408xi32, #tpu.memory_space<vmem>>, vector<16xi32>,
    %broadcast_in_dim3A_436 = arith.constant 1152000 : i32
    %broadcast_in_dim3A_437 = vector.broadcast %broadcast_in_dim3A_436 : i32 to vector<16xi32>
    %add3A_438 = arith.addi %select_n3A_121, %broadcast_in_dim3A_437 : vector<16xi32>
    %swap3A_439 = arith.constant 720 : index
    %swap3A_440 = tpu.vector_load %arg6[%swap3A_439] {strides = array<i32>} : memref<1408xi32, #tpu.memory_space<vmem>>, vector<16xi32>,
    %swap3A_441 = vector.shape_cast %swap3A_440 : vector<16xi32> to vector<16xi32>
    %swap3A_442 = vector.shape_cast %add3A_438 : vector<16xi32> to vector<16xi32>
    tpu.vector_store %arg6[%swap3A_439], %swap3A_442 {strides = array<i32>} : memref<1408xi32, #tpu.memory_space<vmem>>, vector<16xi32>,
    %broadcast_in_dim3A_443 = arith.constant 1177600 : i32
    %broadcast_in_dim3A_444 = vector.broadcast %broadcast_in_dim3A_443 : i32 to vector<16xi32>
    %add3A_445 = arith.addi %select_n3A_121, %broadcast_in_dim3A_444 : vector<16xi32>
    %swap3A_446 = arith.constant 736 : index
    %swap3A_447 = tpu.vector_load %arg6[%swap3A_446] {strides = array<i32>} : memref<1408xi32, #tpu.memory_space<vmem>>, vector<16xi32>,
    %swap3A_448 = vector.shape_cast %swap3A_447 : vector<16xi32> to vector<16xi32>
    %swap3A_449 = vector.shape_cast %add3A_445 : vector<16xi32> to vector<16xi32>
    tpu.vector_store %arg6[%swap3A_446], %swap3A_449 {strides = array<i32>} : memref<1408xi32, #tpu.memory_space<vmem>>, vector<16xi32>,
    %broadcast_in_dim3A_450 = arith.constant 1203200 : i32
    %broadcast_in_dim3A_451 = vector.broadcast %broadcast_in_dim3A_450 : i32 to vector<16xi32>
    %add3A_452 = arith.addi %select_n3A_121, %broadcast_in_dim3A_451 : vector<16xi32>
    %swap3A_453 = arith.constant 752 : index
    %swap3A_454 = tpu.vector_load %arg6[%swap3A_453] {strides = array<i32>} : memref<1408xi32, #tpu.memory_space<vmem>>, vector<16xi32>,
    %swap3A_455 = vector.shape_cast %swap3A_454 : vector<16xi32> to vector<16xi32>
    %swap3A_456 = vector.shape_cast %add3A_452 : vector<16xi32> to vector<16xi32>
    tpu.vector_store %arg6[%swap3A_453], %swap3A_456 {strides = array<i32>} : memref<1408xi32, #tpu.memory_space<vmem>>, vector<16xi32>,
    %broadcast_in_dim3A_457 = arith.constant 1228800 : i32
    %broadcast_in_dim3A_458 = vector.broadcast %broadcast_in_dim3A_457 : i32 to vector<16xi32>
    %add3A_459 = arith.addi %select_n3A_121, %broadcast_in_dim3A_458 : vector<16xi32>
    %swap3A_460 = arith.constant 768 : index
    %swap3A_461 = tpu.vector_load %arg6[%swap3A_460] {strides = array<i32>} : memref<1408xi32, #tpu.memory_space<vmem>>, vector<16xi32>,
    %swap3A_462 = vector.shape_cast %swap3A_461 : vector<16xi32> to vector<16xi32>
    %swap3A_463 = vector.shape_cast %add3A_459 : vector<16xi32> to vector<16xi32>
    tpu.vector_store %arg6[%swap3A_460], %swap3A_463 {strides = array<i32>} : memref<1408xi32, #tpu.memory_space<vmem>>, vector<16xi32>,
    %broadcast_in_dim3A_464 = arith.constant 1254400 : i32
    %broadcast_in_dim3A_465 = vector.broadcast %broadcast_in_dim3A_464 : i32 to vector<16xi32>
    %add3A_466 = arith.addi %select_n3A_121, %broadcast_in_dim3A_465 : vector<16xi32>
    %swap3A_467 = arith.constant 784 : index
    %swap3A_468 = tpu.vector_load %arg6[%swap3A_467] {strides = array<i32>} : memref<1408xi32, #tpu.memory_space<vmem>>, vector<16xi32>,
    %swap3A_469 = vector.shape_cast %swap3A_468 : vector<16xi32> to vector<16xi32>
    %swap3A_470 = vector.shape_cast %add3A_466 : vector<16xi32> to vector<16xi32>
    tpu.vector_store %arg6[%swap3A_467], %swap3A_470 {strides = array<i32>} : memref<1408xi32, #tpu.memory_space<vmem>>, vector<16xi32>,
    %broadcast_in_dim3A_471 = arith.constant 1280000 : i32
    %broadcast_in_dim3A_472 = vector.broadcast %broadcast_in_dim3A_471 : i32 to vector<16xi32>
    %add3A_473 = arith.addi %select_n3A_121, %broadcast_in_dim3A_472 : vector<16xi32>
    %swap3A_474 = arith.constant 800 : index
    %swap3A_475 = tpu.vector_load %arg6[%swap3A_474] {strides = array<i32>} : memref<1408xi32, #tpu.memory_space<vmem>>, vector<16xi32>,
    %swap3A_476 = vector.shape_cast %swap3A_475 : vector<16xi32> to vector<16xi32>
    %swap3A_477 = vector.shape_cast %add3A_473 : vector<16xi32> to vector<16xi32>
    tpu.vector_store %arg6[%swap3A_474], %swap3A_477 {strides = array<i32>} : memref<1408xi32, #tpu.memory_space<vmem>>, vector<16xi32>,
    %broadcast_in_dim3A_478 = arith.constant 1305600 : i32
    %broadcast_in_dim3A_479 = vector.broadcast %broadcast_in_dim3A_478 : i32 to vector<16xi32>
    %add3A_480 = arith.addi %select_n3A_121, %broadcast_in_dim3A_479 : vector<16xi32>
    %swap3A_481 = arith.constant 816 : index
    %swap3A_482 = tpu.vector_load %arg6[%swap3A_481] {strides = array<i32>} : memref<1408xi32, #tpu.memory_space<vmem>>, vector<16xi32>,
    %swap3A_483 = vector.shape_cast %swap3A_482 : vector<16xi32> to vector<16xi32>
    %swap3A_484 = vector.shape_cast %add3A_480 : vector<16xi32> to vector<16xi32>
    tpu.vector_store %arg6[%swap3A_481], %swap3A_484 {strides = array<i32>} : memref<1408xi32, #tpu.memory_space<vmem>>, vector<16xi32>,
    %broadcast_in_dim3A_485 = arith.constant 1331200 : i32
    %broadcast_in_dim3A_486 = vector.broadcast %broadcast_in_dim3A_485 : i32 to vector<16xi32>
    %add3A_487 = arith.addi %select_n3A_121, %broadcast_in_dim3A_486 : vector<16xi32>
    %swap3A_488 = arith.constant 832 : index
    %swap3A_489 = tpu.vector_load %arg6[%swap3A_488] {strides = array<i32>} : memref<1408xi32, #tpu.memory_space<vmem>>, vector<16xi32>,
    %swap3A_490 = vector.shape_cast %swap3A_489 : vector<16xi32> to vector<16xi32>
    %swap3A_491 = vector.shape_cast %add3A_487 : vector<16xi32> to vector<16xi32>
    tpu.vector_store %arg6[%swap3A_488], %swap3A_491 {strides = array<i32>} : memref<1408xi32, #tpu.memory_space<vmem>>, vector<16xi32>,
    %broadcast_in_dim3A_492 = arith.constant 1356800 : i32
    %broadcast_in_dim3A_493 = vector.broadcast %broadcast_in_dim3A_492 : i32 to vector<16xi32>
    %add3A_494 = arith.addi %select_n3A_121, %broadcast_in_dim3A_493 : vector<16xi32>
    %swap3A_495 = arith.constant 848 : index
    %swap3A_496 = tpu.vector_load %arg6[%swap3A_495] {strides = array<i32>} : memref<1408xi32, #tpu.memory_space<vmem>>, vector<16xi32>,
    %swap3A_497 = vector.shape_cast %swap3A_496 : vector<16xi32> to vector<16xi32>
    %swap3A_498 = vector.shape_cast %add3A_494 : vector<16xi32> to vector<16xi32>
    tpu.vector_store %arg6[%swap3A_495], %swap3A_498 {strides = array<i32>} : memref<1408xi32, #tpu.memory_space<vmem>>, vector<16xi32>,
    %broadcast_in_dim3A_499 = arith.constant 1382400 : i32
    %broadcast_in_dim3A_500 = vector.broadcast %broadcast_in_dim3A_499 : i32 to vector<16xi32>
    %add3A_501 = arith.addi %select_n3A_121, %broadcast_in_dim3A_500 : vector<16xi32>
    %swap3A_502 = arith.constant 864 : index
    %swap3A_503 = tpu.vector_load %arg6[%swap3A_502] {strides = array<i32>} : memref<1408xi32, #tpu.memory_space<vmem>>, vector<16xi32>,
    %swap3A_504 = vector.shape_cast %swap3A_503 : vector<16xi32> to vector<16xi32>
    %swap3A_505 = vector.shape_cast %add3A_501 : vector<16xi32> to vector<16xi32>
    tpu.vector_store %arg6[%swap3A_502], %swap3A_505 {strides = array<i32>} : memref<1408xi32, #tpu.memory_space<vmem>>, vector<16xi32>,
    %broadcast_in_dim3A_506 = arith.constant 1408000 : i32
    %broadcast_in_dim3A_507 = vector.broadcast %broadcast_in_dim3A_506 : i32 to vector<16xi32>
    %add3A_508 = arith.addi %select_n3A_121, %broadcast_in_dim3A_507 : vector<16xi32>
    %swap3A_509 = arith.constant 880 : index
    %swap3A_510 = tpu.vector_load %arg6[%swap3A_509] {strides = array<i32>} : memref<1408xi32, #tpu.memory_space<vmem>>, vector<16xi32>,
    %swap3A_511 = vector.shape_cast %swap3A_510 : vector<16xi32> to vector<16xi32>
    %swap3A_512 = vector.shape_cast %add3A_508 : vector<16xi32> to vector<16xi32>
    tpu.vector_store %arg6[%swap3A_509], %swap3A_512 {strides = array<i32>} : memref<1408xi32, #tpu.memory_space<vmem>>, vector<16xi32>,
    %broadcast_in_dim3A_513 = arith.constant 1433600 : i32
    %broadcast_in_dim3A_514 = vector.broadcast %broadcast_in_dim3A_513 : i32 to vector<16xi32>
    %add3A_515 = arith.addi %select_n3A_121, %broadcast_in_dim3A_514 : vector<16xi32>
    %swap3A_516 = arith.constant 896 : index
    %swap3A_517 = tpu.vector_load %arg6[%swap3A_516] {strides = array<i32>} : memref<1408xi32, #tpu.memory_space<vmem>>, vector<16xi32>,
    %swap3A_518 = vector.shape_cast %swap3A_517 : vector<16xi32> to vector<16xi32>
    %swap3A_519 = vector.shape_cast %add3A_515 : vector<16xi32> to vector<16xi32>
    tpu.vector_store %arg6[%swap3A_516], %swap3A_519 {strides = array<i32>} : memref<1408xi32, #tpu.memory_space<vmem>>, vector<16xi32>,
    %broadcast_in_dim3A_520 = arith.constant 1459200 : i32
    %broadcast_in_dim3A_521 = vector.broadcast %broadcast_in_dim3A_520 : i32 to vector<16xi32>
    %add3A_522 = arith.addi %select_n3A_121, %broadcast_in_dim3A_521 : vector<16xi32>
    %swap3A_523 = arith.constant 912 : index
    %swap3A_524 = tpu.vector_load %arg6[%swap3A_523] {strides = array<i32>} : memref<1408xi32, #tpu.memory_space<vmem>>, vector<16xi32>,
    %swap3A_525 = vector.shape_cast %swap3A_524 : vector<16xi32> to vector<16xi32>
    %swap3A_526 = vector.shape_cast %add3A_522 : vector<16xi32> to vector<16xi32>
    tpu.vector_store %arg6[%swap3A_523], %swap3A_526 {strides = array<i32>} : memref<1408xi32, #tpu.memory_space<vmem>>, vector<16xi32>,
    %broadcast_in_dim3A_527 = arith.constant 1484800 : i32
    %broadcast_in_dim3A_528 = vector.broadcast %broadcast_in_dim3A_527 : i32 to vector<16xi32>
    %add3A_529 = arith.addi %select_n3A_121, %broadcast_in_dim3A_528 : vector<16xi32>
    %swap3A_530 = arith.constant 928 : index
    %swap3A_531 = tpu.vector_load %arg6[%swap3A_530] {strides = array<i32>} : memref<1408xi32, #tpu.memory_space<vmem>>, vector<16xi32>,
    %swap3A_532 = vector.shape_cast %swap3A_531 : vector<16xi32> to vector<16xi32>
    %swap3A_533 = vector.shape_cast %add3A_529 : vector<16xi32> to vector<16xi32>
    tpu.vector_store %arg6[%swap3A_530], %swap3A_533 {strides = array<i32>} : memref<1408xi32, #tpu.memory_space<vmem>>, vector<16xi32>,
    %broadcast_in_dim3A_534 = arith.constant 1510400 : i32
    %broadcast_in_dim3A_535 = vector.broadcast %broadcast_in_dim3A_534 : i32 to vector<16xi32>
    %add3A_536 = arith.addi %select_n3A_121, %broadcast_in_dim3A_535 : vector<16xi32>
    %swap3A_537 = arith.constant 944 : index
    %swap3A_538 = tpu.vector_load %arg6[%swap3A_537] {strides = array<i32>} : memref<1408xi32, #tpu.memory_space<vmem>>, vector<16xi32>,
    %swap3A_539 = vector.shape_cast %swap3A_538 : vector<16xi32> to vector<16xi32>
    %swap3A_540 = vector.shape_cast %add3A_536 : vector<16xi32> to vector<16xi32>
    tpu.vector_store %arg6[%swap3A_537], %swap3A_540 {strides = array<i32>} : memref<1408xi32, #tpu.memory_space<vmem>>, vector<16xi32>,
    %broadcast_in_dim3A_541 = arith.constant 1536000 : i32
    %broadcast_in_dim3A_542 = vector.broadcast %broadcast_in_dim3A_541 : i32 to vector<16xi32>
    %add3A_543 = arith.addi %select_n3A_121, %broadcast_in_dim3A_542 : vector<16xi32>
    %swap3A_544 = arith.constant 960 : index
    %swap3A_545 = tpu.vector_load %arg6[%swap3A_544] {strides = array<i32>} : memref<1408xi32, #tpu.memory_space<vmem>>, vector<16xi32>,
    %swap3A_546 = vector.shape_cast %swap3A_545 : vector<16xi32> to vector<16xi32>
    %swap3A_547 = vector.shape_cast %add3A_543 : vector<16xi32> to vector<16xi32>
    tpu.vector_store %arg6[%swap3A_544], %swap3A_547 {strides = array<i32>} : memref<1408xi32, #tpu.memory_space<vmem>>, vector<16xi32>,
    %broadcast_in_dim3A_548 = arith.constant 1561600 : i32
    %broadcast_in_dim3A_549 = vector.broadcast %broadcast_in_dim3A_548 : i32 to vector<16xi32>
    %add3A_550 = arith.addi %select_n3A_121, %broadcast_in_dim3A_549 : vector<16xi32>
    %swap3A_551 = arith.constant 976 : index
    %swap3A_552 = tpu.vector_load %arg6[%swap3A_551] {strides = array<i32>} : memref<1408xi32, #tpu.memory_space<vmem>>, vector<16xi32>,
    %swap3A_553 = vector.shape_cast %swap3A_552 : vector<16xi32> to vector<16xi32>
    %swap3A_554 = vector.shape_cast %add3A_550 : vector<16xi32> to vector<16xi32>
    tpu.vector_store %arg6[%swap3A_551], %swap3A_554 {strides = array<i32>} : memref<1408xi32, #tpu.memory_space<vmem>>, vector<16xi32>,
    %broadcast_in_dim3A_555 = arith.constant 1587200 : i32
    %broadcast_in_dim3A_556 = vector.broadcast %broadcast_in_dim3A_555 : i32 to vector<16xi32>
    %add3A_557 = arith.addi %select_n3A_121, %broadcast_in_dim3A_556 : vector<16xi32>
    %swap3A_558 = arith.constant 992 : index
    %swap3A_559 = tpu.vector_load %arg6[%swap3A_558] {strides = array<i32>} : memref<1408xi32, #tpu.memory_space<vmem>>, vector<16xi32>,
    %swap3A_560 = vector.shape_cast %swap3A_559 : vector<16xi32> to vector<16xi32>
    %swap3A_561 = vector.shape_cast %add3A_557 : vector<16xi32> to vector<16xi32>
    tpu.vector_store %arg6[%swap3A_558], %swap3A_561 {strides = array<i32>} : memref<1408xi32, #tpu.memory_space<vmem>>, vector<16xi32>,
    %broadcast_in_dim3A_562 = arith.constant 1612800 : i32
    %broadcast_in_dim3A_563 = vector.broadcast %broadcast_in_dim3A_562 : i32 to vector<16xi32>
    %add3A_564 = arith.addi %select_n3A_121, %broadcast_in_dim3A_563 : vector<16xi32>
    %swap3A_565 = arith.constant 1008 : index
    %swap3A_566 = tpu.vector_load %arg6[%swap3A_565] {strides = array<i32>} : memref<1408xi32, #tpu.memory_space<vmem>>, vector<16xi32>,
    %swap3A_567 = vector.shape_cast %swap3A_566 : vector<16xi32> to vector<16xi32>
    %swap3A_568 = vector.shape_cast %add3A_564 : vector<16xi32> to vector<16xi32>
    tpu.vector_store %arg6[%swap3A_565], %swap3A_568 {strides = array<i32>} : memref<1408xi32, #tpu.memory_space<vmem>>, vector<16xi32>,
    %broadcast_in_dim3A_569 = arith.constant 1638400 : i32
    %broadcast_in_dim3A_570 = vector.broadcast %broadcast_in_dim3A_569 : i32 to vector<16xi32>
    %add3A_571 = arith.addi %select_n3A_121, %broadcast_in_dim3A_570 : vector<16xi32>
    %swap3A_572 = arith.constant 1024 : index
    %swap3A_573 = tpu.vector_load %arg6[%swap3A_572] {strides = array<i32>} : memref<1408xi32, #tpu.memory_space<vmem>>, vector<16xi32>,
    %swap3A_574 = vector.shape_cast %swap3A_573 : vector<16xi32> to vector<16xi32>
    %swap3A_575 = vector.shape_cast %add3A_571 : vector<16xi32> to vector<16xi32>
    tpu.vector_store %arg6[%swap3A_572], %swap3A_575 {strides = array<i32>} : memref<1408xi32, #tpu.memory_space<vmem>>, vector<16xi32>,
    %broadcast_in_dim3A_576 = arith.constant 1664000 : i32
    %broadcast_in_dim3A_577 = vector.broadcast %broadcast_in_dim3A_576 : i32 to vector<16xi32>
    %add3A_578 = arith.addi %select_n3A_121, %broadcast_in_dim3A_577 : vector<16xi32>
    %swap3A_579 = arith.constant 1040 : index
    %swap3A_580 = tpu.vector_load %arg6[%swap3A_579] {strides = array<i32>} : memref<1408xi32, #tpu.memory_space<vmem>>, vector<16xi32>,
    %swap3A_581 = vector.shape_cast %swap3A_580 : vector<16xi32> to vector<16xi32>
    %swap3A_582 = vector.shape_cast %add3A_578 : vector<16xi32> to vector<16xi32>
    tpu.vector_store %arg6[%swap3A_579], %swap3A_582 {strides = array<i32>} : memref<1408xi32, #tpu.memory_space<vmem>>, vector<16xi32>,
    %broadcast_in_dim3A_583 = arith.constant 1689600 : i32
    %broadcast_in_dim3A_584 = vector.broadcast %broadcast_in_dim3A_583 : i32 to vector<16xi32>
    %add3A_585 = arith.addi %select_n3A_121, %broadcast_in_dim3A_584 : vector<16xi32>
    %swap3A_586 = arith.constant 1056 : index
    %swap3A_587 = tpu.vector_load %arg6[%swap3A_586] {strides = array<i32>} : memref<1408xi32, #tpu.memory_space<vmem>>, vector<16xi32>,
    %swap3A_588 = vector.shape_cast %swap3A_587 : vector<16xi32> to vector<16xi32>
    %swap3A_589 = vector.shape_cast %add3A_585 : vector<16xi32> to vector<16xi32>
    tpu.vector_store %arg6[%swap3A_586], %swap3A_589 {strides = array<i32>} : memref<1408xi32, #tpu.memory_space<vmem>>, vector<16xi32>,
    %broadcast_in_dim3A_590 = arith.constant 1715200 : i32
    %broadcast_in_dim3A_591 = vector.broadcast %broadcast_in_dim3A_590 : i32 to vector<16xi32>
    %add3A_592 = arith.addi %select_n3A_121, %broadcast_in_dim3A_591 : vector<16xi32>
    %swap3A_593 = arith.constant 1072 : index
    %swap3A_594 = tpu.vector_load %arg6[%swap3A_593] {strides = array<i32>} : memref<1408xi32, #tpu.memory_space<vmem>>, vector<16xi32>,
    %swap3A_595 = vector.shape_cast %swap3A_594 : vector<16xi32> to vector<16xi32>
    %swap3A_596 = vector.shape_cast %add3A_592 : vector<16xi32> to vector<16xi32>
    tpu.vector_store %arg6[%swap3A_593], %swap3A_596 {strides = array<i32>} : memref<1408xi32, #tpu.memory_space<vmem>>, vector<16xi32>,
    %broadcast_in_dim3A_597 = arith.constant 1740800 : i32
    %broadcast_in_dim3A_598 = vector.broadcast %broadcast_in_dim3A_597 : i32 to vector<16xi32>
    %add3A_599 = arith.addi %select_n3A_121, %broadcast_in_dim3A_598 : vector<16xi32>
    %swap3A_600 = arith.constant 1088 : index
    %swap3A_601 = tpu.vector_load %arg6[%swap3A_600] {strides = array<i32>} : memref<1408xi32, #tpu.memory_space<vmem>>, vector<16xi32>,
    %swap3A_602 = vector.shape_cast %swap3A_601 : vector<16xi32> to vector<16xi32>
    %swap3A_603 = vector.shape_cast %add3A_599 : vector<16xi32> to vector<16xi32>
    tpu.vector_store %arg6[%swap3A_600], %swap3A_603 {strides = array<i32>} : memref<1408xi32, #tpu.memory_space<vmem>>, vector<16xi32>,
    %broadcast_in_dim3A_604 = arith.constant 1766400 : i32
    %broadcast_in_dim3A_605 = vector.broadcast %broadcast_in_dim3A_604 : i32 to vector<16xi32>
    %add3A_606 = arith.addi %select_n3A_121, %broadcast_in_dim3A_605 : vector<16xi32>
    %swap3A_607 = arith.constant 1104 : index
    %swap3A_608 = tpu.vector_load %arg6[%swap3A_607] {strides = array<i32>} : memref<1408xi32, #tpu.memory_space<vmem>>, vector<16xi32>,
    %swap3A_609 = vector.shape_cast %swap3A_608 : vector<16xi32> to vector<16xi32>
    %swap3A_610 = vector.shape_cast %add3A_606 : vector<16xi32> to vector<16xi32>
    tpu.vector_store %arg6[%swap3A_607], %swap3A_610 {strides = array<i32>} : memref<1408xi32, #tpu.memory_space<vmem>>, vector<16xi32>,
    %broadcast_in_dim3A_611 = arith.constant 1792000 : i32
    %broadcast_in_dim3A_612 = vector.broadcast %broadcast_in_dim3A_611 : i32 to vector<16xi32>
    %add3A_613 = arith.addi %select_n3A_121, %broadcast_in_dim3A_612 : vector<16xi32>
    %swap3A_614 = arith.constant 1120 : index
    %swap3A_615 = tpu.vector_load %arg6[%swap3A_614] {strides = array<i32>} : memref<1408xi32, #tpu.memory_space<vmem>>, vector<16xi32>,
    %swap3A_616 = vector.shape_cast %swap3A_615 : vector<16xi32> to vector<16xi32>
    %swap3A_617 = vector.shape_cast %add3A_613 : vector<16xi32> to vector<16xi32>
    tpu.vector_store %arg6[%swap3A_614], %swap3A_617 {strides = array<i32>} : memref<1408xi32, #tpu.memory_space<vmem>>, vector<16xi32>,
    %broadcast_in_dim3A_618 = arith.constant 1817600 : i32
    %broadcast_in_dim3A_619 = vector.broadcast %broadcast_in_dim3A_618 : i32 to vector<16xi32>
    %add3A_620 = arith.addi %select_n3A_121, %broadcast_in_dim3A_619 : vector<16xi32>
    %swap3A_621 = arith.constant 1136 : index
    %swap3A_622 = tpu.vector_load %arg6[%swap3A_621] {strides = array<i32>} : memref<1408xi32, #tpu.memory_space<vmem>>, vector<16xi32>,
    %swap3A_623 = vector.shape_cast %swap3A_622 : vector<16xi32> to vector<16xi32>
    %swap3A_624 = vector.shape_cast %add3A_620 : vector<16xi32> to vector<16xi32>
    tpu.vector_store %arg6[%swap3A_621], %swap3A_624 {strides = array<i32>} : memref<1408xi32, #tpu.memory_space<vmem>>, vector<16xi32>,
    %broadcast_in_dim3A_625 = arith.constant 1843200 : i32
    %broadcast_in_dim3A_626 = vector.broadcast %broadcast_in_dim3A_625 : i32 to vector<16xi32>
    %add3A_627 = arith.addi %select_n3A_121, %broadcast_in_dim3A_626 : vector<16xi32>
    %swap3A_628 = arith.constant 1152 : index
    %swap3A_629 = tpu.vector_load %arg6[%swap3A_628] {strides = array<i32>} : memref<1408xi32, #tpu.memory_space<vmem>>, vector<16xi32>,
    %swap3A_630 = vector.shape_cast %swap3A_629 : vector<16xi32> to vector<16xi32>
    %swap3A_631 = vector.shape_cast %add3A_627 : vector<16xi32> to vector<16xi32>
    tpu.vector_store %arg6[%swap3A_628], %swap3A_631 {strides = array<i32>} : memref<1408xi32, #tpu.memory_space<vmem>>, vector<16xi32>,
    %broadcast_in_dim3A_632 = arith.constant 1868800 : i32
    %broadcast_in_dim3A_633 = vector.broadcast %broadcast_in_dim3A_632 : i32 to vector<16xi32>
    %add3A_634 = arith.addi %select_n3A_121, %broadcast_in_dim3A_633 : vector<16xi32>
    %swap3A_635 = arith.constant 1168 : index
    %swap3A_636 = tpu.vector_load %arg6[%swap3A_635] {strides = array<i32>} : memref<1408xi32, #tpu.memory_space<vmem>>, vector<16xi32>,
    %swap3A_637 = vector.shape_cast %swap3A_636 : vector<16xi32> to vector<16xi32>
    %swap3A_638 = vector.shape_cast %add3A_634 : vector<16xi32> to vector<16xi32>
    tpu.vector_store %arg6[%swap3A_635], %swap3A_638 {strides = array<i32>} : memref<1408xi32, #tpu.memory_space<vmem>>, vector<16xi32>,
    %broadcast_in_dim3A_639 = arith.constant 1894400 : i32
    %broadcast_in_dim3A_640 = vector.broadcast %broadcast_in_dim3A_639 : i32 to vector<16xi32>
    %add3A_641 = arith.addi %select_n3A_121, %broadcast_in_dim3A_640 : vector<16xi32>
    %swap3A_642 = arith.constant 1184 : index
    %swap3A_643 = tpu.vector_load %arg6[%swap3A_642] {strides = array<i32>} : memref<1408xi32, #tpu.memory_space<vmem>>, vector<16xi32>,
    %swap3A_644 = vector.shape_cast %swap3A_643 : vector<16xi32> to vector<16xi32>
    %swap3A_645 = vector.shape_cast %add3A_641 : vector<16xi32> to vector<16xi32>
    tpu.vector_store %arg6[%swap3A_642], %swap3A_645 {strides = array<i32>} : memref<1408xi32, #tpu.memory_space<vmem>>, vector<16xi32>,
    %broadcast_in_dim3A_646 = arith.constant 1920000 : i32
    %broadcast_in_dim3A_647 = vector.broadcast %broadcast_in_dim3A_646 : i32 to vector<16xi32>
    %add3A_648 = arith.addi %select_n3A_121, %broadcast_in_dim3A_647 : vector<16xi32>
    %swap3A_649 = arith.constant 1200 : index
    %swap3A_650 = tpu.vector_load %arg6[%swap3A_649] {strides = array<i32>} : memref<1408xi32, #tpu.memory_space<vmem>>, vector<16xi32>,
    %swap3A_651 = vector.shape_cast %swap3A_650 : vector<16xi32> to vector<16xi32>
    %swap3A_652 = vector.shape_cast %add3A_648 : vector<16xi32> to vector<16xi32>
    tpu.vector_store %arg6[%swap3A_649], %swap3A_652 {strides = array<i32>} : memref<1408xi32, #tpu.memory_space<vmem>>, vector<16xi32>,
    %broadcast_in_dim3A_653 = arith.constant 1945600 : i32
    %broadcast_in_dim3A_654 = vector.broadcast %broadcast_in_dim3A_653 : i32 to vector<16xi32>
    %add3A_655 = arith.addi %select_n3A_121, %broadcast_in_dim3A_654 : vector<16xi32>
    %swap3A_656 = arith.constant 1216 : index
    %swap3A_657 = tpu.vector_load %arg6[%swap3A_656] {strides = array<i32>} : memref<1408xi32, #tpu.memory_space<vmem>>, vector<16xi32>,
    %swap3A_658 = vector.shape_cast %swap3A_657 : vector<16xi32> to vector<16xi32>
    %swap3A_659 = vector.shape_cast %add3A_655 : vector<16xi32> to vector<16xi32>
    tpu.vector_store %arg6[%swap3A_656], %swap3A_659 {strides = array<i32>} : memref<1408xi32, #tpu.memory_space<vmem>>, vector<16xi32>,
    %broadcast_in_dim3A_660 = arith.constant 1971200 : i32
    %broadcast_in_dim3A_661 = vector.broadcast %broadcast_in_dim3A_660 : i32 to vector<16xi32>
    %add3A_662 = arith.addi %select_n3A_121, %broadcast_in_dim3A_661 : vector<16xi32>
    %swap3A_663 = arith.constant 1232 : index
    %swap3A_664 = tpu.vector_load %arg6[%swap3A_663] {strides = array<i32>} : memref<1408xi32, #tpu.memory_space<vmem>>, vector<16xi32>,
    %swap3A_665 = vector.shape_cast %swap3A_664 : vector<16xi32> to vector<16xi32>
    %swap3A_666 = vector.shape_cast %add3A_662 : vector<16xi32> to vector<16xi32>
    tpu.vector_store %arg6[%swap3A_663], %swap3A_666 {strides = array<i32>} : memref<1408xi32, #tpu.memory_space<vmem>>, vector<16xi32>,
    %broadcast_in_dim3A_667 = arith.constant 1996800 : i32
    %broadcast_in_dim3A_668 = vector.broadcast %broadcast_in_dim3A_667 : i32 to vector<16xi32>
    %add3A_669 = arith.addi %select_n3A_121, %broadcast_in_dim3A_668 : vector<16xi32>
    %swap3A_670 = arith.constant 1248 : index
    %swap3A_671 = tpu.vector_load %arg6[%swap3A_670] {strides = array<i32>} : memref<1408xi32, #tpu.memory_space<vmem>>, vector<16xi32>,
    %swap3A_672 = vector.shape_cast %swap3A_671 : vector<16xi32> to vector<16xi32>
    %swap3A_673 = vector.shape_cast %add3A_669 : vector<16xi32> to vector<16xi32>
    tpu.vector_store %arg6[%swap3A_670], %swap3A_673 {strides = array<i32>} : memref<1408xi32, #tpu.memory_space<vmem>>, vector<16xi32>,
    %broadcast_in_dim3A_674 = arith.constant 2022400 : i32
    %broadcast_in_dim3A_675 = vector.broadcast %broadcast_in_dim3A_674 : i32 to vector<16xi32>
    %add3A_676 = arith.addi %select_n3A_121, %broadcast_in_dim3A_675 : vector<16xi32>
    %swap3A_677 = arith.constant 1264 : index
    %swap3A_678 = tpu.vector_load %arg6[%swap3A_677] {strides = array<i32>} : memref<1408xi32, #tpu.memory_space<vmem>>, vector<16xi32>,
    %swap3A_679 = vector.shape_cast %swap3A_678 : vector<16xi32> to vector<16xi32>
    %swap3A_680 = vector.shape_cast %add3A_676 : vector<16xi32> to vector<16xi32>
    tpu.vector_store %arg6[%swap3A_677], %swap3A_680 {strides = array<i32>} : memref<1408xi32, #tpu.memory_space<vmem>>, vector<16xi32>,
    %broadcast_in_dim3A_681 = arith.constant 2048000 : i32
    %broadcast_in_dim3A_682 = vector.broadcast %broadcast_in_dim3A_681 : i32 to vector<16xi32>
    %add3A_683 = arith.addi %select_n3A_121, %broadcast_in_dim3A_682 : vector<16xi32>
    %swap3A_684 = arith.constant 1280 : index
    %swap3A_685 = tpu.vector_load %arg6[%swap3A_684] {strides = array<i32>} : memref<1408xi32, #tpu.memory_space<vmem>>, vector<16xi32>,
    %swap3A_686 = vector.shape_cast %swap3A_685 : vector<16xi32> to vector<16xi32>
    %swap3A_687 = vector.shape_cast %add3A_683 : vector<16xi32> to vector<16xi32>
    tpu.vector_store %arg6[%swap3A_684], %swap3A_687 {strides = array<i32>} : memref<1408xi32, #tpu.memory_space<vmem>>, vector<16xi32>,
    %broadcast_in_dim3A_688 = arith.constant 2073600 : i32
    %broadcast_in_dim3A_689 = vector.broadcast %broadcast_in_dim3A_688 : i32 to vector<16xi32>
    %add3A_690 = arith.addi %select_n3A_121, %broadcast_in_dim3A_689 : vector<16xi32>
    %swap3A_691 = arith.constant 1296 : index
    %swap3A_692 = tpu.vector_load %arg6[%swap3A_691] {strides = array<i32>} : memref<1408xi32, #tpu.memory_space<vmem>>, vector<16xi32>,
    %swap3A_693 = vector.shape_cast %swap3A_692 : vector<16xi32> to vector<16xi32>
    %swap3A_694 = vector.shape_cast %add3A_690 : vector<16xi32> to vector<16xi32>
    tpu.vector_store %arg6[%swap3A_691], %swap3A_694 {strides = array<i32>} : memref<1408xi32, #tpu.memory_space<vmem>>, vector<16xi32>,
    %broadcast_in_dim3A_695 = arith.constant 2099200 : i32
    %broadcast_in_dim3A_696 = vector.broadcast %broadcast_in_dim3A_695 : i32 to vector<16xi32>
    %add3A_697 = arith.addi %select_n3A_121, %broadcast_in_dim3A_696 : vector<16xi32>
    %swap3A_698 = arith.constant 1312 : index
    %swap3A_699 = tpu.vector_load %arg6[%swap3A_698] {strides = array<i32>} : memref<1408xi32, #tpu.memory_space<vmem>>, vector<16xi32>,
    %swap3A_700 = vector.shape_cast %swap3A_699 : vector<16xi32> to vector<16xi32>
    %swap3A_701 = vector.shape_cast %add3A_697 : vector<16xi32> to vector<16xi32>
    tpu.vector_store %arg6[%swap3A_698], %swap3A_701 {strides = array<i32>} : memref<1408xi32, #tpu.memory_space<vmem>>, vector<16xi32>,
    %broadcast_in_dim3A_702 = arith.constant 2124800 : i32
    %broadcast_in_dim3A_703 = vector.broadcast %broadcast_in_dim3A_702 : i32 to vector<16xi32>
    %add3A_704 = arith.addi %select_n3A_121, %broadcast_in_dim3A_703 : vector<16xi32>
    %swap3A_705 = arith.constant 1328 : index
    %swap3A_706 = tpu.vector_load %arg6[%swap3A_705] {strides = array<i32>} : memref<1408xi32, #tpu.memory_space<vmem>>, vector<16xi32>,
    %swap3A_707 = vector.shape_cast %swap3A_706 : vector<16xi32> to vector<16xi32>
    %swap3A_708 = vector.shape_cast %add3A_704 : vector<16xi32> to vector<16xi32>
    tpu.vector_store %arg6[%swap3A_705], %swap3A_708 {strides = array<i32>} : memref<1408xi32, #tpu.memory_space<vmem>>, vector<16xi32>,
    %broadcast_in_dim3A_709 = arith.constant 2150400 : i32
    %broadcast_in_dim3A_710 = vector.broadcast %broadcast_in_dim3A_709 : i32 to vector<16xi32>
    %add3A_711 = arith.addi %select_n3A_121, %broadcast_in_dim3A_710 : vector<16xi32>
    %swap3A_712 = arith.constant 1344 : index
    %swap3A_713 = tpu.vector_load %arg6[%swap3A_712] {strides = array<i32>} : memref<1408xi32, #tpu.memory_space<vmem>>, vector<16xi32>,
    %swap3A_714 = vector.shape_cast %swap3A_713 : vector<16xi32> to vector<16xi32>
    %swap3A_715 = vector.shape_cast %add3A_711 : vector<16xi32> to vector<16xi32>
    tpu.vector_store %arg6[%swap3A_712], %swap3A_715 {strides = array<i32>} : memref<1408xi32, #tpu.memory_space<vmem>>, vector<16xi32>,
    %broadcast_in_dim3A_716 = arith.constant 5 : i32
    %broadcast_in_dim3A_717 = vector.broadcast %broadcast_in_dim3A_716 : i32 to vector<16xi32>
    %convert_element_type3A_718 = arith.fptosi %select_n3A_101 : vector<16xf32> to vector<16xi32>
    %add3A_719 = arith.addi %broadcast_in_dim3A_717, %convert_element_type3A_718 : vector<16xi32>
    %mul3A_720 = arith.constant 25600 : i32
    %mul3A_721 = vector.broadcast %mul3A_720 : i32 to vector<16xi32>
    %mul3A_722 = arith.muli %add3A_719, %mul3A_721 : vector<16xi32>
    %add3A_723 = arith.addi %select_n3A_121, %mul3A_722 : vector<16xi32>
    %swap3A_724 = arith.constant 1360 : index
    %swap3A_725 = tpu.vector_load %arg6[%swap3A_724] {strides = array<i32>} : memref<1408xi32, #tpu.memory_space<vmem>>, vector<16xi32>,
    %swap3A_726 = vector.shape_cast %swap3A_725 : vector<16xi32> to vector<16xi32>
    %swap3A_727 = vector.shape_cast %add3A_723 : vector<16xi32> to vector<16xi32>
    tpu.vector_store %arg6[%swap3A_724], %swap3A_727 {strides = array<i32>} : memref<1408xi32, #tpu.memory_space<vmem>>, vector<16xi32>,
    %broadcast_in_dim3A_728 = arith.constant 4 : i32
    %broadcast_in_dim3A_729 = vector.broadcast %broadcast_in_dim3A_728 : i32 to vector<16xi32>
    %swap3A_730 = arith.constant 1376 : index
    %swap3A_731 = tpu.vector_load %arg6[%swap3A_730] {strides = array<i32>} : memref<1408xi32, #tpu.memory_space<vmem>>, vector<16xi32>,
    %swap3A_732 = vector.shape_cast %swap3A_731 : vector<16xi32> to vector<16xi32>
    %swap3A_733 = vector.shape_cast %broadcast_in_dim3A_729 : vector<16xi32> to vector<16xi32>
    tpu.vector_store %arg6[%swap3A_730], %swap3A_733 {strides = array<i32>} : memref<1408xi32, #tpu.memory_space<vmem>>, vector<16xi32>,
    %broadcast_in_dim3A_734 = arith.constant 4 : i32
    %broadcast_in_dim3A_735 = vector.broadcast %broadcast_in_dim3A_734 : i32 to vector<16xi32>
    %swap3A_736 = arith.constant 1392 : index
    %swap3A_737 = tpu.vector_load %arg6[%swap3A_736] {strides = array<i32>} : memref<1408xi32, #tpu.memory_space<vmem>>, vector<16xi32>,
    %swap3A_738 = vector.shape_cast %swap3A_737 : vector<16xi32> to vector<16xi32>
    %swap3A_739 = vector.shape_cast %broadcast_in_dim3A_735 : vector<16xi32> to vector<16xi32>
    tpu.vector_store %arg6[%swap3A_736], %swap3A_739 {strides = array<i32>} : memref<1408xi32, #tpu.memory_space<vmem>>, vector<16xi32>,
    %dma_start3A = arith.constant 0 : i32
    %dma_start3A_740 = tpu.memref_slice %arg2[%dma_start3A] : memref<2176000xf32, #tpu.memory_space<hbm>> -> memref<2176000xf32, #tpu.memory_space<hbm>>
    tpu.enqueue_indirect_dma source(%dma_start3A_740 : memref<2176000xf32, #tpu.memory_space<hbm>>) target(%arg7 : memref<1408xf32, #tpu.memory_space<vmem>>) offsets(%arg6 : memref<1408xi32, #tpu.memory_space<vmem>>) semaphore(%arg11 : memref<!tpu.dma_semaphore, #tpu.memory_space<semaphore_mem>>)
    %dma_wait3A = arith.constant 0 : i32
    %dma_wait3A_741 = tpu.memref_slice %arg2[%dma_wait3A] : memref<2176000xf32, #tpu.memory_space<hbm>> -> memref<2176000xf32, #tpu.memory_space<hbm>>
    tpu.wait_indirect_dma semaphore(%arg11 : memref<!tpu.dma_semaphore, #tpu.memory_space<semaphore_mem>>) src(%dma_wait3A_741 : memref<2176000xf32, #tpu.memory_space<hbm>>) dst(%arg7 : memref<1408xf32, #tpu.memory_space<vmem>>)
    %get3A_742 = arith.constant 0 : index
    %get3A_743 = tpu.vector_load %arg7[%get3A_742] {strides = array<i32>} : memref<1408xf32, #tpu.memory_space<vmem>>, vector<16xf32>,
    %get3A_744 = vector.shape_cast %get3A_743 : vector<16xf32> to vector<16xf32>
    %neg3A = arith.constant 0.000000e+00 : f32
    %neg3A_745 = vector.broadcast %neg3A : f32 to vector<16xf32>
    %neg3A_746 = arith.subf %neg3A_745, %get3A_744 : vector<16xf32>
    %exp3A = math.exp %neg3A_746 : vector<16xf32>
    %add3A_747 = arith.constant 1.000000e+00 : f32
    %add3A_748 = vector.broadcast %add3A_747 : f32 to vector<16xf32>
    %add3A_749 = arith.addf %add3A_748, %exp3A : vector<16xf32>
    %div3A_750 = arith.constant 1.000000e+00 : f32
    %div3A_751 = vector.broadcast %div3A_750 : f32 to vector<16xf32>
    %div3A_752 = arith.divf %div3A_751, %add3A_749 : vector<16xf32>
    %get3A_753 = arith.constant 16 : index
    %get3A_754 = tpu.vector_load %arg7[%get3A_753] {strides = array<i32>} : memref<1408xf32, #tpu.memory_space<vmem>>, vector<16xf32>,
    %get3A_755 = vector.shape_cast %get3A_754 : vector<16xf32> to vector<16xf32>
    %neg3A_756 = arith.constant 0.000000e+00 : f32
    %neg3A_757 = vector.broadcast %neg3A_756 : f32 to vector<16xf32>
    %neg3A_758 = arith.subf %neg3A_757, %get3A_755 : vector<16xf32>
    %exp3A_759 = math.exp %neg3A_758 : vector<16xf32>
    %add3A_760 = arith.constant 1.000000e+00 : f32
    %add3A_761 = vector.broadcast %add3A_760 : f32 to vector<16xf32>
    %add3A_762 = arith.addf %add3A_761, %exp3A_759 : vector<16xf32>
    %div3A_763 = arith.constant 1.000000e+00 : f32
    %div3A_764 = vector.broadcast %div3A_763 : f32 to vector<16xf32>
    %div3A_765 = arith.divf %div3A_764, %add3A_762 : vector<16xf32>
    %mul3A_766 = arith.mulf %select_n3A_102, %get3A_33 : vector<16xf32>
    %convert_element_type3A_767 = arith.sitofp %convert_element_type3A_115 : vector<16xi32> to vector<16xf32>
    %sub3A_768 = arith.subf %mul3A_766, %convert_element_type3A_767 : vector<16xf32>
    %sub3A_769 = arith.subf %div3A_752, %sub3A_768 : vector<16xf32>
    %mul3A_770 = arith.mulf %select_n3A_103, %get3A_36 : vector<16xf32>
    %convert_element_type3A_771 = arith.sitofp %convert_element_type3A_117 : vector<16xi32> to vector<16xf32>
    %sub3A_772 = arith.subf %mul3A_770, %convert_element_type3A_771 : vector<16xf32>
    %sub3A_773 = arith.subf %div3A_765, %sub3A_772 : vector<16xf32>
    %mul3A_774 = arith.mulf %sub3A_769, %sub3A_769 : vector<16xf32>
    %mul3A_775 = arith.mulf %sub3A_773, %sub3A_773 : vector<16xf32>
    %add3A_776 = arith.addf %mul3A_774, %mul3A_775 : vector<16xf32>
    %mul3A_777 = arith.constant 5.000000e-01 : f32
    %mul3A_778 = vector.broadcast %mul3A_777 : f32 to vector<16xf32>
    %mul3A_779 = arith.mulf %add3A_776, %mul3A_778 : vector<16xf32>
    %jit3A_780 = arith.constant 0.000000e+00 : f32
    %broadcast_in_dim3A_781 = vector.broadcast %jit3A_780 : f32 to vector<16xf32>
    %select_n3A_782 = arith.select %lt3A_113, %mul3A_779, %broadcast_in_dim3A_781 : vector<16xi1>, vector<16xf32>
    %get3A_783 = arith.constant 32 : index
    %get3A_784 = tpu.vector_load %arg7[%get3A_783] {strides = array<i32>} : memref<1408xf32, #tpu.memory_space<vmem>>, vector<16xf32>,
    %get3A_785 = vector.shape_cast %get3A_784 : vector<16xf32> to vector<16xf32>
    %exp3A_786 = math.exp %get3A_785 : vector<16xf32>
    %mul3A_787 = arith.mulf %select_n3A_104, %get3A_33 : vector<16xf32>
    %sub3A_788 = arith.subf %exp3A_786, %mul3A_787 : vector<16xf32>
    %get3A_789 = arith.constant 48 : index
    %get3A_790 = tpu.vector_load %arg7[%get3A_789] {strides = array<i32>} : memref<1408xf32, #tpu.memory_space<vmem>>, vector<16xf32>,
    %get3A_791 = vector.shape_cast %get3A_790 : vector<16xf32> to vector<16xf32>
    %exp3A_792 = math.exp %get3A_791 : vector<16xf32>
    %mul3A_793 = arith.mulf %select_n3A_105, %get3A_36 : vector<16xf32>
    %sub3A_794 = arith.subf %exp3A_792, %mul3A_793 : vector<16xf32>
    %mul3A_795 = arith.mulf %sub3A_788, %sub3A_788 : vector<16xf32>
    %mul3A_796 = arith.mulf %sub3A_794, %sub3A_794 : vector<16xf32>
    %add3A_797 = arith.addf %mul3A_795, %mul3A_796 : vector<16xf32>
    %mul3A_798 = arith.constant 5.000000e-01 : f32
    %mul3A_799 = vector.broadcast %mul3A_798 : f32 to vector<16xf32>
    %mul3A_800 = arith.mulf %add3A_797, %mul3A_799 : vector<16xf32>
    %jit3A_801 = arith.constant 0.000000e+00 : f32
    %broadcast_in_dim3A_802 = vector.broadcast %jit3A_801 : f32 to vector<16xf32>
    %select_n3A_803 = arith.select %lt3A_113, %mul3A_800, %broadcast_in_dim3A_802 : vector<16xi1>, vector<16xf32>
    %scan3A = arith.constant 0 : i32
    %scan3A_804 = arith.constant 80 : i32
    %scan3A_805 = arith.addi %scan3A, %scan3A_804 : i32
    %scan3A_806 = arith.constant 1 : i32
    %scan3A_807 = scf.for %scan3A_1853 = %scan3A to %scan3A_805 step %scan3A_806 iter_args(%scan3A_1854 = %broadcast_in_dim3A_31) -> (vector<16xf32>)  : i32 {
      %mul3A_1855 = arith.constant 16 : i32
      %mul3A_1856 = arith.muli %mul3A_1855, %scan3A_1853 : i32
      %add3A_1857 = arith.constant 80 : i32
      %add3A_1858 = arith.addi %mul3A_1856, %add3A_1857 : i32
      %get3A_1859 = arith.index_cast %add3A_1858 : i32 to index
      %get3A_1860 = tpu.vector_load %arg7[%get3A_1859] {strides = array<i32>} : memref<1408xf32, #tpu.memory_space<vmem>>, vector<16xf32>,
      %get3A_1861 = vector.shape_cast %get3A_1860 : vector<16xf32> to vector<16xf32>
      %abs3A_1862 = math.absf %get3A_1861 : vector<16xf32>
      %neg3A_1863 = arith.constant 0.000000e+00 : f32
      %neg3A_1864 = vector.broadcast %neg3A_1863 : f32 to vector<16xf32>
      %neg3A_1865 = arith.subf %neg3A_1864, %abs3A_1862 : vector<16xf32>
      %exp3A_1866 = math.exp %neg3A_1865 : vector<16xf32>
      %broadcast_in_dim3A_1867 = arith.constant 0.00370507012 : f32
      %broadcast_in_dim3A_1868 = vector.broadcast %broadcast_in_dim3A_1867 : f32 to vector<16xf32>
      %mul3A_1869 = arith.mulf %broadcast_in_dim3A_1868, %exp3A_1866 : vector<16xf32>
      %add3A_1870 = arith.constant -0.0227476936 : f32
      %add3A_1871 = vector.broadcast %add3A_1870 : f32 to vector<16xf32>
      %add3A_1872 = arith.addf %mul3A_1869, %add3A_1871 : vector<16xf32>
      %mul3A_1873 = arith.mulf %add3A_1872, %exp3A_1866 : vector<16xf32>
      %add3A_1874 = arith.constant 0.065802522 : f32
      %add3A_1875 = vector.broadcast %add3A_1874 : f32 to vector<16xf32>
      %add3A_1876 = arith.addf %mul3A_1873, %add3A_1875 : vector<16xf32>
      %mul3A_1877 = arith.mulf %add3A_1876, %exp3A_1866 : vector<16xf32>
      %add3A_1878 = arith.constant -0.12435104 : f32
      %add3A_1879 = vector.broadcast %add3A_1878 : f32 to vector<16xf32>
      %add3A_1880 = arith.addf %mul3A_1877, %add3A_1879 : vector<16xf32>
      %mul3A_1881 = arith.mulf %add3A_1880, %exp3A_1866 : vector<16xf32>
      %add3A_1882 = arith.constant 0.184005305 : f32
      %add3A_1883 = vector.broadcast %add3A_1882 : f32 to vector<16xf32>
      %add3A_1884 = arith.addf %mul3A_1881, %add3A_1883 : vector<16xf32>
      %mul3A_1885 = arith.mulf %add3A_1884, %exp3A_1866 : vector<16xf32>
      %add3A_1886 = arith.constant -0.246055305 : f32
      %add3A_1887 = vector.broadcast %add3A_1886 : f32 to vector<16xf32>
      %add3A_1888 = arith.addf %mul3A_1885, %add3A_1887 : vector<16xf32>
      %mul3A_1889 = arith.mulf %add3A_1888, %exp3A_1866 : vector<16xf32>
      %add3A_1890 = arith.constant 3.327420e-01 : f32
      %add3A_1891 = vector.broadcast %add3A_1890 : f32 to vector<16xf32>
      %add3A_1892 = arith.addf %mul3A_1889, %add3A_1891 : vector<16xf32>
      %mul3A_1893 = arith.mulf %add3A_1892, %exp3A_1866 : vector<16xf32>
      %add3A_1894 = arith.constant -4.999520e-01 : f32
      %add3A_1895 = vector.broadcast %add3A_1894 : f32 to vector<16xf32>
      %add3A_1896 = arith.addf %mul3A_1893, %add3A_1895 : vector<16xf32>
      %mul3A_1897 = arith.mulf %add3A_1896, %exp3A_1866 : vector<16xf32>
      %add3A_1898 = arith.constant 0.999998331 : f32
      %add3A_1899 = vector.broadcast %add3A_1898 : f32 to vector<16xf32>
      %add3A_1900 = arith.addf %mul3A_1897, %add3A_1899 : vector<16xf32>
      %mul3A_1901 = arith.mulf %add3A_1900, %exp3A_1866 : vector<16xf32>
      %add3A_1902 = arith.constant 1.47702988E-8 : f32
      %add3A_1903 = vector.broadcast %add3A_1902 : f32 to vector<16xf32>
      %add3A_1904 = arith.addf %mul3A_1901, %add3A_1903 : vector<16xf32>
      %max3A_1905 = arith.constant 0.000000e+00 : f32
      %max3A_1906 = vector.broadcast %max3A_1905 : f32 to vector<16xf32>
      %max3A_1907 = arith.maximumf %get3A_1861, %max3A_1906 : vector<16xf32>
      %add3A_1908 = arith.addf %max3A_1907, %add3A_1904 : vector<16xf32>
      %min3A_1909 = arith.constant 1.000000e+02 : f32
      %min3A_1910 = vector.broadcast %min3A_1909 : f32 to vector<16xf32>
      %min3A_1911 = arith.minimumf %add3A_1908, %min3A_1910 : vector<16xf32>
      %add3A_1912 = arith.addf %scan3A_1854, %min3A_1911 : vector<16xf32>
      scf.yield %add3A_1912 : vector<16xf32>
    }
    %scan3A_808 = arith.constant 80 : i32
    %get3A_809 = arith.constant 1360 : index
    %get3A_810 = tpu.vector_load %arg7[%get3A_809] {strides = array<i32>} : memref<1408xf32, #tpu.memory_space<vmem>>, vector<16xf32>,
    %get3A_811 = vector.shape_cast %get3A_810 : vector<16xf32> to vector<16xf32>
    %abs3A = math.absf %get3A_811 : vector<16xf32>
    %neg3A_812 = arith.constant 0.000000e+00 : f32
    %neg3A_813 = vector.broadcast %neg3A_812 : f32 to vector<16xf32>
    %neg3A_814 = arith.subf %neg3A_813, %abs3A : vector<16xf32>
    %exp3A_815 = math.exp %neg3A_814 : vector<16xf32>
    %broadcast_in_dim3A_816 = arith.constant 0.00370507012 : f32
    %broadcast_in_dim3A_817 = vector.broadcast %broadcast_in_dim3A_816 : f32 to vector<16xf32>
    %mul3A_818 = arith.mulf %broadcast_in_dim3A_817, %exp3A_815 : vector<16xf32>
    %add3A_819 = arith.constant -0.0227476936 : f32
    %add3A_820 = vector.broadcast %add3A_819 : f32 to vector<16xf32>
    %add3A_821 = arith.addf %mul3A_818, %add3A_820 : vector<16xf32>
    %mul3A_822 = arith.mulf %add3A_821, %exp3A_815 : vector<16xf32>
    %add3A_823 = arith.constant 0.065802522 : f32
    %add3A_824 = vector.broadcast %add3A_823 : f32 to vector<16xf32>
    %add3A_825 = arith.addf %mul3A_822, %add3A_824 : vector<16xf32>
    %mul3A_826 = arith.mulf %add3A_825, %exp3A_815 : vector<16xf32>
    %add3A_827 = arith.constant -0.12435104 : f32
    %add3A_828 = vector.broadcast %add3A_827 : f32 to vector<16xf32>
    %add3A_829 = arith.addf %mul3A_826, %add3A_828 : vector<16xf32>
    %mul3A_830 = arith.mulf %add3A_829, %exp3A_815 : vector<16xf32>
    %add3A_831 = arith.constant 0.184005305 : f32
    %add3A_832 = vector.broadcast %add3A_831 : f32 to vector<16xf32>
    %add3A_833 = arith.addf %mul3A_830, %add3A_832 : vector<16xf32>
    %mul3A_834 = arith.mulf %add3A_833, %exp3A_815 : vector<16xf32>
    %add3A_835 = arith.constant -0.246055305 : f32
    %add3A_836 = vector.broadcast %add3A_835 : f32 to vector<16xf32>
    %add3A_837 = arith.addf %mul3A_834, %add3A_836 : vector<16xf32>
    %mul3A_838 = arith.mulf %add3A_837, %exp3A_815 : vector<16xf32>
    %add3A_839 = arith.constant 3.327420e-01 : f32
    %add3A_840 = vector.broadcast %add3A_839 : f32 to vector<16xf32>
    %add3A_841 = arith.addf %mul3A_838, %add3A_840 : vector<16xf32>
    %mul3A_842 = arith.mulf %add3A_841, %exp3A_815 : vector<16xf32>
    %add3A_843 = arith.constant -4.999520e-01 : f32
    %add3A_844 = vector.broadcast %add3A_843 : f32 to vector<16xf32>
    %add3A_845 = arith.addf %mul3A_842, %add3A_844 : vector<16xf32>
    %mul3A_846 = arith.mulf %add3A_845, %exp3A_815 : vector<16xf32>
    %add3A_847 = arith.constant 0.999998331 : f32
    %add3A_848 = vector.broadcast %add3A_847 : f32 to vector<16xf32>
    %add3A_849 = arith.addf %mul3A_846, %add3A_848 : vector<16xf32>
    %mul3A_850 = arith.mulf %add3A_849, %exp3A_815 : vector<16xf32>
    %add3A_851 = arith.constant 1.47702988E-8 : f32
    %add3A_852 = vector.broadcast %add3A_851 : f32 to vector<16xf32>
    %add3A_853 = arith.addf %mul3A_850, %add3A_852 : vector<16xf32>
    %max3A = arith.constant 0.000000e+00 : f32
    %max3A_854 = vector.broadcast %max3A : f32 to vector<16xf32>
    %max3A_855 = arith.maximumf %get3A_811, %max3A_854 : vector<16xf32>
    %add3A_856 = arith.addf %max3A_855, %add3A_853 : vector<16xf32>
    %min3A = arith.constant 1.000000e+02 : f32
    %min3A_857 = vector.broadcast %min3A : f32 to vector<16xf32>
    %min3A_858 = arith.minimumf %add3A_856, %min3A_857 : vector<16xf32>
    %neg3A_859 = arith.constant 0.000000e+00 : f32
    %neg3A_860 = vector.broadcast %neg3A_859 : f32 to vector<16xf32>
    %neg3A_861 = arith.subf %neg3A_860, %get3A_811 : vector<16xf32>
    %max3A_862 = arith.constant 0.000000e+00 : f32
    %max3A_863 = vector.broadcast %max3A_862 : f32 to vector<16xf32>
    %max3A_864 = arith.maximumf %neg3A_861, %max3A_863 : vector<16xf32>
    %add3A_865 = arith.addf %max3A_864, %add3A_853 : vector<16xf32>
    %min3A_866 = arith.constant 1.000000e+02 : f32
    %min3A_867 = vector.broadcast %min3A_866 : f32 to vector<16xf32>
    %min3A_868 = arith.minimumf %add3A_865, %min3A_867 : vector<16xf32>
    %add3A_869 = arith.addf %scan3A_807, %min3A_868 : vector<16xf32>
    %sub3A_870 = arith.subf %add3A_869, %min3A_858 : vector<16xf32>
    %jit3A_871 = arith.constant 0.000000e+00 : f32
    %broadcast_in_dim3A_872 = vector.broadcast %jit3A_871 : f32 to vector<16xf32>
    %select_n3A_873 = arith.select %lt3A_113, %sub3A_870, %broadcast_in_dim3A_872 : vector<16xi1>, vector<16xf32>
    %get3A_874 = arith.constant 64 : index
    %get3A_875 = tpu.vector_load %arg7[%get3A_874] {strides = array<i32>} : memref<1408xf32, #tpu.memory_space<vmem>>, vector<16xf32>,
    %get3A_876 = vector.shape_cast %get3A_875 : vector<16xf32> to vector<16xf32>
    %abs3A_877 = math.absf %get3A_876 : vector<16xf32>
    %neg3A_878 = arith.constant 0.000000e+00 : f32
    %neg3A_879 = vector.broadcast %neg3A_878 : f32 to vector<16xf32>
    %neg3A_880 = arith.subf %neg3A_879, %abs3A_877 : vector<16xf32>
    %exp3A_881 = math.exp %neg3A_880 : vector<16xf32>
    %broadcast_in_dim3A_882 = arith.constant 0.00370507012 : f32
    %broadcast_in_dim3A_883 = vector.broadcast %broadcast_in_dim3A_882 : f32 to vector<16xf32>
    %mul3A_884 = arith.mulf %broadcast_in_dim3A_883, %exp3A_881 : vector<16xf32>
    %add3A_885 = arith.constant -0.0227476936 : f32
    %add3A_886 = vector.broadcast %add3A_885 : f32 to vector<16xf32>
    %add3A_887 = arith.addf %mul3A_884, %add3A_886 : vector<16xf32>
    %mul3A_888 = arith.mulf %add3A_887, %exp3A_881 : vector<16xf32>
    %add3A_889 = arith.constant 0.065802522 : f32
    %add3A_890 = vector.broadcast %add3A_889 : f32 to vector<16xf32>
    %add3A_891 = arith.addf %mul3A_888, %add3A_890 : vector<16xf32>
    %mul3A_892 = arith.mulf %add3A_891, %exp3A_881 : vector<16xf32>
    %add3A_893 = arith.constant -0.12435104 : f32
    %add3A_894 = vector.broadcast %add3A_893 : f32 to vector<16xf32>
    %add3A_895 = arith.addf %mul3A_892, %add3A_894 : vector<16xf32>
    %mul3A_896 = arith.mulf %add3A_895, %exp3A_881 : vector<16xf32>
    %add3A_897 = arith.constant 0.184005305 : f32
    %add3A_898 = vector.broadcast %add3A_897 : f32 to vector<16xf32>
    %add3A_899 = arith.addf %mul3A_896, %add3A_898 : vector<16xf32>
    %mul3A_900 = arith.mulf %add3A_899, %exp3A_881 : vector<16xf32>
    %add3A_901 = arith.constant -0.246055305 : f32
    %add3A_902 = vector.broadcast %add3A_901 : f32 to vector<16xf32>
    %add3A_903 = arith.addf %mul3A_900, %add3A_902 : vector<16xf32>
    %mul3A_904 = arith.mulf %add3A_903, %exp3A_881 : vector<16xf32>
    %add3A_905 = arith.constant 3.327420e-01 : f32
    %add3A_906 = vector.broadcast %add3A_905 : f32 to vector<16xf32>
    %add3A_907 = arith.addf %mul3A_904, %add3A_906 : vector<16xf32>
    %mul3A_908 = arith.mulf %add3A_907, %exp3A_881 : vector<16xf32>
    %add3A_909 = arith.constant -4.999520e-01 : f32
    %add3A_910 = vector.broadcast %add3A_909 : f32 to vector<16xf32>
    %add3A_911 = arith.addf %mul3A_908, %add3A_910 : vector<16xf32>
    %mul3A_912 = arith.mulf %add3A_911, %exp3A_881 : vector<16xf32>
    %add3A_913 = arith.constant 0.999998331 : f32
    %add3A_914 = vector.broadcast %add3A_913 : f32 to vector<16xf32>
    %add3A_915 = arith.addf %mul3A_912, %add3A_914 : vector<16xf32>
    %mul3A_916 = arith.mulf %add3A_915, %exp3A_881 : vector<16xf32>
    %add3A_917 = arith.constant 1.47702988E-8 : f32
    %add3A_918 = vector.broadcast %add3A_917 : f32 to vector<16xf32>
    %add3A_919 = arith.addf %mul3A_916, %add3A_918 : vector<16xf32>
    %max3A_920 = arith.constant 0.000000e+00 : f32
    %max3A_921 = vector.broadcast %max3A_920 : f32 to vector<16xf32>
    %max3A_922 = arith.maximumf %get3A_876, %max3A_921 : vector<16xf32>
    %add3A_923 = arith.addf %max3A_922, %add3A_919 : vector<16xf32>
    %min3A_924 = arith.constant 1.000000e+02 : f32
    %min3A_925 = vector.broadcast %min3A_924 : f32 to vector<16xf32>
    %min3A_926 = arith.minimumf %add3A_923, %min3A_925 : vector<16xf32>
    %neg3A_927 = arith.constant 0.000000e+00 : f32
    %neg3A_928 = vector.broadcast %neg3A_927 : f32 to vector<16xf32>
    %neg3A_929 = arith.subf %neg3A_928, %get3A_876 : vector<16xf32>
    %max3A_930 = arith.constant 0.000000e+00 : f32
    %max3A_931 = vector.broadcast %max3A_930 : f32 to vector<16xf32>
    %max3A_932 = arith.maximumf %neg3A_929, %max3A_931 : vector<16xf32>
    %add3A_933 = arith.addf %max3A_932, %add3A_919 : vector<16xf32>
    %min3A_934 = arith.constant 1.000000e+02 : f32
    %min3A_935 = vector.broadcast %min3A_934 : f32 to vector<16xf32>
    %min3A_936 = arith.minimumf %add3A_933, %min3A_935 : vector<16xf32>
    %sub3A_937 = arith.constant -1 : i32
    %sub3A_938 = vector.broadcast %sub3A_937 : i32 to vector<16xi32>
    %sub3A_939 = arith.subi %sub3A_938, %iota3A : vector<16xi32>
    %select_n3A_940 = arith.select %lt3A_67, %add3A_61, %sub3A_939 : vector<16xi1>, vector<16xi32>
    %sub3A_941 = arith.constant -33 : i32
    %sub3A_942 = vector.broadcast %sub3A_941 : i32 to vector<16xi32>
    %sub3A_943 = arith.subi %sub3A_942, %iota3A : vector<16xi32>
    %select_n3A_944 = arith.select %lt3A_98, %add3A_92, %sub3A_943 : vector<16xi1>, vector<16xi32>
    %select_n3A_945 = arith.select %eq3A_100, %select_n3A_940, %select_n3A_944 : vector<16xi32>
    %select_n3A_946 = arith.select %eq3A_100, %select_n3A_944, %select_n3A_940 : vector<16xi32>
    %broadcast_in_dim3A_947 = arith.constant 1.000000e+00 : f32
    %broadcast_in_dim3A_948 = vector.broadcast %broadcast_in_dim3A_947 : f32 to vector<16xf32>
    %broadcast_in_dim3A_949 = arith.constant 1.000000e+00 : f32
    %broadcast_in_dim3A_950 = vector.broadcast %broadcast_in_dim3A_949 : f32 to vector<16xf32>
    %add3A_951 = arith.constant 0 : i32
    %add3A_952 = vector.broadcast %add3A_951 : i32 to vector<16xi32>
    %add3A_953 = arith.addi %iota3A, %add3A_952 : vector<16xi32>
    %and3A_954 = arith.constant 15 : i32
    %and3A_955 = vector.broadcast %and3A_954 : i32 to vector<16xi32>
    %and3A_956 = arith.andi %add3A_953, %and3A_955 : vector<16xi32>
    %lt3A_957 = arith.constant 0 : i32
    %lt3A_958 = vector.broadcast %lt3A_957 : i32 to vector<16xi32>
    %lt3A_959 = arith.cmpi slt, %and3A_956, %lt3A_958 : vector<16xi32>
    %add3A_960 = arith.constant 16 : i32
    %add3A_961 = vector.broadcast %add3A_960 : i32 to vector<16xi32>
    %add3A_962 = arith.addi %and3A_956, %add3A_961 : vector<16xi32>
    %select_n3A_963 = arith.select %lt3A_959, %add3A_962, %and3A_956 : vector<16xi1>, vector<16xi32>
    %broadcast_in_dim3A_964 = vector.shape_cast %select_n3A_963 : vector<16xi32> to vector<16x1xi32>
    %gather3A = vector.shape_cast %broadcast_in_dim3A_964 : vector<16x1xi32> to vector<16xi32>
    %gather3A_965 = tpu.dynamic_gather %select_n3A_946[%gather3A] in [0] : vector<16xi32>, vector<16xi32> -> vector<16xi32>
    %eq3A_966 = arith.cmpi eq, %select_n3A_945, %gather3A_965 : vector<16xi32>
    %jit3A_967 = arith.constant 0.000000e+00 : f32
    %broadcast_in_dim3A_968 = vector.broadcast %jit3A_967 : f32 to vector<16xf32>
    %select_n3A_969 = arith.select %eq3A_966, %broadcast_in_dim3A_950, %broadcast_in_dim3A_968 : vector<16xi1>, vector<16xf32>
    %add3A_970 = arith.addf %broadcast_in_dim3A_948, %select_n3A_969 : vector<16xf32>
    %add3A_971 = arith.constant 1 : i32
    %add3A_972 = vector.broadcast %add3A_971 : i32 to vector<16xi32>
    %add3A_973 = arith.addi %iota3A, %add3A_972 : vector<16xi32>
    %and3A_974 = arith.constant 15 : i32
    %and3A_975 = vector.broadcast %and3A_974 : i32 to vector<16xi32>
    %and3A_976 = arith.andi %add3A_973, %and3A_975 : vector<16xi32>
    %lt3A_977 = arith.constant 0 : i32
    %lt3A_978 = vector.broadcast %lt3A_977 : i32 to vector<16xi32>
    %lt3A_979 = arith.cmpi slt, %and3A_976, %lt3A_978 : vector<16xi32>
    %add3A_980 = arith.constant 16 : i32
    %add3A_981 = vector.broadcast %add3A_980 : i32 to vector<16xi32>
    %add3A_982 = arith.addi %and3A_976, %add3A_981 : vector<16xi32>
    %select_n3A_983 = arith.select %lt3A_979, %add3A_982, %and3A_976 : vector<16xi1>, vector<16xi32>
    %broadcast_in_dim3A_984 = vector.shape_cast %select_n3A_983 : vector<16xi32> to vector<16x1xi32>
    %gather3A_985 = vector.shape_cast %broadcast_in_dim3A_984 : vector<16x1xi32> to vector<16xi32>
    %gather3A_986 = tpu.dynamic_gather %select_n3A_945[%gather3A_985] in [0] : vector<16xi32>, vector<16xi32> -> vector<16xi32>
    %eq3A_987 = arith.cmpi eq, %select_n3A_945, %gather3A_986 : vector<16xi32>
    %jit3A_988 = arith.constant 0.000000e+00 : f32
    %broadcast_in_dim3A_989 = vector.broadcast %jit3A_988 : f32 to vector<16xf32>
    %select_n3A_990 = arith.select %eq3A_987, %broadcast_in_dim3A_950, %broadcast_in_dim3A_989 : vector<16xi1>, vector<16xf32>
    %add3A_991 = arith.addf %add3A_970, %select_n3A_990 : vector<16xf32>
    %add3A_992 = arith.constant 1 : i32
    %add3A_993 = vector.broadcast %add3A_992 : i32 to vector<16xi32>
    %add3A_994 = arith.addi %iota3A, %add3A_993 : vector<16xi32>
    %and3A_995 = arith.constant 15 : i32
    %and3A_996 = vector.broadcast %and3A_995 : i32 to vector<16xi32>
    %and3A_997 = arith.andi %add3A_994, %and3A_996 : vector<16xi32>
    %lt3A_998 = arith.constant 0 : i32
    %lt3A_999 = vector.broadcast %lt3A_998 : i32 to vector<16xi32>
    %lt3A_1000 = arith.cmpi slt, %and3A_997, %lt3A_999 : vector<16xi32>
    %add3A_1001 = arith.constant 16 : i32
    %add3A_1002 = vector.broadcast %add3A_1001 : i32 to vector<16xi32>
    %add3A_1003 = arith.addi %and3A_997, %add3A_1002 : vector<16xi32>
    %select_n3A_1004 = arith.select %lt3A_1000, %add3A_1003, %and3A_997 : vector<16xi1>, vector<16xi32>
    %broadcast_in_dim3A_1005 = vector.shape_cast %select_n3A_1004 : vector<16xi32> to vector<16x1xi32>
    %gather3A_1006 = vector.shape_cast %broadcast_in_dim3A_1005 : vector<16x1xi32> to vector<16xi32>
    %gather3A_1007 = tpu.dynamic_gather %select_n3A_946[%gather3A_1006] in [0] : vector<16xi32>, vector<16xi32> -> vector<16xi32>
    %eq3A_1008 = arith.cmpi eq, %select_n3A_945, %gather3A_1007 : vector<16xi32>
    %jit3A_1009 = arith.constant 0.000000e+00 : f32
    %broadcast_in_dim3A_1010 = vector.broadcast %jit3A_1009 : f32 to vector<16xf32>
    %select_n3A_1011 = arith.select %eq3A_1008, %broadcast_in_dim3A_950, %broadcast_in_dim3A_1010 : vector<16xi1>, vector<16xf32>
    %add3A_1012 = arith.addf %add3A_991, %select_n3A_1011 : vector<16xf32>
    %add3A_1013 = arith.constant 2 : i32
    %add3A_1014 = vector.broadcast %add3A_1013 : i32 to vector<16xi32>
    %add3A_1015 = arith.addi %iota3A, %add3A_1014 : vector<16xi32>
    %and3A_1016 = arith.constant 15 : i32
    %and3A_1017 = vector.broadcast %and3A_1016 : i32 to vector<16xi32>
    %and3A_1018 = arith.andi %add3A_1015, %and3A_1017 : vector<16xi32>
    %lt3A_1019 = arith.constant 0 : i32
    %lt3A_1020 = vector.broadcast %lt3A_1019 : i32 to vector<16xi32>
    %lt3A_1021 = arith.cmpi slt, %and3A_1018, %lt3A_1020 : vector<16xi32>
    %add3A_1022 = arith.constant 16 : i32
    %add3A_1023 = vector.broadcast %add3A_1022 : i32 to vector<16xi32>
    %add3A_1024 = arith.addi %and3A_1018, %add3A_1023 : vector<16xi32>
    %select_n3A_1025 = arith.select %lt3A_1021, %add3A_1024, %and3A_1018 : vector<16xi1>, vector<16xi32>
    %broadcast_in_dim3A_1026 = vector.shape_cast %select_n3A_1025 : vector<16xi32> to vector<16x1xi32>
    %gather3A_1027 = vector.shape_cast %broadcast_in_dim3A_1026 : vector<16x1xi32> to vector<16xi32>
    %gather3A_1028 = tpu.dynamic_gather %select_n3A_945[%gather3A_1027] in [0] : vector<16xi32>, vector<16xi32> -> vector<16xi32>
    %eq3A_1029 = arith.cmpi eq, %select_n3A_945, %gather3A_1028 : vector<16xi32>
    %jit3A_1030 = arith.constant 0.000000e+00 : f32
    %broadcast_in_dim3A_1031 = vector.broadcast %jit3A_1030 : f32 to vector<16xf32>
    %select_n3A_1032 = arith.select %eq3A_1029, %broadcast_in_dim3A_950, %broadcast_in_dim3A_1031 : vector<16xi1>, vector<16xf32>
    %add3A_1033 = arith.addf %add3A_1012, %select_n3A_1032 : vector<16xf32>
    %add3A_1034 = arith.constant 2 : i32
    %add3A_1035 = vector.broadcast %add3A_1034 : i32 to vector<16xi32>
    %add3A_1036 = arith.addi %iota3A, %add3A_1035 : vector<16xi32>
    %and3A_1037 = arith.constant 15 : i32
    %and3A_1038 = vector.broadcast %and3A_1037 : i32 to vector<16xi32>
    %and3A_1039 = arith.andi %add3A_1036, %and3A_1038 : vector<16xi32>
    %lt3A_1040 = arith.constant 0 : i32
    %lt3A_1041 = vector.broadcast %lt3A_1040 : i32 to vector<16xi32>
    %lt3A_1042 = arith.cmpi slt, %and3A_1039, %lt3A_1041 : vector<16xi32>
    %add3A_1043 = arith.constant 16 : i32
    %add3A_1044 = vector.broadcast %add3A_1043 : i32 to vector<16xi32>
    %add3A_1045 = arith.addi %and3A_1039, %add3A_1044 : vector<16xi32>
    %select_n3A_1046 = arith.select %lt3A_1042, %add3A_1045, %and3A_1039 : vector<16xi1>, vector<16xi32>
    %broadcast_in_dim3A_1047 = vector.shape_cast %select_n3A_1046 : vector<16xi32> to vector<16x1xi32>
    %gather3A_1048 = vector.shape_cast %broadcast_in_dim3A_1047 : vector<16x1xi32> to vector<16xi32>
    %gather3A_1049 = tpu.dynamic_gather %select_n3A_946[%gather3A_1048] in [0] : vector<16xi32>, vector<16xi32> -> vector<16xi32>
    %eq3A_1050 = arith.cmpi eq, %select_n3A_945, %gather3A_1049 : vector<16xi32>
    %jit3A_1051 = arith.constant 0.000000e+00 : f32
    %broadcast_in_dim3A_1052 = vector.broadcast %jit3A_1051 : f32 to vector<16xf32>
    %select_n3A_1053 = arith.select %eq3A_1050, %broadcast_in_dim3A_950, %broadcast_in_dim3A_1052 : vector<16xi1>, vector<16xf32>
    %add3A_1054 = arith.addf %add3A_1033, %select_n3A_1053 : vector<16xf32>
    %add3A_1055 = arith.constant 3 : i32
    %add3A_1056 = vector.broadcast %add3A_1055 : i32 to vector<16xi32>
    %add3A_1057 = arith.addi %iota3A, %add3A_1056 : vector<16xi32>
    %and3A_1058 = arith.constant 15 : i32
    %and3A_1059 = vector.broadcast %and3A_1058 : i32 to vector<16xi32>
    %and3A_1060 = arith.andi %add3A_1057, %and3A_1059 : vector<16xi32>
    %lt3A_1061 = arith.constant 0 : i32
    %lt3A_1062 = vector.broadcast %lt3A_1061 : i32 to vector<16xi32>
    %lt3A_1063 = arith.cmpi slt, %and3A_1060, %lt3A_1062 : vector<16xi32>
    %add3A_1064 = arith.constant 16 : i32
    %add3A_1065 = vector.broadcast %add3A_1064 : i32 to vector<16xi32>
    %add3A_1066 = arith.addi %and3A_1060, %add3A_1065 : vector<16xi32>
    %select_n3A_1067 = arith.select %lt3A_1063, %add3A_1066, %and3A_1060 : vector<16xi1>, vector<16xi32>
    %broadcast_in_dim3A_1068 = vector.shape_cast %select_n3A_1067 : vector<16xi32> to vector<16x1xi32>
    %gather3A_1069 = vector.shape_cast %broadcast_in_dim3A_1068 : vector<16x1xi32> to vector<16xi32>
    %gather3A_1070 = tpu.dynamic_gather %select_n3A_945[%gather3A_1069] in [0] : vector<16xi32>, vector<16xi32> -> vector<16xi32>
    %eq3A_1071 = arith.cmpi eq, %select_n3A_945, %gather3A_1070 : vector<16xi32>
    %jit3A_1072 = arith.constant 0.000000e+00 : f32
    %broadcast_in_dim3A_1073 = vector.broadcast %jit3A_1072 : f32 to vector<16xf32>
    %select_n3A_1074 = arith.select %eq3A_1071, %broadcast_in_dim3A_950, %broadcast_in_dim3A_1073 : vector<16xi1>, vector<16xf32>
    %add3A_1075 = arith.addf %add3A_1054, %select_n3A_1074 : vector<16xf32>
    %add3A_1076 = arith.constant 3 : i32
    %add3A_1077 = vector.broadcast %add3A_1076 : i32 to vector<16xi32>
    %add3A_1078 = arith.addi %iota3A, %add3A_1077 : vector<16xi32>
    %and3A_1079 = arith.constant 15 : i32
    %and3A_1080 = vector.broadcast %and3A_1079 : i32 to vector<16xi32>
    %and3A_1081 = arith.andi %add3A_1078, %and3A_1080 : vector<16xi32>
    %lt3A_1082 = arith.constant 0 : i32
    %lt3A_1083 = vector.broadcast %lt3A_1082 : i32 to vector<16xi32>
    %lt3A_1084 = arith.cmpi slt, %and3A_1081, %lt3A_1083 : vector<16xi32>
    %add3A_1085 = arith.constant 16 : i32
    %add3A_1086 = vector.broadcast %add3A_1085 : i32 to vector<16xi32>
    %add3A_1087 = arith.addi %and3A_1081, %add3A_1086 : vector<16xi32>
    %select_n3A_1088 = arith.select %lt3A_1084, %add3A_1087, %and3A_1081 : vector<16xi1>, vector<16xi32>
    %broadcast_in_dim3A_1089 = vector.shape_cast %select_n3A_1088 : vector<16xi32> to vector<16x1xi32>
    %gather3A_1090 = vector.shape_cast %broadcast_in_dim3A_1089 : vector<16x1xi32> to vector<16xi32>
    %gather3A_1091 = tpu.dynamic_gather %select_n3A_946[%gather3A_1090] in [0] : vector<16xi32>, vector<16xi32> -> vector<16xi32>
    %eq3A_1092 = arith.cmpi eq, %select_n3A_945, %gather3A_1091 : vector<16xi32>
    %jit3A_1093 = arith.constant 0.000000e+00 : f32
    %broadcast_in_dim3A_1094 = vector.broadcast %jit3A_1093 : f32 to vector<16xf32>
    %select_n3A_1095 = arith.select %eq3A_1092, %broadcast_in_dim3A_950, %broadcast_in_dim3A_1094 : vector<16xi1>, vector<16xf32>
    %add3A_1096 = arith.addf %add3A_1075, %select_n3A_1095 : vector<16xf32>
    %add3A_1097 = arith.constant 4 : i32
    %add3A_1098 = vector.broadcast %add3A_1097 : i32 to vector<16xi32>
    %add3A_1099 = arith.addi %iota3A, %add3A_1098 : vector<16xi32>
    %and3A_1100 = arith.constant 15 : i32
    %and3A_1101 = vector.broadcast %and3A_1100 : i32 to vector<16xi32>
    %and3A_1102 = arith.andi %add3A_1099, %and3A_1101 : vector<16xi32>
    %lt3A_1103 = arith.constant 0 : i32
    %lt3A_1104 = vector.broadcast %lt3A_1103 : i32 to vector<16xi32>
    %lt3A_1105 = arith.cmpi slt, %and3A_1102, %lt3A_1104 : vector<16xi32>
    %add3A_1106 = arith.constant 16 : i32
    %add3A_1107 = vector.broadcast %add3A_1106 : i32 to vector<16xi32>
    %add3A_1108 = arith.addi %and3A_1102, %add3A_1107 : vector<16xi32>
    %select_n3A_1109 = arith.select %lt3A_1105, %add3A_1108, %and3A_1102 : vector<16xi1>, vector<16xi32>
    %broadcast_in_dim3A_1110 = vector.shape_cast %select_n3A_1109 : vector<16xi32> to vector<16x1xi32>
    %gather3A_1111 = vector.shape_cast %broadcast_in_dim3A_1110 : vector<16x1xi32> to vector<16xi32>
    %gather3A_1112 = tpu.dynamic_gather %select_n3A_945[%gather3A_1111] in [0] : vector<16xi32>, vector<16xi32> -> vector<16xi32>
    %eq3A_1113 = arith.cmpi eq, %select_n3A_945, %gather3A_1112 : vector<16xi32>
    %jit3A_1114 = arith.constant 0.000000e+00 : f32
    %broadcast_in_dim3A_1115 = vector.broadcast %jit3A_1114 : f32 to vector<16xf32>
    %select_n3A_1116 = arith.select %eq3A_1113, %broadcast_in_dim3A_950, %broadcast_in_dim3A_1115 : vector<16xi1>, vector<16xf32>
    %add3A_1117 = arith.addf %add3A_1096, %select_n3A_1116 : vector<16xf32>
    %add3A_1118 = arith.constant 4 : i32
    %add3A_1119 = vector.broadcast %add3A_1118 : i32 to vector<16xi32>
    %add3A_1120 = arith.addi %iota3A, %add3A_1119 : vector<16xi32>
    %and3A_1121 = arith.constant 15 : i32
    %and3A_1122 = vector.broadcast %and3A_1121 : i32 to vector<16xi32>
    %and3A_1123 = arith.andi %add3A_1120, %and3A_1122 : vector<16xi32>
    %lt3A_1124 = arith.constant 0 : i32
    %lt3A_1125 = vector.broadcast %lt3A_1124 : i32 to vector<16xi32>
    %lt3A_1126 = arith.cmpi slt, %and3A_1123, %lt3A_1125 : vector<16xi32>
    %add3A_1127 = arith.constant 16 : i32
    %add3A_1128 = vector.broadcast %add3A_1127 : i32 to vector<16xi32>
    %add3A_1129 = arith.addi %and3A_1123, %add3A_1128 : vector<16xi32>
    %select_n3A_1130 = arith.select %lt3A_1126, %add3A_1129, %and3A_1123 : vector<16xi1>, vector<16xi32>
    %broadcast_in_dim3A_1131 = vector.shape_cast %select_n3A_1130 : vector<16xi32> to vector<16x1xi32>
    %gather3A_1132 = vector.shape_cast %broadcast_in_dim3A_1131 : vector<16x1xi32> to vector<16xi32>
    %gather3A_1133 = tpu.dynamic_gather %select_n3A_946[%gather3A_1132] in [0] : vector<16xi32>, vector<16xi32> -> vector<16xi32>
    %eq3A_1134 = arith.cmpi eq, %select_n3A_945, %gather3A_1133 : vector<16xi32>
    %jit3A_1135 = arith.constant 0.000000e+00 : f32
    %broadcast_in_dim3A_1136 = vector.broadcast %jit3A_1135 : f32 to vector<16xf32>
    %select_n3A_1137 = arith.select %eq3A_1134, %broadcast_in_dim3A_950, %broadcast_in_dim3A_1136 : vector<16xi1>, vector<16xf32>
    %add3A_1138 = arith.addf %add3A_1117, %select_n3A_1137 : vector<16xf32>
    %add3A_1139 = arith.constant 5 : i32
    %add3A_1140 = vector.broadcast %add3A_1139 : i32 to vector<16xi32>
    %add3A_1141 = arith.addi %iota3A, %add3A_1140 : vector<16xi32>
    %and3A_1142 = arith.constant 15 : i32
    %and3A_1143 = vector.broadcast %and3A_1142 : i32 to vector<16xi32>
    %and3A_1144 = arith.andi %add3A_1141, %and3A_1143 : vector<16xi32>
    %lt3A_1145 = arith.constant 0 : i32
    %lt3A_1146 = vector.broadcast %lt3A_1145 : i32 to vector<16xi32>
    %lt3A_1147 = arith.cmpi slt, %and3A_1144, %lt3A_1146 : vector<16xi32>
    %add3A_1148 = arith.constant 16 : i32
    %add3A_1149 = vector.broadcast %add3A_1148 : i32 to vector<16xi32>
    %add3A_1150 = arith.addi %and3A_1144, %add3A_1149 : vector<16xi32>
    %select_n3A_1151 = arith.select %lt3A_1147, %add3A_1150, %and3A_1144 : vector<16xi1>, vector<16xi32>
    %broadcast_in_dim3A_1152 = vector.shape_cast %select_n3A_1151 : vector<16xi32> to vector<16x1xi32>
    %gather3A_1153 = vector.shape_cast %broadcast_in_dim3A_1152 : vector<16x1xi32> to vector<16xi32>
    %gather3A_1154 = tpu.dynamic_gather %select_n3A_945[%gather3A_1153] in [0] : vector<16xi32>, vector<16xi32> -> vector<16xi32>
    %eq3A_1155 = arith.cmpi eq, %select_n3A_945, %gather3A_1154 : vector<16xi32>
    %jit3A_1156 = arith.constant 0.000000e+00 : f32
    %broadcast_in_dim3A_1157 = vector.broadcast %jit3A_1156 : f32 to vector<16xf32>
    %select_n3A_1158 = arith.select %eq3A_1155, %broadcast_in_dim3A_950, %broadcast_in_dim3A_1157 : vector<16xi1>, vector<16xf32>
    %add3A_1159 = arith.addf %add3A_1138, %select_n3A_1158 : vector<16xf32>
    %add3A_1160 = arith.constant 5 : i32
    %add3A_1161 = vector.broadcast %add3A_1160 : i32 to vector<16xi32>
    %add3A_1162 = arith.addi %iota3A, %add3A_1161 : vector<16xi32>
    %and3A_1163 = arith.constant 15 : i32
    %and3A_1164 = vector.broadcast %and3A_1163 : i32 to vector<16xi32>
    %and3A_1165 = arith.andi %add3A_1162, %and3A_1164 : vector<16xi32>
    %lt3A_1166 = arith.constant 0 : i32
    %lt3A_1167 = vector.broadcast %lt3A_1166 : i32 to vector<16xi32>
    %lt3A_1168 = arith.cmpi slt, %and3A_1165, %lt3A_1167 : vector<16xi32>
    %add3A_1169 = arith.constant 16 : i32
    %add3A_1170 = vector.broadcast %add3A_1169 : i32 to vector<16xi32>
    %add3A_1171 = arith.addi %and3A_1165, %add3A_1170 : vector<16xi32>
    %select_n3A_1172 = arith.select %lt3A_1168, %add3A_1171, %and3A_1165 : vector<16xi1>, vector<16xi32>
    %broadcast_in_dim3A_1173 = vector.shape_cast %select_n3A_1172 : vector<16xi32> to vector<16x1xi32>
    %gather3A_1174 = vector.shape_cast %broadcast_in_dim3A_1173 : vector<16x1xi32> to vector<16xi32>
    %gather3A_1175 = tpu.dynamic_gather %select_n3A_946[%gather3A_1174] in [0] : vector<16xi32>, vector<16xi32> -> vector<16xi32>
    %eq3A_1176 = arith.cmpi eq, %select_n3A_945, %gather3A_1175 : vector<16xi32>
    %jit3A_1177 = arith.constant 0.000000e+00 : f32
    %broadcast_in_dim3A_1178 = vector.broadcast %jit3A_1177 : f32 to vector<16xf32>
    %select_n3A_1179 = arith.select %eq3A_1176, %broadcast_in_dim3A_950, %broadcast_in_dim3A_1178 : vector<16xi1>, vector<16xf32>
    %add3A_1180 = arith.addf %add3A_1159, %select_n3A_1179 : vector<16xf32>
    %add3A_1181 = arith.constant 6 : i32
    %add3A_1182 = vector.broadcast %add3A_1181 : i32 to vector<16xi32>
    %add3A_1183 = arith.addi %iota3A, %add3A_1182 : vector<16xi32>
    %and3A_1184 = arith.constant 15 : i32
    %and3A_1185 = vector.broadcast %and3A_1184 : i32 to vector<16xi32>
    %and3A_1186 = arith.andi %add3A_1183, %and3A_1185 : vector<16xi32>
    %lt3A_1187 = arith.constant 0 : i32
    %lt3A_1188 = vector.broadcast %lt3A_1187 : i32 to vector<16xi32>
    %lt3A_1189 = arith.cmpi slt, %and3A_1186, %lt3A_1188 : vector<16xi32>
    %add3A_1190 = arith.constant 16 : i32
    %add3A_1191 = vector.broadcast %add3A_1190 : i32 to vector<16xi32>
    %add3A_1192 = arith.addi %and3A_1186, %add3A_1191 : vector<16xi32>
    %select_n3A_1193 = arith.select %lt3A_1189, %add3A_1192, %and3A_1186 : vector<16xi1>, vector<16xi32>
    %broadcast_in_dim3A_1194 = vector.shape_cast %select_n3A_1193 : vector<16xi32> to vector<16x1xi32>
    %gather3A_1195 = vector.shape_cast %broadcast_in_dim3A_1194 : vector<16x1xi32> to vector<16xi32>
    %gather3A_1196 = tpu.dynamic_gather %select_n3A_945[%gather3A_1195] in [0] : vector<16xi32>, vector<16xi32> -> vector<16xi32>
    %eq3A_1197 = arith.cmpi eq, %select_n3A_945, %gather3A_1196 : vector<16xi32>
    %jit3A_1198 = arith.constant 0.000000e+00 : f32
    %broadcast_in_dim3A_1199 = vector.broadcast %jit3A_1198 : f32 to vector<16xf32>
    %select_n3A_1200 = arith.select %eq3A_1197, %broadcast_in_dim3A_950, %broadcast_in_dim3A_1199 : vector<16xi1>, vector<16xf32>
    %add3A_1201 = arith.addf %add3A_1180, %select_n3A_1200 : vector<16xf32>
    %add3A_1202 = arith.constant 6 : i32
    %add3A_1203 = vector.broadcast %add3A_1202 : i32 to vector<16xi32>
    %add3A_1204 = arith.addi %iota3A, %add3A_1203 : vector<16xi32>
    %and3A_1205 = arith.constant 15 : i32
    %and3A_1206 = vector.broadcast %and3A_1205 : i32 to vector<16xi32>
    %and3A_1207 = arith.andi %add3A_1204, %and3A_1206 : vector<16xi32>
    %lt3A_1208 = arith.constant 0 : i32
    %lt3A_1209 = vector.broadcast %lt3A_1208 : i32 to vector<16xi32>
    %lt3A_1210 = arith.cmpi slt, %and3A_1207, %lt3A_1209 : vector<16xi32>
    %add3A_1211 = arith.constant 16 : i32
    %add3A_1212 = vector.broadcast %add3A_1211 : i32 to vector<16xi32>
    %add3A_1213 = arith.addi %and3A_1207, %add3A_1212 : vector<16xi32>
    %select_n3A_1214 = arith.select %lt3A_1210, %add3A_1213, %and3A_1207 : vector<16xi1>, vector<16xi32>
    %broadcast_in_dim3A_1215 = vector.shape_cast %select_n3A_1214 : vector<16xi32> to vector<16x1xi32>
    %gather3A_1216 = vector.shape_cast %broadcast_in_dim3A_1215 : vector<16x1xi32> to vector<16xi32>
    %gather3A_1217 = tpu.dynamic_gather %select_n3A_946[%gather3A_1216] in [0] : vector<16xi32>, vector<16xi32> -> vector<16xi32>
    %eq3A_1218 = arith.cmpi eq, %select_n3A_945, %gather3A_1217 : vector<16xi32>
    %jit3A_1219 = arith.constant 0.000000e+00 : f32
    %broadcast_in_dim3A_1220 = vector.broadcast %jit3A_1219 : f32 to vector<16xf32>
    %select_n3A_1221 = arith.select %eq3A_1218, %broadcast_in_dim3A_950, %broadcast_in_dim3A_1220 : vector<16xi1>, vector<16xf32>
    %add3A_1222 = arith.addf %add3A_1201, %select_n3A_1221 : vector<16xf32>
    %add3A_1223 = arith.constant 7 : i32
    %add3A_1224 = vector.broadcast %add3A_1223 : i32 to vector<16xi32>
    %add3A_1225 = arith.addi %iota3A, %add3A_1224 : vector<16xi32>
    %and3A_1226 = arith.constant 15 : i32
    %and3A_1227 = vector.broadcast %and3A_1226 : i32 to vector<16xi32>
    %and3A_1228 = arith.andi %add3A_1225, %and3A_1227 : vector<16xi32>
    %lt3A_1229 = arith.constant 0 : i32
    %lt3A_1230 = vector.broadcast %lt3A_1229 : i32 to vector<16xi32>
    %lt3A_1231 = arith.cmpi slt, %and3A_1228, %lt3A_1230 : vector<16xi32>
    %add3A_1232 = arith.constant 16 : i32
    %add3A_1233 = vector.broadcast %add3A_1232 : i32 to vector<16xi32>
    %add3A_1234 = arith.addi %and3A_1228, %add3A_1233 : vector<16xi32>
    %select_n3A_1235 = arith.select %lt3A_1231, %add3A_1234, %and3A_1228 : vector<16xi1>, vector<16xi32>
    %broadcast_in_dim3A_1236 = vector.shape_cast %select_n3A_1235 : vector<16xi32> to vector<16x1xi32>
    %gather3A_1237 = vector.shape_cast %broadcast_in_dim3A_1236 : vector<16x1xi32> to vector<16xi32>
    %gather3A_1238 = tpu.dynamic_gather %select_n3A_945[%gather3A_1237] in [0] : vector<16xi32>, vector<16xi32> -> vector<16xi32>
    %eq3A_1239 = arith.cmpi eq, %select_n3A_945, %gather3A_1238 : vector<16xi32>
    %jit3A_1240 = arith.constant 0.000000e+00 : f32
    %broadcast_in_dim3A_1241 = vector.broadcast %jit3A_1240 : f32 to vector<16xf32>
    %select_n3A_1242 = arith.select %eq3A_1239, %broadcast_in_dim3A_950, %broadcast_in_dim3A_1241 : vector<16xi1>, vector<16xf32>
    %add3A_1243 = arith.addf %add3A_1222, %select_n3A_1242 : vector<16xf32>
    %add3A_1244 = arith.constant 7 : i32
    %add3A_1245 = vector.broadcast %add3A_1244 : i32 to vector<16xi32>
    %add3A_1246 = arith.addi %iota3A, %add3A_1245 : vector<16xi32>
    %and3A_1247 = arith.constant 15 : i32
    %and3A_1248 = vector.broadcast %and3A_1247 : i32 to vector<16xi32>
    %and3A_1249 = arith.andi %add3A_1246, %and3A_1248 : vector<16xi32>
    %lt3A_1250 = arith.constant 0 : i32
    %lt3A_1251 = vector.broadcast %lt3A_1250 : i32 to vector<16xi32>
    %lt3A_1252 = arith.cmpi slt, %and3A_1249, %lt3A_1251 : vector<16xi32>
    %add3A_1253 = arith.constant 16 : i32
    %add3A_1254 = vector.broadcast %add3A_1253 : i32 to vector<16xi32>
    %add3A_1255 = arith.addi %and3A_1249, %add3A_1254 : vector<16xi32>
    %select_n3A_1256 = arith.select %lt3A_1252, %add3A_1255, %and3A_1249 : vector<16xi1>, vector<16xi32>
    %broadcast_in_dim3A_1257 = vector.shape_cast %select_n3A_1256 : vector<16xi32> to vector<16x1xi32>
    %gather3A_1258 = vector.shape_cast %broadcast_in_dim3A_1257 : vector<16x1xi32> to vector<16xi32>
    %gather3A_1259 = tpu.dynamic_gather %select_n3A_946[%gather3A_1258] in [0] : vector<16xi32>, vector<16xi32> -> vector<16xi32>
    %eq3A_1260 = arith.cmpi eq, %select_n3A_945, %gather3A_1259 : vector<16xi32>
    %jit3A_1261 = arith.constant 0.000000e+00 : f32
    %broadcast_in_dim3A_1262 = vector.broadcast %jit3A_1261 : f32 to vector<16xf32>
    %select_n3A_1263 = arith.select %eq3A_1260, %broadcast_in_dim3A_950, %broadcast_in_dim3A_1262 : vector<16xi1>, vector<16xf32>
    %add3A_1264 = arith.addf %add3A_1243, %select_n3A_1263 : vector<16xf32>
    %add3A_1265 = arith.constant 8 : i32
    %add3A_1266 = vector.broadcast %add3A_1265 : i32 to vector<16xi32>
    %add3A_1267 = arith.addi %iota3A, %add3A_1266 : vector<16xi32>
    %and3A_1268 = arith.constant 15 : i32
    %and3A_1269 = vector.broadcast %and3A_1268 : i32 to vector<16xi32>
    %and3A_1270 = arith.andi %add3A_1267, %and3A_1269 : vector<16xi32>
    %lt3A_1271 = arith.constant 0 : i32
    %lt3A_1272 = vector.broadcast %lt3A_1271 : i32 to vector<16xi32>
    %lt3A_1273 = arith.cmpi slt, %and3A_1270, %lt3A_1272 : vector<16xi32>
    %add3A_1274 = arith.constant 16 : i32
    %add3A_1275 = vector.broadcast %add3A_1274 : i32 to vector<16xi32>
    %add3A_1276 = arith.addi %and3A_1270, %add3A_1275 : vector<16xi32>
    %select_n3A_1277 = arith.select %lt3A_1273, %add3A_1276, %and3A_1270 : vector<16xi1>, vector<16xi32>
    %broadcast_in_dim3A_1278 = vector.shape_cast %select_n3A_1277 : vector<16xi32> to vector<16x1xi32>
    %gather3A_1279 = vector.shape_cast %broadcast_in_dim3A_1278 : vector<16x1xi32> to vector<16xi32>
    %gather3A_1280 = tpu.dynamic_gather %select_n3A_945[%gather3A_1279] in [0] : vector<16xi32>, vector<16xi32> -> vector<16xi32>
    %eq3A_1281 = arith.cmpi eq, %select_n3A_945, %gather3A_1280 : vector<16xi32>
    %jit3A_1282 = arith.constant 0.000000e+00 : f32
    %broadcast_in_dim3A_1283 = vector.broadcast %jit3A_1282 : f32 to vector<16xf32>
    %select_n3A_1284 = arith.select %eq3A_1281, %broadcast_in_dim3A_950, %broadcast_in_dim3A_1283 : vector<16xi1>, vector<16xf32>
    %add3A_1285 = arith.addf %add3A_1264, %select_n3A_1284 : vector<16xf32>
    %add3A_1286 = arith.constant 8 : i32
    %add3A_1287 = vector.broadcast %add3A_1286 : i32 to vector<16xi32>
    %add3A_1288 = arith.addi %iota3A, %add3A_1287 : vector<16xi32>
    %and3A_1289 = arith.constant 15 : i32
    %and3A_1290 = vector.broadcast %and3A_1289 : i32 to vector<16xi32>
    %and3A_1291 = arith.andi %add3A_1288, %and3A_1290 : vector<16xi32>
    %lt3A_1292 = arith.constant 0 : i32
    %lt3A_1293 = vector.broadcast %lt3A_1292 : i32 to vector<16xi32>
    %lt3A_1294 = arith.cmpi slt, %and3A_1291, %lt3A_1293 : vector<16xi32>
    %add3A_1295 = arith.constant 16 : i32
    %add3A_1296 = vector.broadcast %add3A_1295 : i32 to vector<16xi32>
    %add3A_1297 = arith.addi %and3A_1291, %add3A_1296 : vector<16xi32>
    %select_n3A_1298 = arith.select %lt3A_1294, %add3A_1297, %and3A_1291 : vector<16xi1>, vector<16xi32>
    %broadcast_in_dim3A_1299 = vector.shape_cast %select_n3A_1298 : vector<16xi32> to vector<16x1xi32>
    %gather3A_1300 = vector.shape_cast %broadcast_in_dim3A_1299 : vector<16x1xi32> to vector<16xi32>
    %gather3A_1301 = tpu.dynamic_gather %select_n3A_946[%gather3A_1300] in [0] : vector<16xi32>, vector<16xi32> -> vector<16xi32>
    %eq3A_1302 = arith.cmpi eq, %select_n3A_945, %gather3A_1301 : vector<16xi32>
    %jit3A_1303 = arith.constant 0.000000e+00 : f32
    %broadcast_in_dim3A_1304 = vector.broadcast %jit3A_1303 : f32 to vector<16xf32>
    %select_n3A_1305 = arith.select %eq3A_1302, %broadcast_in_dim3A_950, %broadcast_in_dim3A_1304 : vector<16xi1>, vector<16xf32>
    %add3A_1306 = arith.addf %add3A_1285, %select_n3A_1305 : vector<16xf32>
    %add3A_1307 = arith.constant 9 : i32
    %add3A_1308 = vector.broadcast %add3A_1307 : i32 to vector<16xi32>
    %add3A_1309 = arith.addi %iota3A, %add3A_1308 : vector<16xi32>
    %and3A_1310 = arith.constant 15 : i32
    %and3A_1311 = vector.broadcast %and3A_1310 : i32 to vector<16xi32>
    %and3A_1312 = arith.andi %add3A_1309, %and3A_1311 : vector<16xi32>
    %lt3A_1313 = arith.constant 0 : i32
    %lt3A_1314 = vector.broadcast %lt3A_1313 : i32 to vector<16xi32>
    %lt3A_1315 = arith.cmpi slt, %and3A_1312, %lt3A_1314 : vector<16xi32>
    %add3A_1316 = arith.constant 16 : i32
    %add3A_1317 = vector.broadcast %add3A_1316 : i32 to vector<16xi32>
    %add3A_1318 = arith.addi %and3A_1312, %add3A_1317 : vector<16xi32>
    %select_n3A_1319 = arith.select %lt3A_1315, %add3A_1318, %and3A_1312 : vector<16xi1>, vector<16xi32>
    %broadcast_in_dim3A_1320 = vector.shape_cast %select_n3A_1319 : vector<16xi32> to vector<16x1xi32>
    %gather3A_1321 = vector.shape_cast %broadcast_in_dim3A_1320 : vector<16x1xi32> to vector<16xi32>
    %gather3A_1322 = tpu.dynamic_gather %select_n3A_945[%gather3A_1321] in [0] : vector<16xi32>, vector<16xi32> -> vector<16xi32>
    %eq3A_1323 = arith.cmpi eq, %select_n3A_945, %gather3A_1322 : vector<16xi32>
    %jit3A_1324 = arith.constant 0.000000e+00 : f32
    %broadcast_in_dim3A_1325 = vector.broadcast %jit3A_1324 : f32 to vector<16xf32>
    %select_n3A_1326 = arith.select %eq3A_1323, %broadcast_in_dim3A_950, %broadcast_in_dim3A_1325 : vector<16xi1>, vector<16xf32>
    %add3A_1327 = arith.addf %add3A_1306, %select_n3A_1326 : vector<16xf32>
    %add3A_1328 = arith.constant 9 : i32
    %add3A_1329 = vector.broadcast %add3A_1328 : i32 to vector<16xi32>
    %add3A_1330 = arith.addi %iota3A, %add3A_1329 : vector<16xi32>
    %and3A_1331 = arith.constant 15 : i32
    %and3A_1332 = vector.broadcast %and3A_1331 : i32 to vector<16xi32>
    %and3A_1333 = arith.andi %add3A_1330, %and3A_1332 : vector<16xi32>
    %lt3A_1334 = arith.constant 0 : i32
    %lt3A_1335 = vector.broadcast %lt3A_1334 : i32 to vector<16xi32>
    %lt3A_1336 = arith.cmpi slt, %and3A_1333, %lt3A_1335 : vector<16xi32>
    %add3A_1337 = arith.constant 16 : i32
    %add3A_1338 = vector.broadcast %add3A_1337 : i32 to vector<16xi32>
    %add3A_1339 = arith.addi %and3A_1333, %add3A_1338 : vector<16xi32>
    %select_n3A_1340 = arith.select %lt3A_1336, %add3A_1339, %and3A_1333 : vector<16xi1>, vector<16xi32>
    %broadcast_in_dim3A_1341 = vector.shape_cast %select_n3A_1340 : vector<16xi32> to vector<16x1xi32>
    %gather3A_1342 = vector.shape_cast %broadcast_in_dim3A_1341 : vector<16x1xi32> to vector<16xi32>
    %gather3A_1343 = tpu.dynamic_gather %select_n3A_946[%gather3A_1342] in [0] : vector<16xi32>, vector<16xi32> -> vector<16xi32>
    %eq3A_1344 = arith.cmpi eq, %select_n3A_945, %gather3A_1343 : vector<16xi32>
    %jit3A_1345 = arith.constant 0.000000e+00 : f32
    %broadcast_in_dim3A_1346 = vector.broadcast %jit3A_1345 : f32 to vector<16xf32>
    %select_n3A_1347 = arith.select %eq3A_1344, %broadcast_in_dim3A_950, %broadcast_in_dim3A_1346 : vector<16xi1>, vector<16xf32>
    %add3A_1348 = arith.addf %add3A_1327, %select_n3A_1347 : vector<16xf32>
    %add3A_1349 = arith.constant 10 : i32
    %add3A_1350 = vector.broadcast %add3A_1349 : i32 to vector<16xi32>
    %add3A_1351 = arith.addi %iota3A, %add3A_1350 : vector<16xi32>
    %and3A_1352 = arith.constant 15 : i32
    %and3A_1353 = vector.broadcast %and3A_1352 : i32 to vector<16xi32>
    %and3A_1354 = arith.andi %add3A_1351, %and3A_1353 : vector<16xi32>
    %lt3A_1355 = arith.constant 0 : i32
    %lt3A_1356 = vector.broadcast %lt3A_1355 : i32 to vector<16xi32>
    %lt3A_1357 = arith.cmpi slt, %and3A_1354, %lt3A_1356 : vector<16xi32>
    %add3A_1358 = arith.constant 16 : i32
    %add3A_1359 = vector.broadcast %add3A_1358 : i32 to vector<16xi32>
    %add3A_1360 = arith.addi %and3A_1354, %add3A_1359 : vector<16xi32>
    %select_n3A_1361 = arith.select %lt3A_1357, %add3A_1360, %and3A_1354 : vector<16xi1>, vector<16xi32>
    %broadcast_in_dim3A_1362 = vector.shape_cast %select_n3A_1361 : vector<16xi32> to vector<16x1xi32>
    %gather3A_1363 = vector.shape_cast %broadcast_in_dim3A_1362 : vector<16x1xi32> to vector<16xi32>
    %gather3A_1364 = tpu.dynamic_gather %select_n3A_945[%gather3A_1363] in [0] : vector<16xi32>, vector<16xi32> -> vector<16xi32>
    %eq3A_1365 = arith.cmpi eq, %select_n3A_945, %gather3A_1364 : vector<16xi32>
    %jit3A_1366 = arith.constant 0.000000e+00 : f32
    %broadcast_in_dim3A_1367 = vector.broadcast %jit3A_1366 : f32 to vector<16xf32>
    %select_n3A_1368 = arith.select %eq3A_1365, %broadcast_in_dim3A_950, %broadcast_in_dim3A_1367 : vector<16xi1>, vector<16xf32>
    %add3A_1369 = arith.addf %add3A_1348, %select_n3A_1368 : vector<16xf32>
    %add3A_1370 = arith.constant 10 : i32
    %add3A_1371 = vector.broadcast %add3A_1370 : i32 to vector<16xi32>
    %add3A_1372 = arith.addi %iota3A, %add3A_1371 : vector<16xi32>
    %and3A_1373 = arith.constant 15 : i32
    %and3A_1374 = vector.broadcast %and3A_1373 : i32 to vector<16xi32>
    %and3A_1375 = arith.andi %add3A_1372, %and3A_1374 : vector<16xi32>
    %lt3A_1376 = arith.constant 0 : i32
    %lt3A_1377 = vector.broadcast %lt3A_1376 : i32 to vector<16xi32>
    %lt3A_1378 = arith.cmpi slt, %and3A_1375, %lt3A_1377 : vector<16xi32>
    %add3A_1379 = arith.constant 16 : i32
    %add3A_1380 = vector.broadcast %add3A_1379 : i32 to vector<16xi32>
    %add3A_1381 = arith.addi %and3A_1375, %add3A_1380 : vector<16xi32>
    %select_n3A_1382 = arith.select %lt3A_1378, %add3A_1381, %and3A_1375 : vector<16xi1>, vector<16xi32>
    %broadcast_in_dim3A_1383 = vector.shape_cast %select_n3A_1382 : vector<16xi32> to vector<16x1xi32>
    %gather3A_1384 = vector.shape_cast %broadcast_in_dim3A_1383 : vector<16x1xi32> to vector<16xi32>
    %gather3A_1385 = tpu.dynamic_gather %select_n3A_946[%gather3A_1384] in [0] : vector<16xi32>, vector<16xi32> -> vector<16xi32>
    %eq3A_1386 = arith.cmpi eq, %select_n3A_945, %gather3A_1385 : vector<16xi32>
    %jit3A_1387 = arith.constant 0.000000e+00 : f32
    %broadcast_in_dim3A_1388 = vector.broadcast %jit3A_1387 : f32 to vector<16xf32>
    %select_n3A_1389 = arith.select %eq3A_1386, %broadcast_in_dim3A_950, %broadcast_in_dim3A_1388 : vector<16xi1>, vector<16xf32>
    %add3A_1390 = arith.addf %add3A_1369, %select_n3A_1389 : vector<16xf32>
    %add3A_1391 = arith.constant 11 : i32
    %add3A_1392 = vector.broadcast %add3A_1391 : i32 to vector<16xi32>
    %add3A_1393 = arith.addi %iota3A, %add3A_1392 : vector<16xi32>
    %and3A_1394 = arith.constant 15 : i32
    %and3A_1395 = vector.broadcast %and3A_1394 : i32 to vector<16xi32>
    %and3A_1396 = arith.andi %add3A_1393, %and3A_1395 : vector<16xi32>
    %lt3A_1397 = arith.constant 0 : i32
    %lt3A_1398 = vector.broadcast %lt3A_1397 : i32 to vector<16xi32>
    %lt3A_1399 = arith.cmpi slt, %and3A_1396, %lt3A_1398 : vector<16xi32>
    %add3A_1400 = arith.constant 16 : i32
    %add3A_1401 = vector.broadcast %add3A_1400 : i32 to vector<16xi32>
    %add3A_1402 = arith.addi %and3A_1396, %add3A_1401 : vector<16xi32>
    %select_n3A_1403 = arith.select %lt3A_1399, %add3A_1402, %and3A_1396 : vector<16xi1>, vector<16xi32>
    %broadcast_in_dim3A_1404 = vector.shape_cast %select_n3A_1403 : vector<16xi32> to vector<16x1xi32>
    %gather3A_1405 = vector.shape_cast %broadcast_in_dim3A_1404 : vector<16x1xi32> to vector<16xi32>
    %gather3A_1406 = tpu.dynamic_gather %select_n3A_945[%gather3A_1405] in [0] : vector<16xi32>, vector<16xi32> -> vector<16xi32>
    %eq3A_1407 = arith.cmpi eq, %select_n3A_945, %gather3A_1406 : vector<16xi32>
    %jit3A_1408 = arith.constant 0.000000e+00 : f32
    %broadcast_in_dim3A_1409 = vector.broadcast %jit3A_1408 : f32 to vector<16xf32>
    %select_n3A_1410 = arith.select %eq3A_1407, %broadcast_in_dim3A_950, %broadcast_in_dim3A_1409 : vector<16xi1>, vector<16xf32>
    %add3A_1411 = arith.addf %add3A_1390, %select_n3A_1410 : vector<16xf32>
    %add3A_1412 = arith.constant 11 : i32
    %add3A_1413 = vector.broadcast %add3A_1412 : i32 to vector<16xi32>
    %add3A_1414 = arith.addi %iota3A, %add3A_1413 : vector<16xi32>
    %and3A_1415 = arith.constant 15 : i32
    %and3A_1416 = vector.broadcast %and3A_1415 : i32 to vector<16xi32>
    %and3A_1417 = arith.andi %add3A_1414, %and3A_1416 : vector<16xi32>
    %lt3A_1418 = arith.constant 0 : i32
    %lt3A_1419 = vector.broadcast %lt3A_1418 : i32 to vector<16xi32>
    %lt3A_1420 = arith.cmpi slt, %and3A_1417, %lt3A_1419 : vector<16xi32>
    %add3A_1421 = arith.constant 16 : i32
    %add3A_1422 = vector.broadcast %add3A_1421 : i32 to vector<16xi32>
    %add3A_1423 = arith.addi %and3A_1417, %add3A_1422 : vector<16xi32>
    %select_n3A_1424 = arith.select %lt3A_1420, %add3A_1423, %and3A_1417 : vector<16xi1>, vector<16xi32>
    %broadcast_in_dim3A_1425 = vector.shape_cast %select_n3A_1424 : vector<16xi32> to vector<16x1xi32>
    %gather3A_1426 = vector.shape_cast %broadcast_in_dim3A_1425 : vector<16x1xi32> to vector<16xi32>
    %gather3A_1427 = tpu.dynamic_gather %select_n3A_946[%gather3A_1426] in [0] : vector<16xi32>, vector<16xi32> -> vector<16xi32>
    %eq3A_1428 = arith.cmpi eq, %select_n3A_945, %gather3A_1427 : vector<16xi32>
    %jit3A_1429 = arith.constant 0.000000e+00 : f32
    %broadcast_in_dim3A_1430 = vector.broadcast %jit3A_1429 : f32 to vector<16xf32>
    %select_n3A_1431 = arith.select %eq3A_1428, %broadcast_in_dim3A_950, %broadcast_in_dim3A_1430 : vector<16xi1>, vector<16xf32>
    %add3A_1432 = arith.addf %add3A_1411, %select_n3A_1431 : vector<16xf32>
    %add3A_1433 = arith.constant 12 : i32
    %add3A_1434 = vector.broadcast %add3A_1433 : i32 to vector<16xi32>
    %add3A_1435 = arith.addi %iota3A, %add3A_1434 : vector<16xi32>
    %and3A_1436 = arith.constant 15 : i32
    %and3A_1437 = vector.broadcast %and3A_1436 : i32 to vector<16xi32>
    %and3A_1438 = arith.andi %add3A_1435, %and3A_1437 : vector<16xi32>
    %lt3A_1439 = arith.constant 0 : i32
    %lt3A_1440 = vector.broadcast %lt3A_1439 : i32 to vector<16xi32>
    %lt3A_1441 = arith.cmpi slt, %and3A_1438, %lt3A_1440 : vector<16xi32>
    %add3A_1442 = arith.constant 16 : i32
    %add3A_1443 = vector.broadcast %add3A_1442 : i32 to vector<16xi32>
    %add3A_1444 = arith.addi %and3A_1438, %add3A_1443 : vector<16xi32>
    %select_n3A_1445 = arith.select %lt3A_1441, %add3A_1444, %and3A_1438 : vector<16xi1>, vector<16xi32>
    %broadcast_in_dim3A_1446 = vector.shape_cast %select_n3A_1445 : vector<16xi32> to vector<16x1xi32>
    %gather3A_1447 = vector.shape_cast %broadcast_in_dim3A_1446 : vector<16x1xi32> to vector<16xi32>
    %gather3A_1448 = tpu.dynamic_gather %select_n3A_945[%gather3A_1447] in [0] : vector<16xi32>, vector<16xi32> -> vector<16xi32>
    %eq3A_1449 = arith.cmpi eq, %select_n3A_945, %gather3A_1448 : vector<16xi32>
    %jit3A_1450 = arith.constant 0.000000e+00 : f32
    %broadcast_in_dim3A_1451 = vector.broadcast %jit3A_1450 : f32 to vector<16xf32>
    %select_n3A_1452 = arith.select %eq3A_1449, %broadcast_in_dim3A_950, %broadcast_in_dim3A_1451 : vector<16xi1>, vector<16xf32>
    %add3A_1453 = arith.addf %add3A_1432, %select_n3A_1452 : vector<16xf32>
    %add3A_1454 = arith.constant 12 : i32
    %add3A_1455 = vector.broadcast %add3A_1454 : i32 to vector<16xi32>
    %add3A_1456 = arith.addi %iota3A, %add3A_1455 : vector<16xi32>
    %and3A_1457 = arith.constant 15 : i32
    %and3A_1458 = vector.broadcast %and3A_1457 : i32 to vector<16xi32>
    %and3A_1459 = arith.andi %add3A_1456, %and3A_1458 : vector<16xi32>
    %lt3A_1460 = arith.constant 0 : i32
    %lt3A_1461 = vector.broadcast %lt3A_1460 : i32 to vector<16xi32>
    %lt3A_1462 = arith.cmpi slt, %and3A_1459, %lt3A_1461 : vector<16xi32>
    %add3A_1463 = arith.constant 16 : i32
    %add3A_1464 = vector.broadcast %add3A_1463 : i32 to vector<16xi32>
    %add3A_1465 = arith.addi %and3A_1459, %add3A_1464 : vector<16xi32>
    %select_n3A_1466 = arith.select %lt3A_1462, %add3A_1465, %and3A_1459 : vector<16xi1>, vector<16xi32>
    %broadcast_in_dim3A_1467 = vector.shape_cast %select_n3A_1466 : vector<16xi32> to vector<16x1xi32>
    %gather3A_1468 = vector.shape_cast %broadcast_in_dim3A_1467 : vector<16x1xi32> to vector<16xi32>
    %gather3A_1469 = tpu.dynamic_gather %select_n3A_946[%gather3A_1468] in [0] : vector<16xi32>, vector<16xi32> -> vector<16xi32>
    %eq3A_1470 = arith.cmpi eq, %select_n3A_945, %gather3A_1469 : vector<16xi32>
    %jit3A_1471 = arith.constant 0.000000e+00 : f32
    %broadcast_in_dim3A_1472 = vector.broadcast %jit3A_1471 : f32 to vector<16xf32>
    %select_n3A_1473 = arith.select %eq3A_1470, %broadcast_in_dim3A_950, %broadcast_in_dim3A_1472 : vector<16xi1>, vector<16xf32>
    %add3A_1474 = arith.addf %add3A_1453, %select_n3A_1473 : vector<16xf32>
    %add3A_1475 = arith.constant 13 : i32
    %add3A_1476 = vector.broadcast %add3A_1475 : i32 to vector<16xi32>
    %add3A_1477 = arith.addi %iota3A, %add3A_1476 : vector<16xi32>
    %and3A_1478 = arith.constant 15 : i32
    %and3A_1479 = vector.broadcast %and3A_1478 : i32 to vector<16xi32>
    %and3A_1480 = arith.andi %add3A_1477, %and3A_1479 : vector<16xi32>
    %lt3A_1481 = arith.constant 0 : i32
    %lt3A_1482 = vector.broadcast %lt3A_1481 : i32 to vector<16xi32>
    %lt3A_1483 = arith.cmpi slt, %and3A_1480, %lt3A_1482 : vector<16xi32>
    %add3A_1484 = arith.constant 16 : i32
    %add3A_1485 = vector.broadcast %add3A_1484 : i32 to vector<16xi32>
    %add3A_1486 = arith.addi %and3A_1480, %add3A_1485 : vector<16xi32>
    %select_n3A_1487 = arith.select %lt3A_1483, %add3A_1486, %and3A_1480 : vector<16xi1>, vector<16xi32>
    %broadcast_in_dim3A_1488 = vector.shape_cast %select_n3A_1487 : vector<16xi32> to vector<16x1xi32>
    %gather3A_1489 = vector.shape_cast %broadcast_in_dim3A_1488 : vector<16x1xi32> to vector<16xi32>
    %gather3A_1490 = tpu.dynamic_gather %select_n3A_945[%gather3A_1489] in [0] : vector<16xi32>, vector<16xi32> -> vector<16xi32>
    %eq3A_1491 = arith.cmpi eq, %select_n3A_945, %gather3A_1490 : vector<16xi32>
    %jit3A_1492 = arith.constant 0.000000e+00 : f32
    %broadcast_in_dim3A_1493 = vector.broadcast %jit3A_1492 : f32 to vector<16xf32>
    %select_n3A_1494 = arith.select %eq3A_1491, %broadcast_in_dim3A_950, %broadcast_in_dim3A_1493 : vector<16xi1>, vector<16xf32>
    %add3A_1495 = arith.addf %add3A_1474, %select_n3A_1494 : vector<16xf32>
    %add3A_1496 = arith.constant 13 : i32
    %add3A_1497 = vector.broadcast %add3A_1496 : i32 to vector<16xi32>
    %add3A_1498 = arith.addi %iota3A, %add3A_1497 : vector<16xi32>
    %and3A_1499 = arith.constant 15 : i32
    %and3A_1500 = vector.broadcast %and3A_1499 : i32 to vector<16xi32>
    %and3A_1501 = arith.andi %add3A_1498, %and3A_1500 : vector<16xi32>
    %lt3A_1502 = arith.constant 0 : i32
    %lt3A_1503 = vector.broadcast %lt3A_1502 : i32 to vector<16xi32>
    %lt3A_1504 = arith.cmpi slt, %and3A_1501, %lt3A_1503 : vector<16xi32>
    %add3A_1505 = arith.constant 16 : i32
    %add3A_1506 = vector.broadcast %add3A_1505 : i32 to vector<16xi32>
    %add3A_1507 = arith.addi %and3A_1501, %add3A_1506 : vector<16xi32>
    %select_n3A_1508 = arith.select %lt3A_1504, %add3A_1507, %and3A_1501 : vector<16xi1>, vector<16xi32>
    %broadcast_in_dim3A_1509 = vector.shape_cast %select_n3A_1508 : vector<16xi32> to vector<16x1xi32>
    %gather3A_1510 = vector.shape_cast %broadcast_in_dim3A_1509 : vector<16x1xi32> to vector<16xi32>
    %gather3A_1511 = tpu.dynamic_gather %select_n3A_946[%gather3A_1510] in [0] : vector<16xi32>, vector<16xi32> -> vector<16xi32>
    %eq3A_1512 = arith.cmpi eq, %select_n3A_945, %gather3A_1511 : vector<16xi32>
    %jit3A_1513 = arith.constant 0.000000e+00 : f32
    %broadcast_in_dim3A_1514 = vector.broadcast %jit3A_1513 : f32 to vector<16xf32>
    %select_n3A_1515 = arith.select %eq3A_1512, %broadcast_in_dim3A_950, %broadcast_in_dim3A_1514 : vector<16xi1>, vector<16xf32>
    %add3A_1516 = arith.addf %add3A_1495, %select_n3A_1515 : vector<16xf32>
    %add3A_1517 = arith.constant 14 : i32
    %add3A_1518 = vector.broadcast %add3A_1517 : i32 to vector<16xi32>
    %add3A_1519 = arith.addi %iota3A, %add3A_1518 : vector<16xi32>
    %and3A_1520 = arith.constant 15 : i32
    %and3A_1521 = vector.broadcast %and3A_1520 : i32 to vector<16xi32>
    %and3A_1522 = arith.andi %add3A_1519, %and3A_1521 : vector<16xi32>
    %lt3A_1523 = arith.constant 0 : i32
    %lt3A_1524 = vector.broadcast %lt3A_1523 : i32 to vector<16xi32>
    %lt3A_1525 = arith.cmpi slt, %and3A_1522, %lt3A_1524 : vector<16xi32>
    %add3A_1526 = arith.constant 16 : i32
    %add3A_1527 = vector.broadcast %add3A_1526 : i32 to vector<16xi32>
    %add3A_1528 = arith.addi %and3A_1522, %add3A_1527 : vector<16xi32>
    %select_n3A_1529 = arith.select %lt3A_1525, %add3A_1528, %and3A_1522 : vector<16xi1>, vector<16xi32>
    %broadcast_in_dim3A_1530 = vector.shape_cast %select_n3A_1529 : vector<16xi32> to vector<16x1xi32>
    %gather3A_1531 = vector.shape_cast %broadcast_in_dim3A_1530 : vector<16x1xi32> to vector<16xi32>
    %gather3A_1532 = tpu.dynamic_gather %select_n3A_945[%gather3A_1531] in [0] : vector<16xi32>, vector<16xi32> -> vector<16xi32>
    %eq3A_1533 = arith.cmpi eq, %select_n3A_945, %gather3A_1532 : vector<16xi32>
    %jit3A_1534 = arith.constant 0.000000e+00 : f32
    %broadcast_in_dim3A_1535 = vector.broadcast %jit3A_1534 : f32 to vector<16xf32>
    %select_n3A_1536 = arith.select %eq3A_1533, %broadcast_in_dim3A_950, %broadcast_in_dim3A_1535 : vector<16xi1>, vector<16xf32>
    %add3A_1537 = arith.addf %add3A_1516, %select_n3A_1536 : vector<16xf32>
    %add3A_1538 = arith.constant 14 : i32
    %add3A_1539 = vector.broadcast %add3A_1538 : i32 to vector<16xi32>
    %add3A_1540 = arith.addi %iota3A, %add3A_1539 : vector<16xi32>
    %and3A_1541 = arith.constant 15 : i32
    %and3A_1542 = vector.broadcast %and3A_1541 : i32 to vector<16xi32>
    %and3A_1543 = arith.andi %add3A_1540, %and3A_1542 : vector<16xi32>
    %lt3A_1544 = arith.constant 0 : i32
    %lt3A_1545 = vector.broadcast %lt3A_1544 : i32 to vector<16xi32>
    %lt3A_1546 = arith.cmpi slt, %and3A_1543, %lt3A_1545 : vector<16xi32>
    %add3A_1547 = arith.constant 16 : i32
    %add3A_1548 = vector.broadcast %add3A_1547 : i32 to vector<16xi32>
    %add3A_1549 = arith.addi %and3A_1543, %add3A_1548 : vector<16xi32>
    %select_n3A_1550 = arith.select %lt3A_1546, %add3A_1549, %and3A_1543 : vector<16xi1>, vector<16xi32>
    %broadcast_in_dim3A_1551 = vector.shape_cast %select_n3A_1550 : vector<16xi32> to vector<16x1xi32>
    %gather3A_1552 = vector.shape_cast %broadcast_in_dim3A_1551 : vector<16x1xi32> to vector<16xi32>
    %gather3A_1553 = tpu.dynamic_gather %select_n3A_946[%gather3A_1552] in [0] : vector<16xi32>, vector<16xi32> -> vector<16xi32>
    %eq3A_1554 = arith.cmpi eq, %select_n3A_945, %gather3A_1553 : vector<16xi32>
    %jit3A_1555 = arith.constant 0.000000e+00 : f32
    %broadcast_in_dim3A_1556 = vector.broadcast %jit3A_1555 : f32 to vector<16xf32>
    %select_n3A_1557 = arith.select %eq3A_1554, %broadcast_in_dim3A_950, %broadcast_in_dim3A_1556 : vector<16xi1>, vector<16xf32>
    %add3A_1558 = arith.addf %add3A_1537, %select_n3A_1557 : vector<16xf32>
    %add3A_1559 = arith.constant 15 : i32
    %add3A_1560 = vector.broadcast %add3A_1559 : i32 to vector<16xi32>
    %add3A_1561 = arith.addi %iota3A, %add3A_1560 : vector<16xi32>
    %and3A_1562 = arith.constant 15 : i32
    %and3A_1563 = vector.broadcast %and3A_1562 : i32 to vector<16xi32>
    %and3A_1564 = arith.andi %add3A_1561, %and3A_1563 : vector<16xi32>
    %lt3A_1565 = arith.constant 0 : i32
    %lt3A_1566 = vector.broadcast %lt3A_1565 : i32 to vector<16xi32>
    %lt3A_1567 = arith.cmpi slt, %and3A_1564, %lt3A_1566 : vector<16xi32>
    %add3A_1568 = arith.constant 16 : i32
    %add3A_1569 = vector.broadcast %add3A_1568 : i32 to vector<16xi32>
    %add3A_1570 = arith.addi %and3A_1564, %add3A_1569 : vector<16xi32>
    %select_n3A_1571 = arith.select %lt3A_1567, %add3A_1570, %and3A_1564 : vector<16xi1>, vector<16xi32>
    %broadcast_in_dim3A_1572 = vector.shape_cast %select_n3A_1571 : vector<16xi32> to vector<16x1xi32>
    %gather3A_1573 = vector.shape_cast %broadcast_in_dim3A_1572 : vector<16x1xi32> to vector<16xi32>
    %gather3A_1574 = tpu.dynamic_gather %select_n3A_945[%gather3A_1573] in [0] : vector<16xi32>, vector<16xi32> -> vector<16xi32>
    %eq3A_1575 = arith.cmpi eq, %select_n3A_945, %gather3A_1574 : vector<16xi32>
    %jit3A_1576 = arith.constant 0.000000e+00 : f32
    %broadcast_in_dim3A_1577 = vector.broadcast %jit3A_1576 : f32 to vector<16xf32>
    %select_n3A_1578 = arith.select %eq3A_1575, %broadcast_in_dim3A_950, %broadcast_in_dim3A_1577 : vector<16xi1>, vector<16xf32>
    %add3A_1579 = arith.addf %add3A_1558, %select_n3A_1578 : vector<16xf32>
    %add3A_1580 = arith.constant 15 : i32
    %add3A_1581 = vector.broadcast %add3A_1580 : i32 to vector<16xi32>
    %add3A_1582 = arith.addi %iota3A, %add3A_1581 : vector<16xi32>
    %and3A_1583 = arith.constant 15 : i32
    %and3A_1584 = vector.broadcast %and3A_1583 : i32 to vector<16xi32>
    %and3A_1585 = arith.andi %add3A_1582, %and3A_1584 : vector<16xi32>
    %lt3A_1586 = arith.constant 0 : i32
    %lt3A_1587 = vector.broadcast %lt3A_1586 : i32 to vector<16xi32>
    %lt3A_1588 = arith.cmpi slt, %and3A_1585, %lt3A_1587 : vector<16xi32>
    %add3A_1589 = arith.constant 16 : i32
    %add3A_1590 = vector.broadcast %add3A_1589 : i32 to vector<16xi32>
    %add3A_1591 = arith.addi %and3A_1585, %add3A_1590 : vector<16xi32>
    %select_n3A_1592 = arith.select %lt3A_1588, %add3A_1591, %and3A_1585 : vector<16xi1>, vector<16xi32>
    %broadcast_in_dim3A_1593 = vector.shape_cast %select_n3A_1592 : vector<16xi32> to vector<16x1xi32>
    %gather3A_1594 = vector.shape_cast %broadcast_in_dim3A_1593 : vector<16x1xi32> to vector<16xi32>
    %gather3A_1595 = tpu.dynamic_gather %select_n3A_946[%gather3A_1594] in [0] : vector<16xi32>, vector<16xi32> -> vector<16xi32>
    %eq3A_1596 = arith.cmpi eq, %select_n3A_945, %gather3A_1595 : vector<16xi32>
    %jit3A_1597 = arith.constant 0.000000e+00 : f32
    %broadcast_in_dim3A_1598 = vector.broadcast %jit3A_1597 : f32 to vector<16xf32>
    %select_n3A_1599 = arith.select %eq3A_1596, %broadcast_in_dim3A_950, %broadcast_in_dim3A_1598 : vector<16xi1>, vector<16xf32>
    %add3A_1600 = arith.addf %add3A_1579, %select_n3A_1599 : vector<16xf32>
    %sub3A_1601 = arith.subf %min3A_936, %min3A_926 : vector<16xf32>
    %div3A_1602 = arith.divf %sub3A_1601, %add3A_1600 : vector<16xf32>
    %jit3A_1603 = arith.constant 0.000000e+00 : f32
    %broadcast_in_dim3A_1604 = vector.broadcast %jit3A_1603 : f32 to vector<16xf32>
    %select_n3A_1605 = arith.select %lt3A_113, %div3A_1602, %broadcast_in_dim3A_1604 : vector<16xi1>, vector<16xf32>
    %eq3A_1606 = arith.constant 1 : i32
    %eq3A_1607 = vector.broadcast %eq3A_1606 : i32 to vector<16xi32>
    %eq3A_1608 = arith.cmpi eq, %iota3A, %eq3A_1607 : vector<16xi32>
    %iota3A_1609 = tpu.iota {dimensions = array<i32: 0>} : vector<16xi32>
    %xor3A = arith.constant 1 : i32
    %xor3A_1610 = vector.broadcast %xor3A : i32 to vector<16xi32>
    %xor3A_1611 = arith.xori %iota3A_1609, %xor3A_1610 : vector<16xi32>
    %lt3A_1612 = arith.constant 0 : i32
    %lt3A_1613 = vector.broadcast %lt3A_1612 : i32 to vector<16xi32>
    %lt3A_1614 = arith.cmpi slt, %xor3A_1611, %lt3A_1613 : vector<16xi32>
    %add3A_1615 = arith.constant 16 : i32
    %add3A_1616 = vector.broadcast %add3A_1615 : i32 to vector<16xi32>
    %add3A_1617 = arith.addi %xor3A_1611, %add3A_1616 : vector<16xi32>
    %select_n3A_1618 = arith.select %lt3A_1614, %add3A_1617, %xor3A_1611 : vector<16xi1>, vector<16xi32>
    %broadcast_in_dim3A_1619 = vector.shape_cast %select_n3A_1618 : vector<16xi32> to vector<16x1xi32>
    %gather3A_1620 = vector.shape_cast %broadcast_in_dim3A_1619 : vector<16x1xi32> to vector<16xi32>
    %gather3A_1621 = tpu.dynamic_gather %select_n3A_782[%gather3A_1620] in [0] : vector<16xf32>, vector<16xi32> -> vector<16xf32>
    %add3A_1622 = arith.addf %select_n3A_782, %gather3A_1621 : vector<16xf32>
    %xor3A_1623 = arith.constant 2 : i32
    %xor3A_1624 = vector.broadcast %xor3A_1623 : i32 to vector<16xi32>
    %xor3A_1625 = arith.xori %iota3A_1609, %xor3A_1624 : vector<16xi32>
    %lt3A_1626 = arith.constant 0 : i32
    %lt3A_1627 = vector.broadcast %lt3A_1626 : i32 to vector<16xi32>
    %lt3A_1628 = arith.cmpi slt, %xor3A_1625, %lt3A_1627 : vector<16xi32>
    %add3A_1629 = arith.constant 16 : i32
    %add3A_1630 = vector.broadcast %add3A_1629 : i32 to vector<16xi32>
    %add3A_1631 = arith.addi %xor3A_1625, %add3A_1630 : vector<16xi32>
    %select_n3A_1632 = arith.select %lt3A_1628, %add3A_1631, %xor3A_1625 : vector<16xi1>, vector<16xi32>
    %broadcast_in_dim3A_1633 = vector.shape_cast %select_n3A_1632 : vector<16xi32> to vector<16x1xi32>
    %gather3A_1634 = vector.shape_cast %broadcast_in_dim3A_1633 : vector<16x1xi32> to vector<16xi32>
    %gather3A_1635 = tpu.dynamic_gather %add3A_1622[%gather3A_1634] in [0] : vector<16xf32>, vector<16xi32> -> vector<16xf32>
    %add3A_1636 = arith.addf %add3A_1622, %gather3A_1635 : vector<16xf32>
    %xor3A_1637 = arith.constant 4 : i32
    %xor3A_1638 = vector.broadcast %xor3A_1637 : i32 to vector<16xi32>
    %xor3A_1639 = arith.xori %iota3A_1609, %xor3A_1638 : vector<16xi32>
    %lt3A_1640 = arith.constant 0 : i32
    %lt3A_1641 = vector.broadcast %lt3A_1640 : i32 to vector<16xi32>
    %lt3A_1642 = arith.cmpi slt, %xor3A_1639, %lt3A_1641 : vector<16xi32>
    %add3A_1643 = arith.constant 16 : i32
    %add3A_1644 = vector.broadcast %add3A_1643 : i32 to vector<16xi32>
    %add3A_1645 = arith.addi %xor3A_1639, %add3A_1644 : vector<16xi32>
    %select_n3A_1646 = arith.select %lt3A_1642, %add3A_1645, %xor3A_1639 : vector<16xi1>, vector<16xi32>
    %broadcast_in_dim3A_1647 = vector.shape_cast %select_n3A_1646 : vector<16xi32> to vector<16x1xi32>
    %gather3A_1648 = vector.shape_cast %broadcast_in_dim3A_1647 : vector<16x1xi32> to vector<16xi32>
    %gather3A_1649 = tpu.dynamic_gather %add3A_1636[%gather3A_1648] in [0] : vector<16xf32>, vector<16xi32> -> vector<16xf32>
    %add3A_1650 = arith.addf %add3A_1636, %gather3A_1649 : vector<16xf32>
    %xor3A_1651 = arith.constant 8 : i32
    %xor3A_1652 = vector.broadcast %xor3A_1651 : i32 to vector<16xi32>
    %xor3A_1653 = arith.xori %iota3A_1609, %xor3A_1652 : vector<16xi32>
    %lt3A_1654 = arith.constant 0 : i32
    %lt3A_1655 = vector.broadcast %lt3A_1654 : i32 to vector<16xi32>
    %lt3A_1656 = arith.cmpi slt, %xor3A_1653, %lt3A_1655 : vector<16xi32>
    %add3A_1657 = arith.constant 16 : i32
    %add3A_1658 = vector.broadcast %add3A_1657 : i32 to vector<16xi32>
    %add3A_1659 = arith.addi %xor3A_1653, %add3A_1658 : vector<16xi32>
    %select_n3A_1660 = arith.select %lt3A_1656, %add3A_1659, %xor3A_1653 : vector<16xi1>, vector<16xi32>
    %broadcast_in_dim3A_1661 = vector.shape_cast %select_n3A_1660 : vector<16xi32> to vector<16x1xi32>
    %gather3A_1662 = vector.shape_cast %broadcast_in_dim3A_1661 : vector<16x1xi32> to vector<16xi32>
    %gather3A_1663 = tpu.dynamic_gather %add3A_1650[%gather3A_1662] in [0] : vector<16xf32>, vector<16xi32> -> vector<16xf32>
    %add3A_1664 = arith.addf %add3A_1650, %gather3A_1663 : vector<16xf32>
    %select_n3A_1665 = arith.select %eq3A_1608, %add3A_1664, %broadcast_in_dim3A_31 : vector<16xi1>, vector<16xf32>
    %eq3A_1666 = arith.constant 2 : i32
    %eq3A_1667 = vector.broadcast %eq3A_1666 : i32 to vector<16xi32>
    %eq3A_1668 = arith.cmpi eq, %iota3A, %eq3A_1667 : vector<16xi32>
    %iota3A_1669 = tpu.iota {dimensions = array<i32: 0>} : vector<16xi32>
    %xor3A_1670 = arith.constant 1 : i32
    %xor3A_1671 = vector.broadcast %xor3A_1670 : i32 to vector<16xi32>
    %xor3A_1672 = arith.xori %iota3A_1669, %xor3A_1671 : vector<16xi32>
    %lt3A_1673 = arith.constant 0 : i32
    %lt3A_1674 = vector.broadcast %lt3A_1673 : i32 to vector<16xi32>
    %lt3A_1675 = arith.cmpi slt, %xor3A_1672, %lt3A_1674 : vector<16xi32>
    %add3A_1676 = arith.constant 16 : i32
    %add3A_1677 = vector.broadcast %add3A_1676 : i32 to vector<16xi32>
    %add3A_1678 = arith.addi %xor3A_1672, %add3A_1677 : vector<16xi32>
    %select_n3A_1679 = arith.select %lt3A_1675, %add3A_1678, %xor3A_1672 : vector<16xi1>, vector<16xi32>
    %broadcast_in_dim3A_1680 = vector.shape_cast %select_n3A_1679 : vector<16xi32> to vector<16x1xi32>
    %gather3A_1681 = vector.shape_cast %broadcast_in_dim3A_1680 : vector<16x1xi32> to vector<16xi32>
    %gather3A_1682 = tpu.dynamic_gather %select_n3A_803[%gather3A_1681] in [0] : vector<16xf32>, vector<16xi32> -> vector<16xf32>
    %add3A_1683 = arith.addf %select_n3A_803, %gather3A_1682 : vector<16xf32>
    %xor3A_1684 = arith.constant 2 : i32
    %xor3A_1685 = vector.broadcast %xor3A_1684 : i32 to vector<16xi32>
    %xor3A_1686 = arith.xori %iota3A_1669, %xor3A_1685 : vector<16xi32>
    %lt3A_1687 = arith.constant 0 : i32
    %lt3A_1688 = vector.broadcast %lt3A_1687 : i32 to vector<16xi32>
    %lt3A_1689 = arith.cmpi slt, %xor3A_1686, %lt3A_1688 : vector<16xi32>
    %add3A_1690 = arith.constant 16 : i32
    %add3A_1691 = vector.broadcast %add3A_1690 : i32 to vector<16xi32>
    %add3A_1692 = arith.addi %xor3A_1686, %add3A_1691 : vector<16xi32>
    %select_n3A_1693 = arith.select %lt3A_1689, %add3A_1692, %xor3A_1686 : vector<16xi1>, vector<16xi32>
    %broadcast_in_dim3A_1694 = vector.shape_cast %select_n3A_1693 : vector<16xi32> to vector<16x1xi32>
    %gather3A_1695 = vector.shape_cast %broadcast_in_dim3A_1694 : vector<16x1xi32> to vector<16xi32>
    %gather3A_1696 = tpu.dynamic_gather %add3A_1683[%gather3A_1695] in [0] : vector<16xf32>, vector<16xi32> -> vector<16xf32>
    %add3A_1697 = arith.addf %add3A_1683, %gather3A_1696 : vector<16xf32>
    %xor3A_1698 = arith.constant 4 : i32
    %xor3A_1699 = vector.broadcast %xor3A_1698 : i32 to vector<16xi32>
    %xor3A_1700 = arith.xori %iota3A_1669, %xor3A_1699 : vector<16xi32>
    %lt3A_1701 = arith.constant 0 : i32
    %lt3A_1702 = vector.broadcast %lt3A_1701 : i32 to vector<16xi32>
    %lt3A_1703 = arith.cmpi slt, %xor3A_1700, %lt3A_1702 : vector<16xi32>
    %add3A_1704 = arith.constant 16 : i32
    %add3A_1705 = vector.broadcast %add3A_1704 : i32 to vector<16xi32>
    %add3A_1706 = arith.addi %xor3A_1700, %add3A_1705 : vector<16xi32>
    %select_n3A_1707 = arith.select %lt3A_1703, %add3A_1706, %xor3A_1700 : vector<16xi1>, vector<16xi32>
    %broadcast_in_dim3A_1708 = vector.shape_cast %select_n3A_1707 : vector<16xi32> to vector<16x1xi32>
    %gather3A_1709 = vector.shape_cast %broadcast_in_dim3A_1708 : vector<16x1xi32> to vector<16xi32>
    %gather3A_1710 = tpu.dynamic_gather %add3A_1697[%gather3A_1709] in [0] : vector<16xf32>, vector<16xi32> -> vector<16xf32>
    %add3A_1711 = arith.addf %add3A_1697, %gather3A_1710 : vector<16xf32>
    %xor3A_1712 = arith.constant 8 : i32
    %xor3A_1713 = vector.broadcast %xor3A_1712 : i32 to vector<16xi32>
    %xor3A_1714 = arith.xori %iota3A_1669, %xor3A_1713 : vector<16xi32>
    %lt3A_1715 = arith.constant 0 : i32
    %lt3A_1716 = vector.broadcast %lt3A_1715 : i32 to vector<16xi32>
    %lt3A_1717 = arith.cmpi slt, %xor3A_1714, %lt3A_1716 : vector<16xi32>
    %add3A_1718 = arith.constant 16 : i32
    %add3A_1719 = vector.broadcast %add3A_1718 : i32 to vector<16xi32>
    %add3A_1720 = arith.addi %xor3A_1714, %add3A_1719 : vector<16xi32>
    %select_n3A_1721 = arith.select %lt3A_1717, %add3A_1720, %xor3A_1714 : vector<16xi1>, vector<16xi32>
    %broadcast_in_dim3A_1722 = vector.shape_cast %select_n3A_1721 : vector<16xi32> to vector<16x1xi32>
    %gather3A_1723 = vector.shape_cast %broadcast_in_dim3A_1722 : vector<16x1xi32> to vector<16xi32>
    %gather3A_1724 = tpu.dynamic_gather %add3A_1711[%gather3A_1723] in [0] : vector<16xf32>, vector<16xi32> -> vector<16xf32>
    %add3A_1725 = arith.addf %add3A_1711, %gather3A_1724 : vector<16xf32>
    %select_n3A_1726 = arith.select %eq3A_1668, %add3A_1725, %select_n3A_1665 : vector<16xi1>, vector<16xf32>
    %eq3A_1727 = arith.constant 3 : i32
    %eq3A_1728 = vector.broadcast %eq3A_1727 : i32 to vector<16xi32>
    %eq3A_1729 = arith.cmpi eq, %iota3A, %eq3A_1728 : vector<16xi32>
    %iota3A_1730 = tpu.iota {dimensions = array<i32: 0>} : vector<16xi32>
    %xor3A_1731 = arith.constant 1 : i32
    %xor3A_1732 = vector.broadcast %xor3A_1731 : i32 to vector<16xi32>
    %xor3A_1733 = arith.xori %iota3A_1730, %xor3A_1732 : vector<16xi32>
    %lt3A_1734 = arith.constant 0 : i32
    %lt3A_1735 = vector.broadcast %lt3A_1734 : i32 to vector<16xi32>
    %lt3A_1736 = arith.cmpi slt, %xor3A_1733, %lt3A_1735 : vector<16xi32>
    %add3A_1737 = arith.constant 16 : i32
    %add3A_1738 = vector.broadcast %add3A_1737 : i32 to vector<16xi32>
    %add3A_1739 = arith.addi %xor3A_1733, %add3A_1738 : vector<16xi32>
    %select_n3A_1740 = arith.select %lt3A_1736, %add3A_1739, %xor3A_1733 : vector<16xi1>, vector<16xi32>
    %broadcast_in_dim3A_1741 = vector.shape_cast %select_n3A_1740 : vector<16xi32> to vector<16x1xi32>
    %gather3A_1742 = vector.shape_cast %broadcast_in_dim3A_1741 : vector<16x1xi32> to vector<16xi32>
    %gather3A_1743 = tpu.dynamic_gather %select_n3A_873[%gather3A_1742] in [0] : vector<16xf32>, vector<16xi32> -> vector<16xf32>
    %add3A_1744 = arith.addf %select_n3A_873, %gather3A_1743 : vector<16xf32>
    %xor3A_1745 = arith.constant 2 : i32
    %xor3A_1746 = vector.broadcast %xor3A_1745 : i32 to vector<16xi32>
    %xor3A_1747 = arith.xori %iota3A_1730, %xor3A_1746 : vector<16xi32>
    %lt3A_1748 = arith.constant 0 : i32
    %lt3A_1749 = vector.broadcast %lt3A_1748 : i32 to vector<16xi32>
    %lt3A_1750 = arith.cmpi slt, %xor3A_1747, %lt3A_1749 : vector<16xi32>
    %add3A_1751 = arith.constant 16 : i32
    %add3A_1752 = vector.broadcast %add3A_1751 : i32 to vector<16xi32>
    %add3A_1753 = arith.addi %xor3A_1747, %add3A_1752 : vector<16xi32>
    %select_n3A_1754 = arith.select %lt3A_1750, %add3A_1753, %xor3A_1747 : vector<16xi1>, vector<16xi32>
    %broadcast_in_dim3A_1755 = vector.shape_cast %select_n3A_1754 : vector<16xi32> to vector<16x1xi32>
    %gather3A_1756 = vector.shape_cast %broadcast_in_dim3A_1755 : vector<16x1xi32> to vector<16xi32>
    %gather3A_1757 = tpu.dynamic_gather %add3A_1744[%gather3A_1756] in [0] : vector<16xf32>, vector<16xi32> -> vector<16xf32>
    %add3A_1758 = arith.addf %add3A_1744, %gather3A_1757 : vector<16xf32>
    %xor3A_1759 = arith.constant 4 : i32
    %xor3A_1760 = vector.broadcast %xor3A_1759 : i32 to vector<16xi32>
    %xor3A_1761 = arith.xori %iota3A_1730, %xor3A_1760 : vector<16xi32>
    %lt3A_1762 = arith.constant 0 : i32
    %lt3A_1763 = vector.broadcast %lt3A_1762 : i32 to vector<16xi32>
    %lt3A_1764 = arith.cmpi slt, %xor3A_1761, %lt3A_1763 : vector<16xi32>
    %add3A_1765 = arith.constant 16 : i32
    %add3A_1766 = vector.broadcast %add3A_1765 : i32 to vector<16xi32>
    %add3A_1767 = arith.addi %xor3A_1761, %add3A_1766 : vector<16xi32>
    %select_n3A_1768 = arith.select %lt3A_1764, %add3A_1767, %xor3A_1761 : vector<16xi1>, vector<16xi32>
    %broadcast_in_dim3A_1769 = vector.shape_cast %select_n3A_1768 : vector<16xi32> to vector<16x1xi32>
    %gather3A_1770 = vector.shape_cast %broadcast_in_dim3A_1769 : vector<16x1xi32> to vector<16xi32>
    %gather3A_1771 = tpu.dynamic_gather %add3A_1758[%gather3A_1770] in [0] : vector<16xf32>, vector<16xi32> -> vector<16xf32>
    %add3A_1772 = arith.addf %add3A_1758, %gather3A_1771 : vector<16xf32>
    %xor3A_1773 = arith.constant 8 : i32
    %xor3A_1774 = vector.broadcast %xor3A_1773 : i32 to vector<16xi32>
    %xor3A_1775 = arith.xori %iota3A_1730, %xor3A_1774 : vector<16xi32>
    %lt3A_1776 = arith.constant 0 : i32
    %lt3A_1777 = vector.broadcast %lt3A_1776 : i32 to vector<16xi32>
    %lt3A_1778 = arith.cmpi slt, %xor3A_1775, %lt3A_1777 : vector<16xi32>
    %add3A_1779 = arith.constant 16 : i32
    %add3A_1780 = vector.broadcast %add3A_1779 : i32 to vector<16xi32>
    %add3A_1781 = arith.addi %xor3A_1775, %add3A_1780 : vector<16xi32>
    %select_n3A_1782 = arith.select %lt3A_1778, %add3A_1781, %xor3A_1775 : vector<16xi1>, vector<16xi32>
    %broadcast_in_dim3A_1783 = vector.shape_cast %select_n3A_1782 : vector<16xi32> to vector<16x1xi32>
    %gather3A_1784 = vector.shape_cast %broadcast_in_dim3A_1783 : vector<16x1xi32> to vector<16xi32>
    %gather3A_1785 = tpu.dynamic_gather %add3A_1772[%gather3A_1784] in [0] : vector<16xf32>, vector<16xi32> -> vector<16xf32>
    %add3A_1786 = arith.addf %add3A_1772, %gather3A_1785 : vector<16xf32>
    %select_n3A_1787 = arith.select %eq3A_1729, %add3A_1786, %select_n3A_1726 : vector<16xi1>, vector<16xf32>
    %eq3A_1788 = arith.constant 4 : i32
    %eq3A_1789 = vector.broadcast %eq3A_1788 : i32 to vector<16xi32>
    %eq3A_1790 = arith.cmpi eq, %iota3A, %eq3A_1789 : vector<16xi32>
    %iota3A_1791 = tpu.iota {dimensions = array<i32: 0>} : vector<16xi32>
    %xor3A_1792 = arith.constant 1 : i32
    %xor3A_1793 = vector.broadcast %xor3A_1792 : i32 to vector<16xi32>
    %xor3A_1794 = arith.xori %iota3A_1791, %xor3A_1793 : vector<16xi32>
    %lt3A_1795 = arith.constant 0 : i32
    %lt3A_1796 = vector.broadcast %lt3A_1795 : i32 to vector<16xi32>
    %lt3A_1797 = arith.cmpi slt, %xor3A_1794, %lt3A_1796 : vector<16xi32>
    %add3A_1798 = arith.constant 16 : i32
    %add3A_1799 = vector.broadcast %add3A_1798 : i32 to vector<16xi32>
    %add3A_1800 = arith.addi %xor3A_1794, %add3A_1799 : vector<16xi32>
    %select_n3A_1801 = arith.select %lt3A_1797, %add3A_1800, %xor3A_1794 : vector<16xi1>, vector<16xi32>
    %broadcast_in_dim3A_1802 = vector.shape_cast %select_n3A_1801 : vector<16xi32> to vector<16x1xi32>
    %gather3A_1803 = vector.shape_cast %broadcast_in_dim3A_1802 : vector<16x1xi32> to vector<16xi32>
    %gather3A_1804 = tpu.dynamic_gather %select_n3A_1605[%gather3A_1803] in [0] : vector<16xf32>, vector<16xi32> -> vector<16xf32>
    %add3A_1805 = arith.addf %select_n3A_1605, %gather3A_1804 : vector<16xf32>
    %xor3A_1806 = arith.constant 2 : i32
    %xor3A_1807 = vector.broadcast %xor3A_1806 : i32 to vector<16xi32>
    %xor3A_1808 = arith.xori %iota3A_1791, %xor3A_1807 : vector<16xi32>
    %lt3A_1809 = arith.constant 0 : i32
    %lt3A_1810 = vector.broadcast %lt3A_1809 : i32 to vector<16xi32>
    %lt3A_1811 = arith.cmpi slt, %xor3A_1808, %lt3A_1810 : vector<16xi32>
    %add3A_1812 = arith.constant 16 : i32
    %add3A_1813 = vector.broadcast %add3A_1812 : i32 to vector<16xi32>
    %add3A_1814 = arith.addi %xor3A_1808, %add3A_1813 : vector<16xi32>
    %select_n3A_1815 = arith.select %lt3A_1811, %add3A_1814, %xor3A_1808 : vector<16xi1>, vector<16xi32>
    %broadcast_in_dim3A_1816 = vector.shape_cast %select_n3A_1815 : vector<16xi32> to vector<16x1xi32>
    %gather3A_1817 = vector.shape_cast %broadcast_in_dim3A_1816 : vector<16x1xi32> to vector<16xi32>
    %gather3A_1818 = tpu.dynamic_gather %add3A_1805[%gather3A_1817] in [0] : vector<16xf32>, vector<16xi32> -> vector<16xf32>
    %add3A_1819 = arith.addf %add3A_1805, %gather3A_1818 : vector<16xf32>
    %xor3A_1820 = arith.constant 4 : i32
    %xor3A_1821 = vector.broadcast %xor3A_1820 : i32 to vector<16xi32>
    %xor3A_1822 = arith.xori %iota3A_1791, %xor3A_1821 : vector<16xi32>
    %lt3A_1823 = arith.constant 0 : i32
    %lt3A_1824 = vector.broadcast %lt3A_1823 : i32 to vector<16xi32>
    %lt3A_1825 = arith.cmpi slt, %xor3A_1822, %lt3A_1824 : vector<16xi32>
    %add3A_1826 = arith.constant 16 : i32
    %add3A_1827 = vector.broadcast %add3A_1826 : i32 to vector<16xi32>
    %add3A_1828 = arith.addi %xor3A_1822, %add3A_1827 : vector<16xi32>
    %select_n3A_1829 = arith.select %lt3A_1825, %add3A_1828, %xor3A_1822 : vector<16xi1>, vector<16xi32>
    %broadcast_in_dim3A_1830 = vector.shape_cast %select_n3A_1829 : vector<16xi32> to vector<16x1xi32>
    %gather3A_1831 = vector.shape_cast %broadcast_in_dim3A_1830 : vector<16x1xi32> to vector<16xi32>
    %gather3A_1832 = tpu.dynamic_gather %add3A_1819[%gather3A_1831] in [0] : vector<16xf32>, vector<16xi32> -> vector<16xf32>
    %add3A_1833 = arith.addf %add3A_1819, %gather3A_1832 : vector<16xf32>
    %xor3A_1834 = arith.constant 8 : i32
    %xor3A_1835 = vector.broadcast %xor3A_1834 : i32 to vector<16xi32>
    %xor3A_1836 = arith.xori %iota3A_1791, %xor3A_1835 : vector<16xi32>
    %lt3A_1837 = arith.constant 0 : i32
    %lt3A_1838 = vector.broadcast %lt3A_1837 : i32 to vector<16xi32>
    %lt3A_1839 = arith.cmpi slt, %xor3A_1836, %lt3A_1838 : vector<16xi32>
    %add3A_1840 = arith.constant 16 : i32
    %add3A_1841 = vector.broadcast %add3A_1840 : i32 to vector<16xi32>
    %add3A_1842 = arith.addi %xor3A_1836, %add3A_1841 : vector<16xi32>
    %select_n3A_1843 = arith.select %lt3A_1839, %add3A_1842, %xor3A_1836 : vector<16xi1>, vector<16xi32>
    %broadcast_in_dim3A_1844 = vector.shape_cast %select_n3A_1843 : vector<16xi32> to vector<16x1xi32>
    %gather3A_1845 = vector.shape_cast %broadcast_in_dim3A_1844 : vector<16x1xi32> to vector<16xi32>
    %gather3A_1846 = tpu.dynamic_gather %add3A_1833[%gather3A_1845] in [0] : vector<16xf32>, vector<16xi32> -> vector<16xf32>
    %add3A_1847 = arith.addf %add3A_1833, %gather3A_1846 : vector<16xf32>
    %select_n3A_1848 = arith.select %eq3A_1790, %add3A_1847, %select_n3A_1787 : vector<16xi1>, vector<16xf32>
    %swap3A_1849 = arith.constant 0 : index
    %swap3A_1850 = tpu.vector_load %arg10[%swap3A_1849] {strides = array<i32>} : memref<16xf32, #tpu.memory_space<vmem>>, vector<16xf32>,
    %swap3A_1851 = vector.shape_cast %swap3A_1850 : vector<16xf32> to vector<16xf32>
    %swap3A_1852 = vector.shape_cast %select_n3A_1848 : vector<16xf32> to vector<16xf32>
    tpu.vector_store %arg10[%swap3A_1849], %swap3A_1852 {strides = array<i32>} : memref<16xf32, #tpu.memory_space<vmem>>, vector<16xf32>,
    "tpu.region"() ({
      %run_scoped3A = tpu.sem_alloc : memref<!tpu.dma_semaphore, #tpu.memory_space<semaphore_mem>>
      %dma_start3A_1853 = arith.constant 0 : i32
      %dma_start3A_1854 = tpu.memref_slice %arg5[%add3A, %dma_start3A_1853] : memref<32x16xf32, #tpu.memory_space<hbm>> -> memref<1x16xf32, #tpu.memory_space<hbm>>
      %dma_start3A_1855 = tpu.memref_squeeze %dma_start3A_1854 : memref<1x16xf32, #tpu.memory_space<hbm>> -> memref<16xf32, #tpu.memory_space<hbm>>
      %dma_start3A_1856 = arith.constant 0 : i32
      %dma_start3A_1857 = tpu.memref_slice %arg5[%add3A, %dma_start3A_1856] : memref<32x16xf32, #tpu.memory_space<hbm>> -> memref<1x16xf32, #tpu.memory_space<hbm>>
      %dma_start3A_1858 = tpu.memref_squeeze %dma_start3A_1857 : memref<1x16xf32, #tpu.memory_space<hbm>> -> memref<16xf32, #tpu.memory_space<hbm>>
      tpu.enqueue_dma source(%arg10 : memref<16xf32, #tpu.memory_space<vmem>>) target(%dma_start3A_1858 : memref<16xf32, #tpu.memory_space<hbm>>) target_semaphore(%run_scoped3A : memref<!tpu.dma_semaphore, #tpu.memory_space<semaphore_mem>>)
      %dma_wait3A_1859 = arith.constant 0 : i32
      %dma_wait3A_1860 = tpu.memref_slice %arg5[%add3A, %dma_wait3A_1859] : memref<32x16xf32, #tpu.memory_space<hbm>> -> memref<1x16xf32, #tpu.memory_space<hbm>>
      %dma_wait3A_1861 = tpu.memref_squeeze %dma_wait3A_1860 : memref<1x16xf32, #tpu.memory_space<hbm>> -> memref<16xf32, #tpu.memory_space<hbm>>
      %dma_wait3A_1862 = arith.constant 0 : i32
      %dma_wait3A_1863 = tpu.memref_slice %arg5[%add3A, %dma_wait3A_1862] : memref<32x16xf32, #tpu.memory_space<hbm>> -> memref<1x16xf32, #tpu.memory_space<hbm>>
      %dma_wait3A_1864 = tpu.memref_squeeze %dma_wait3A_1863 : memref<1x16xf32, #tpu.memory_space<hbm>> -> memref<16xf32, #tpu.memory_space<hbm>>
      tpu.wait_dma2 semaphore(%run_scoped3A : memref<!tpu.dma_semaphore, #tpu.memory_space<semaphore_mem>>) src(%arg10 : memref<16xf32, #tpu.memory_space<vmem>>) dst(%dma_wait3A_1864 : memref<16xf32, #tpu.memory_space<hbm>>)
      tpu.yield
    }) : () -> ()
    return
  }
}

module attributes {stable_mosaic.version = 14 : i64} {
  func.func @body(%arg0: i32, %arg1: memref<1x16x1600xf32, #tpu.memory_space<vmem>>, %arg2: memref<1x1xf32, #tpu.memory_space<smem>>) attributes {dimension_semantics = [#tpu.dimension_semantics<arbitrary>], iteration_bounds = array<i64: 1>, scalar_prefetch = 0 : i64, scratch_operands = 0 : i64, tpu.core_type = #tpu.core_type<tc>, window_params = [{transform_indices = @transform_0, window_bounds = array<i64: 1, 16, 1600>}, {transform_indices = @transform_1, window_bounds = array<i64: 1, 1>}]} {
    %get3A = arith.constant 0 : index
    %get3A_0 = arith.constant 0 : index
    %get3A_1 = arith.constant 0 : index
    %get3A_2 = vector.load %arg1[%get3A, %get3A_0, %get3A_1] : memref<1x16x1600xf32, #tpu.memory_space<vmem>>, vector<1x16x1600xf32>
    %get3A_3 = vector.shape_cast %get3A_2 : vector<1x16x1600xf32> to vector<16x1600xf32>
    %abs3A = math.absf %get3A_3 : vector<16x1600xf32>
    %neg3A = arith.constant 0.000000e+00 : f32
    %neg3A_4 = vector.broadcast %neg3A : f32 to vector<16x1600xf32>
    %neg3A_5 = arith.subf %neg3A_4, %abs3A : vector<16x1600xf32>
    %exp3A = math.exp %neg3A_5 : vector<16x1600xf32>
    %log1p3A = math.log1p %exp3A : vector<16x1600xf32>
    %max3A = arith.constant 0.000000e+00 : f32
    %max3A_6 = vector.broadcast %max3A : f32 to vector<16x1600xf32>
    %max3A_7 = arith.maximumf %get3A_3, %max3A_6 : vector<16x1600xf32>
    %add3A = arith.addf %max3A_7, %log1p3A : vector<16x1600xf32>
    %min3A = arith.constant 1.000000e+02 : f32
    %min3A_8 = vector.broadcast %min3A : f32 to vector<16x1600xf32>
    %min3A_9 = arith.minimumf %add3A, %min3A_8 : vector<16x1600xf32>
    %reduce_sum3A = vector.shape_cast %min3A_9 : vector<16x1600xf32> to vector<1x16x1600xf32>
    %reduce_sum3A_10 = arith.constant dense<0.000000e+00> : vector<1xf32>
    %reduce_sum3A_11 = vector.multi_reduction <add>, %reduce_sum3A, %reduce_sum3A_10 [1, 2] : vector<1x16x1600xf32> to vector<1xf32>
    %reduce_sum3A_12 = vector.shape_cast %reduce_sum3A_11 : vector<1xf32> to vector<1x1x1xf32>
    %reduce_sum3A_13 = vector.extract %reduce_sum3A_12[0, 0, 0] : f32 from vector<1x1x1xf32>
    %swap3A = arith.constant 0 : index
    %swap3A_14 = arith.constant 0 : index
    %swap3A_15 = memref.load %arg2[%swap3A, %swap3A_14] : memref<1x1xf32, #tpu.memory_space<smem>>
    memref.store %reduce_sum3A_13, %arg2[%swap3A, %swap3A_14] : memref<1x1xf32, #tpu.memory_space<smem>>
    return
  }
  func.func @transform_0(%arg0: i32) -> (i32, i32, i32) {
    %c4_i32 = arith.constant 4 : i32
    %c0_i32 = arith.constant 0 : i32
    %c0_i32_0 = arith.constant 0 : i32
    %c0_i32_1 = arith.constant 0 : i32
    return %c4_i32, %c0_i32, %c0_i32_0 : i32, i32, i32
  }
  func.func @transform_1(%arg0: i32) -> (i32, i32) {
    %c0_i32 = arith.constant 0 : i32
    %c0_i32_0 = arith.constant 0 : i32
    %c0_i32_1 = arith.constant 0 : i32
    return %c0_i32, %c0_i32_0 : i32, i32
  }
}

</mosaic_0001>

<sc_bundles>
// kernel: kernel.4.cloned.1.call-start
scs
__scs_entry_jumppad:
0x0: {  	(pc) =	sbr.rel $0x88, $3  }
0x1: {  	(tag) =	ssettag $0x0;
	lr =	simm.s32 $0x1  }
0x2: {  	[smem:$0x3F9E] =	sst lr;
	_ =	strace $0xD0000000  }
0x3: {  	_ = 	snop  }
0x4: {  	_ = 	snop  }
0x5: {  	_ = 	snop  }
0x6: {  	_ = 	snop  }
0x7: {  	_ = 	snop  }
__scs_overlays_trampoline_lowered:
0x8: {  	[smem:$0x3FAD] =	sst s0  }
0x9: {  	[smem:$0x3FAE] =	sst s1  }
0xa: {  	[smem:$0x3FAF] =	sst s2  }
0xb: {  	[smem:$0x3FB0] =	sst s3  }
0xc: {  	[smem:$0x3FB1] =	sst s4  }
0xd: {  	[smem:$0x3FB2] =	sst s5  }
0xe: {  	[smem:$0x3FB3] =	sst s6  }
0xf: {  	[smem:$0x3FB4] =	sst s7  }
0x10: {  	[smem:$0x3FB5] =	sst s8  }
0x11: {  	[smem:$0x3FB6] =	sst s9;
	s0 =	simm.s32 @!p0 $0x0  }
0x12: {  	s1 =	sld [smem:$0x3F9C];
	s0 =	simm.s32 @p0 $0x1  }
0x13: {  	[smem:$0x3FB7] =	sst s0;
	s0 =	simm.s32 @!p1 $0x0  }
0x14: {  	s2 =	sld [smem:$0x3F9B];
	s0 =	simm.s32 @p1 $0x1  }
0x15: {  	[smem:$0x3FB8] =	sst s0;
	s0 =	simm.s32 @!p2 $0x0  }
0x16: {  	s3 =	sld [smem:$0x3FDB];
	s0 =	simm.s32 @p2 $0x1  }
0x17: {  	s4 =	simm.s32 $0x1BF5;
	[smem:$0x3FBA] =	sst s0  }
0x18: {  	s0 =	sld [smem:$0x3F9D];
	_ =	swait.ge [sflag:s4], $0x0  }
0x19: {  	s7 =	sld [smem:$0x3F9E]  }
0x1a: {  	s8 =	sadd.s32 $0xFFFFE003, lr  }
0x1b: {  	s9 =	sadd.s32 $0xFFFFFEF7, lr;
	s5 =	simm.s32 $0xFFFFFFFF;
	p2 =	slt.u32 s8, $0xFFFFF086  }
0x1c: {  	p1 =	slt.u32 s9, $0xF7A;
	s5 =	simm.s32 @!p2 $0x0  }
0x1d: {  	s5 =	simm.s32 @p1 $0x1;
	p0 =	seq.s32 s7, s2  }
0x1e: {  	s7 =	smul.u32 @!p0 $0xF7A, s2;
	p2 =	seq.s32 @!p0 s5, $0x0  }
0x1f: {  	s9 =	smul.u32 $0xF7A, s1;
	s8 =	simm.s32 @!p0 $0x1BF5;
	p2 =	por !p2, p0  }
0x20: {  	[sflag:s8] =	ssyncset.s32 @!p0 $0xFFFFF086;
	s6 =	sadd.s32 @!p0 s3, s7;
	s7 =	simm.s32 @!p0 $0x108  }
0x21: {  	s3 =	sadd.s32 s3, s9;
	s6 =	sadd.s32 @!p0 $0x88, s6;
	s7 =	simm.s32 @p2 $0x1082  }
0x22: {  	[simem:s7], [sflag:s8] =	dma.local @!p0 [hbm:s6], $0xF7A  }
0x23: {  	s9 =	sor.u32 $0xD0000000, s2;
	s6 =	simm.s32 $0x108;
	_ =	swait.ge @!p0 [sflag:s8], $0x0  }
0x24: {  	s3 =	sadd.s32 $0x88, s3;
	s6 =	simm.s32 @!p1 $0x1082;
	[sflag:s4] =	ssyncset.s32 $0xFFFFF086  }
0x25: {  	[simem:s6], [sflag:s4] =	dma.local [hbm:s3], $0xF7A  }
0x26: {  	[smem:$0x3F9E] =	sst s1;
	(tag) =	ssettag s2;
	_ =	strace s9  }
0x27: {  	s1 =	sld [smem:$0x3FAE]  }
0x28: {  	s2 =	sld [smem:$0x3FAF]  }
0x29: {  	s4 =	sld [smem:$0x3FB1]  }
0x2a: {  	p0 =	seq.s32 s5, $0x0;
	s5 =	sld [smem:$0x3FB2]  }
0x2b: {  	s6 =	sld [smem:$0x3FB3]  }
0x2c: {  	s7 =	sld [smem:$0x3FB4]  }
0x2d: {  	s3 =	simm.s32 $0x108;
	s8 =	sld [smem:$0x3FB5]  }
0x2e: {  	s3 =	simm.s32 @!p0 $0x1082;
	s9 =	sld [smem:$0x3FB6]  }
0x2f: {  	lr =	sadd.s32 s0, s3;
	s0 =	sld [smem:$0x3FAD]  }
0x30: {  	s3 =	sld [smem:$0x3FB0]  }
0x31: {  	[smem:$0x3FB9] =	sst s10  }
0x32: {  	s10 =	sld [smem:$0x3FB7];
	_ =	sdelay $0x3  }
0x33: {  	p0 =	seq.s32 s10, $0x1;
	s10 =	sld [smem:$0x3FB9];
	_ =	sdelay $0x3  }
0x34: {  	[smem:$0x3FB9] =	sst s10  }
0x35: {  	s10 =	sld [smem:$0x3FB8];
	_ =	sdelay $0x3  }
0x36: {  	p1 =	seq.s32 s10, $0x1;
	s10 =	sld [smem:$0x3FB9];
	_ =	sdelay $0x3  }
0x37: {  	[smem:$0x3FB9] =	sst s10  }
0x38: {  	s10 =	sld [smem:$0x3FBA]  }
0x39: {  	_ = 	snop;
	(pc) =	sbr.ind lr, $3  }
0x3a: {  	_ = 	snop  }
0x3b: {  	_ = 	snop  }
0x3c: {  	p2 =	seq.s32 s10, $0x1;
	s10 =	sld [smem:$0x3FB9]  }
0x3d: {  	_ =	shalt  }
0x3e: {  	_ =	shalt  }
0x3f: {  	_ =	shalt  }
0x40: {  	_ =	shalt  }
0x41: {  	_ =	shalt  }
0x42: {  	_ =	shalt  }
0x43: {  	_ =	shalt  }
0x44: {  	_ =	shalt  }
0x45: {  	_ =	shalt  }
0x46: {  	_ =	shalt  }
0x47: {  	_ =	shalt  }
0x48: {  	_ =	shalt  }
0x49: {  	_ =	shalt  }
0x4a: {  	_ =	shalt  }
0x4b: {  	_ =	shalt  }
0x4c: {  	_ =	shalt  }
0x4d: {  	_ =	shalt  }
0x4e: {  	_ =	shalt  }
0x4f: {  	_ =	shalt  }
0x50: {  	_ =	shalt  }
0x51: {  	_ =	shalt  }
0x52: {  	_ =	shalt  }
0x53: {  	_ =	shalt  }
0x54: {  	_ =	shalt  }
0x55: {  	_ =	shalt  }
0x56: {  	_ =	shalt  }
0x57: {  	_ =	shalt  }
0x58: {  	_ =	shalt  }
0x59: {  	_ =	shalt  }
0x5a: {  	_ =	shalt  }
0x5b: {  	_ =	shalt  }
0x5c: {  	_ =	shalt  }
0x5d: {  	_ =	shalt  }
0x5e: {  	_ =	shalt  }
0x5f: {  	_ =	shalt  }
0x60: {  	_ =	shalt  }
0x61: {  	_ =	shalt  }
0x62: {  	_ =	shalt  }
0x63: {  	_ =	shalt  }
0x64: {  	_ =	shalt  }
0x65: {  	_ =	shalt  }
0x66: {  	_ =	shalt  }
0x67: {  	_ =	shalt  }
0x68: {  	_ =	shalt  }
0x69: {  	_ =	shalt  }
0x6a: {  	_ =	shalt  }
0x6b: {  	_ =	shalt  }
0x6c: {  	_ =	shalt  }
0x6d: {  	_ =	shalt  }
0x6e: {  	_ =	shalt  }
0x6f: {  	_ =	shalt  }
0x70: {  	_ =	shalt  }
0x71: {  	_ =	shalt  }
0x72: {  	_ =	shalt  }
0x73: {  	_ =	shalt  }
0x74: {  	_ =	shalt  }
0x75: {  	_ =	shalt  }
0x76: {  	_ =	shalt  }
0x77: {  	_ =	shalt  }
0x78: {  	_ =	shalt  }
0x79: {  	_ =	shalt  }
0x7a: {  	_ =	shalt  }
0x7b: {  	_ =	shalt  }
0x7c: {  	_ =	shalt  }
0x7d: {  	_ =	shalt  }
0x7e: {  	_ =	shalt  }
0x7f: {  	_ =	shalt  }
0x80: {  	_ =	shalt  }
0x81: {  	_ =	shalt  }
0x82: {  	_ =	shalt  }
0x83: {  	_ =	shalt  }
0x84: {  	_ =	shalt  }
0x85: {  	_ =	shalt  }
0x86: {  	_ =	shalt  }
0x87: {  	_ =	shalt  }
.Lfunc_end0:
.L_simem_size_0:
called_computation_lowered:
.L_overlay_start_0:
0x88: {  	s2 =	sld [smem:$0x3FD9]  }
0x89: {  	s3 =	sld [smem:$0x3FFE];
	_ =	sdelay $0x1  }
0x8a: {  	s1 =	srdreg.scid  }
0x8b: {  	s0 =	sand.u32 $0x1, s1  }
0x8c: {  	s14 =	sshll.u32 s0, $0xA;
	s2 =	sadd.s32 s3, s2  }
0x8d: {  	s2 =	sadd.s32 s2, s14  }
0x8e: {  	[smem:$0x3FC5] =	sst s2  }
0x8f: {  	_ = 	snop  }
0x90: {  	s2 =	sld [smem:$0x3FD0];
	_ =	sdelay $0x2  }
0x91: {  	s15 =	simm.s32 $0xA;
	s4 =	simm.s32 $0x10  }
0x92: {  	[smem:s4], [sflag:s15] =	dma.local [hbm:s2], $0x1  }
0x93: {  	_ =	swait.eq [sflag:s15], $0x1  }
0x94: {  	[sflag:s15] =	ssyncset.done $0x0  }
0x95: {  	[sflag:s15] =	ssyncadd.s32 $0xFFFFFFFF  }
0x96: {  	s16 =	sld [smem:$0x12];
	(tm) =	ssettm $0x1  }
0x97: {  	s17 =	sld [smem:$0x3FFB];
	_ =	sdelay $0x3  }
0x98: {  	_ =	strace s17  }
0x99: {  	s3 =	sld [smem:$0x3FFC];
	_ =	sdelay $0x3  }
0x9a: {  	_ =	strace s3  }
0x9b: {  	s3 =	sld [smem:$0x3FFD];
	_ =	sdelay $0x3  }
0x9c: {  	_ =	strace s3  }
0x9d: {  	_ =	strace $0x8FFFFFFF  }
0x9e: {  	s18 =	sld [smem:$0x3FDB];
	_ =	sdelay $0x1  }
0x9f: {  	s19 =	simm.s32 $_scs_section_size  }
0xa0: {  	s5 =	simm.s32 $_size__tile_overlayer_lowered;
	s6 =	simm.s32 $_tile_overlayer_lowered  }
0xa1: {  	s22 =	simm.s32 $0x1BFF;
	s21 =	sshll.u32 s6, $0x1;
	s3 =	sadd.s32 s19, s18  }
0xa2: {  	s7 =	simm.s32 $0x0;
	s20 =	sshll.u32 s5, $0x1;
	s5 =	sadd.s32 s21, s3  }
0xa3: {  	[timem:s7], [sflag:s22] =	dma.local [hbm:s5], s20  }
0xa4: {  	_ =	swait.ge [sflag:s22], s20  }
0xa5: {  	s4 =	ssub.s32 $0x0, s20;
	[sflag:s22] =	ssyncset.done $0x0  }
0xa6: {  	[sflag:s22] =	ssyncadd.s32 s4;
	_ =	sdelay $0x1  }
0xa7: {  	s23 =	simm.s32 $0x1B8B  }
0xa8: {  	_ =	swait.ge [sflag:s23], $0x1  }
0xa9: {  	[sflag:s23] =	ssyncset.done $0x0  }
0xaa: {  	s25 =	simm.s32 $0x1B8E;
	s24 =	sld [smem:$0x3FFE];
	[sflag:s23] =	ssyncadd.s32 $0xFFFFFFFF  }
0xab: {  	s26 =	simm.s32 $execute0_lowered;
	[smem:$0x3FD2] =	sst s25  }
0xac: {  	s5 =	sshll.u32 s26, $0x1;
	_ =	strace $0x80000046;
	[dreg:$0x1] =	wrdreg $0xFFFFFFFF  }
0xad: {  	s28 =	simm.s32 $_size_execute0_lowered;
	s3 =	sadd.s32 s3, s5;
	[dreg:$0x0] =	wrdreg $0x0  }
0xae: {  	s5 =	sshll.u32 s28, $0x1;
	[dreg:$0x2] =	wrdreg s3  }
0xaf: {  	[dreg:$0x3] =	wrdreg s5  }
0xb0: {  	[dreg:$0x4] =	wrdreg $0xC0  }
0xb1: {  	_ =	task [dreg:s7], $0x5FFFF  }
0xb2: {  	[dreg:$0x1] =	wrdreg $0xFFFFFFFF  }
0xb3: {  	[dreg:$0x0] =	wrdreg $0x60  }
0xb4: {  	[dreg:$0x2] =	wrdreg s24  }
0xb5: {  	[dreg:$0x3] =	wrdreg s16  }
0xb6: {  	[dreg:$0x4] =	wrdreg $0x9  }
0xb7: {  	_ =	task.clear_ibuf [dreg:s7], $0x5FFFF;
	_ =	strace $0x90000046  }
0xb8: {  	s29 =	simm.s32 $0x9;
	_ =	strace $0x80000048  }
0xb9: {  	_ =	swait.ge [sflag:s29], $0x1  }
0xba: {  	[sflag:s29] =	ssyncadd.s32 $0xFFFFFFFF  }
0xbb: {  	_ =	strace $0x90000048  }
0xbc: {  	_ =	sfence  }
0xbd: {  	s30 =	sld [smem:$0x0];
	_ =	sdelay $0x2  }
0xbe: {  	s31 =	sshll.u32 s1, $0xD;
	s1 =	sshrl.u32 s1, $0x2  }
0xbf: {  	s3 =	sand.u32 $0x4000, s31;
	s1 =	sadd.s32 s1, s30  }
0xc0: {  	s0 =	sor.u32 s3, s0;
	s1 =	sshll.u32 s1, $0x11  }
0xc1: {  	s0 =	sor.u32 s1, s0  }
0xc2: {  	s0 =	sadd.s32 $0x8F2B, s0  }
0xc3: {  	[sflag:s0] =	ssyncadd.remote.s32 $0x1  }
0xc4: {  	_ =	sfence.sel $0xFFFF  }
0xc5: {  	[dreg:$0x0] =	wrdreg $0xFFFFFFFF;
	(pc) =	sbr.abs _section_cstart, $3  }
0xc6: {  	[dreg:$0x1] =	wrdreg $0xFFFFFFFF  }
0xc7: {  	_ =	task.clear_ibuf [dreg:s7], $0x2FFFF;
	_ =	strace $0x9FFFFFFF  }
0xc8: {  	(tm) =	ssettm $0x7FFFFFFF  }
0xc9: {  	_ =	shalt  }
tec
execute0_lowered:
.L_overlay_start_1:
0x0: {  	(tag) =	ssettag $0x1  }
0x1: {  	v0 =	vlaneseq.u32;
	v4 =	vimm.s32 $0xFEDCBA9  }
0x2: {  	v5 =	vimm.s32 $0x87654321;
	v6 =	vimm.s32 $0xFFFFFFD0;
	vm1 =	vcmask $0x3B38  }
0x3: {  	v10 =	vimm.s32 $0x43210FED;
	v11 =	vimm.s32 $0xCBA98765;
	v25 =	vimm.s32 $0xFEDCBA98  }
0x4: {  	v27 =	vimm.s32 $0x76543210;
	v61 =	vimm.s32 $0xBA98FEDC;
	v62 =	vimm.s32 $0x32107654  }
0x5: {  	s1 =	srdreg.scid;
	vm2 =	vcmask $0x314;
	vm3 =	vcmask $0x714;
	vm4 =	vcmask $0xB14  }
0x6: {  	vm5 =	vcmask $0xF14;
	s9 =	sand.u32 $0x1, s1;
	v2 =	vmul.u32 $0xFFFFFFFF, v0;
	v4 =	vunpack.c.l.s4.s8 v4  }
0x7: {  	v5 =	vunpack.c.l.s4.s8 v5;
	v10 =	vunpack.c.l.s4.s8 v10;
	v25 =	vunpack.c.l.s4.s8 v25;
	s2 =	sshll.u32 s9, $0x4  }
0x8: {  	v27 =	vunpack.c.l.s4.s8 v27;
	v3 =	vmov s2;
	v2 =	vadd.s32 $0x1E, v2  }
0x9: {  	s0 =	stileid.u32;
	v12 =	vunpack.c.0.s8.s32 v4;
	v4 =	vimm.s32 $0x10FEDCBA;
	v13 =	vunpack.c.0.s8.s32 v5  }
0xa: {  	s29 =	sshll.u32 s0, $0x1;
	v21 =	vunpack.c.0.s8.s32 v10;
	v59 =	vunpack.c.0.s8.s32 v27;
	vm0 =	vlt.u32 v3, v2  }
0xb: {  	s6 =	sor.u32 s9, s29;
	v2 =	vimm.s32 $0x4;
	v5 =	vunpack.c.l.s4.s8 v4;
	v4 =	vimm.s32 $0x98765432  }
0xc: {  	p1 =	seq.s32 s9, $0x1;
	p0 =	seq.s32 s6, $0x0;
	v3 =	vimm.f32 $1.000000000e+00;
	v7 =	vunpack.c.l.s4.s8 v4;
	v4 =	vsel vm1, $0xFFFFFFD1, v6  }
0xd: {  	p0 =	por !p0, !p1;
	v6 =	vcombine.low v13, v12;
	vm1 =	vmmov $0x3fff;
	v60 =	vcombine.low v12, v13  }
0xe: {  	s1 =	simm.s32 $0x1;
	p0 =	por !p0, !p0;
	v14 =	vunpack.c.0.s8.s32 v5;
	v5 =	vimm.s32 $0x210FEDCB;
	v15 =	vunpack.c.0.s8.s32 v7  }
0xf: {  	s1 =	simm.s32 @!p0 $0x0;
	v7 =	vimm.s32 $0xA9876543;
	v8 =	vunpack.c.l.s4.s8 v5;
	v5 =	vand.u32 $0xF, v6  }
0x10: {  	s4 =	ssub.s32 s0, s1;
	v6 =	vimm.f32 $0.0e+00;
	v7 =	vunpack.c.l.s4.s8 v7;
	v9 =	vcombine.low v15, v14  }
0x11: {  	s1 =	smul.u32 $0x640, s4;
	v16 =	vunpack.c.0.s8.s32 v8;
	v8 =	vimm.s32 $0xBA987654;
	v15 =	vcombine.low v14, v15  }
0x12: {  	v17 =	vunpack.c.0.s8.s32 v7;
	v7 =	vimm.s32 $0x3210FEDC;
	v8 =	vunpack.c.l.s4.s8 v8  }
0x13: {  	v14 =	vand.u32 $0xF, v60;
	v1 =	vmov s1;
	v7 =	vunpack.c.l.s4.s8 v7  }
0x14: {  	v15 =	vand.u32 $0xF, v15;
	v18 =	vcombine.low v17, v16;
	v20 =	vunpack.c.0.s8.s32 v8  }
0x15: {  	v8 =	vimm.s32 $0x543210FE;
	v19 =	vunpack.c.0.s8.s32 v7;
	v7 =	vunpack.c.l.s4.s8 v11  }
0x16: {  	v16 =	vcombine.low v16, v17;
	v10 =	vunpack.c.l.s4.s8 v8;
	v11 =	vimm.s32 $0xDCBA9876  }
0x17: {  	v8 =	vand.u32 $0xF, v18;
	v22 =	vunpack.c.0.s8.s32 v7;
	v7 =	vand.u32 $0xF, v9  }
0x18: {  	v9 =	vunpack.c.l.s4.s8 v11;
	v11 =	vcombine.low v20, v19;
	v23 =	vunpack.c.0.s8.s32 v10  }
0x19: {  	v10 =	vimm.s32 $0xEDCBA987;
	v17 =	vcombine.low v19, v20;
	v20 =	vimm.s32 $0xEFCDAB89  }
0x1a: {  	v16 =	vand.u32 $0xF, v16;
	v10 =	vunpack.c.l.s4.s8 v10;
	v20 =	vunpack.c.l.s4.s8 v20  }
0x1b: {  	v18 =	vcombine.low v22, v21;
	v24 =	vunpack.c.0.s8.s32 v9;
	v9 =	vimm.s32 $0x6543210F  }
0x1c: {  	v17 =	vand.u32 $0xF, v17;
	v9 =	vunpack.c.l.s4.s8 v9;
	v29 =	vunpack.c.0.s8.s32 v10  }
0x1d: {  	s7 =	rddreg [dreg:$0x0];
	v20 =	vunpack.c.0.s8.s32 v20;
	v10 =	vand.u32 $0xF, v18;
	v18 =	vunpack.c.0.s8.s32 v25  }
0x1e: {  	s3 =	rddreg [dreg:$0x2];
	s11 =	simm.s32 $0xB00;
	s12 =	simm.s32 $0xB00;
	v26 =	vcombine.low v24, v23;
	v19 =	vcombine.low v23, v24;
	v23 =	vimm.s32 $0x54761032  }
0x1f: {  	s13 =	simm.s32 $0x2;
	s14 =	simm.s32 $0xC00;
	s15 =	simm.s32 $0x580;
	v24 =	vunpack.c.l.s4.s8 v61;
	v25 =	vunpack.c.l.s4.s8 v62;
	v18 =	vand.u32 $0xF, v18  }
0x20: {  	s16 =	simm.s32 $0xC80;
	s17 =	simm.s32 $0x0;
	s30 =	ssub.s32 $0x2, s9;
	v13 =	vcombine.low v18, v59;
	v18 =	vcombine.low v21, v22;
	v21 =	vimm.s32 $0x67452301  }
0x21: {  	s2 =	simm.s32 $0x0;
	s6 =	sshll.u32 s6, $0x4;
	s31 =	sshrl.u32 s30, $0x1;
	v28 =	vunpack.c.0.s8.s32 v9;
	v22 =	vimm.s32 $0xDCFE98BA;
	v21 =	vunpack.c.l.s4.s8 v21  }
0x22: {  	[smem:$0x7FF] =	sst s2;
	s5 =	sshll.u32 s4, $0x8;
	s4 =	sshll.u32 s4, $0x7;
	v9 =	vand.u32 $0xF, v11;
	v23 =	vunpack.c.l.s4.s8 v23;
	v22 =	vunpack.c.l.s4.s8 v22  }
0x23: {  	p0 =	seq.s32 s9, $0x0;
	s8 =	sand.u32 $0xFFFFF800, s5;
	s10 =	sand.u32 $0x380, s4;
	v24 =	vunpack.c.0.s8.s32 v24;
	v25 =	vunpack.c.0.s8.s32 v25;
	v21 =	vunpack.c.0.s8.s32 v21  }
0x24: {  	s9 =	simm.s32 $0x80;
	s12 =	simm.s32 @!p0 $0xB10;
	s8 =	sor.u32 s10, s8;
	v58 =	vcombine.low v29, v28;
	v23 =	vunpack.c.0.s8.s32 v23;
	v22 =	vunpack.c.0.s8.s32 v22  }
0x25: {  	s4 =	sadd.s32 $0x1200, s7;
	s5 =	simm.s32 $0x1;
	s8 =	sshrl.u32 s8, $0x3;
	v11 =	vand.u32 $0xF, v26;
	v63 =	vcombine.low v28, v29;
	v21 =	vcombine.low v21, v20  }
0x26: {  	s1 =	rddreg [dreg:$0x1];
	_ =	strace $0x80000047;
	s8 =	sadd.s32 s8, s7;
	v19 =	vand.u32 $0xF, v19;
	v22 =	vcombine.low v23, v22;
	v23 =	vcombine.low v25, v24  }
0x27: {  	s10 =	ssub.s32 s30, s31;
	s7 =	sadd.s32 s6, s7;
	s6 =	sadd.s32 $0x1000, s8;
	v12 =	vand.u32 $0xF, v58;
	v18 =	vand.u32 $0xF, v18;
	v20 =	vand.u32 $0xF, v63  }
0x28: {  	s7 =	sadd.s32 $0x43A00, s7;
	s8 =	smax.u32 s10, $0x1;
	s10 =	simm.s32 $0x400;
	v21 =	vand.u32 $0xF, v21;
	v22 =	vand.u32 $0xF, v22;
	v23 =	vand.u32 $0xF, v23  }
.LBB2_1:
0x29: {  	[tilespmem:s11], [sflag:$0x2] =	stream.strided.gather [hbm4b:s6+s9], $0x100, s10, s9, $0x38;
	[tilespmem:$0xD00] =	vst v63  }
0x2a: {  	_ =	swait.ge [sflag:s13], $0x100  }
0x2b: {  	[sflag:s13] =	ssyncset.done $0x0  }
0x2c: {  	[sflag:s13] =	ssyncadd.s32 $0xFFFFFF00  }
0x2d: {  	[tilespmem:s14], [sflag:$0x2] =	stream.linear.gather [hbm4b:s1+s2], $0x80, $0x38;
	[tilespmem:$0xD00] =	vst v63  }
0x2e: {  	_ =	swait.ge [sflag:s13], $0x80  }
0x2f: {  	[sflag:s13] =	ssyncset.done $0x0  }
0x30: {  	[sflag:s13] =	ssyncadd.s32 $0xFFFFFF80  }
0x31: {  	v25 =	vld [tilespmem:$0xC00]  }
0x32: {  	v24 =	vld [tilespmem:$0xC10]  }
0x33: {  	v27 =	vld [tilespmem:$0xB20]  }
0x34: {  	v26 =	vld [tilespmem:$0xB40]  }
0x35: {  	v28 =	vld [tilespmem:$0xB50]  }
0x36: {  	v29 =	vld [tilespmem:$0xB30];
	_ =	sdelay $0x2  }
0x37: {  	v30 =	vtrunc.f32 v25;
	v31 =	vmul.f32 v27, v25  }
0x38: {  	v32 =	vmul.f32 v26, v24;
	v33 =	vmul.f32 v28, v24  }
0x39: {  	v34 =	vmul.f32 v29, v25;
	v30 =	vcvt.f32.s32 v30  }
0x3a: {  	v31 =	vtrunc.f32 v31;
	v32 =	vtrunc.f32 v32  }
0x3b: {  	v33 =	vtrunc.f32 v33;
	v34 =	vtrunc.f32 v34  }
0x3c: {  	v32 =	vcvt.f32.s32 v32;
	v33 =	vcvt.f32.s32 v33  }
0x3d: {  	v31 =	vcvt.f32.s32 v31;
	v34 =	vcvt.f32.s32 v34  }
0x3e: {  	v32 =	vmul.u32 v30, v32;
	v33 =	vmul.u32 v30, v33  }
0x3f: {  	v30 =	vadd.s32 v31, v1;
	v31 =	vadd.s32 v34, v1  }
0x40: {  	v30 =	vadd.s32 v32, v30;
	v31 =	vadd.s32 v33, v31  }
0x41: {  	v33 =	vld [tilespmem:s12+$0x0];
	[tilespmem:$0x560] =	vst v2;
	v32 =	vpsel p0, v30, v31  }
0x42: {  	[tilespmem:$0x570] =	vst v2;
	v32 =	vsel vm0, v32, v1  }
0x43: {  	[tilespmem:$0x0] =	vst v32;
	v62 =	vadd.s32 $0x6400, v32  }
0x44: {  	v63 =	vadd.s32 $0xC800, v32;
	[tilespmem:$0x10] =	vst v62  }
0x45: {  	v36 =	vadd.s32 $0x12C00, v32;
	[tilespmem:$0x20] =	vst v63  }
0x46: {  	v37 =	vadd.s32 $0x19000, v32;
	[tilespmem:$0x30] =	vst v36  }
0x47: {  	v34 =	vadd.s32 $0x1F400, v32;
	[tilespmem:$0x40] =	vst v37  }
0x48: {  	v35 =	vadd.s32 $0x25800, v32;
	[tilespmem:$0x50] =	vst v34  }
0x49: {  	v38 =	vadd.s32 $0x2BC00, v32;
	[tilespmem:$0x60] =	vst v35  }
0x4a: {  	v39 =	vadd.s32 $0x32000, v32;
	[tilespmem:$0x70] =	vst v38  }
0x4b: {  	v40 =	vadd.s32 $0x38400, v32;
	[tilespmem:$0x80] =	vst v39  }
0x4c: {  	v41 =	vadd.s32 $0x3E800, v32;
	[tilespmem:$0x90] =	vst v40  }
0x4d: {  	v42 =	vadd.s32 $0x44C00, v32;
	[tilespmem:$0xA0] =	vst v41  }
0x4e: {  	v43 =	vadd.s32 $0x4B000, v32;
	[tilespmem:$0xB0] =	vst v42  }
0x4f: {  	v44 =	vadd.s32 $0x51400, v32;
	[tilespmem:$0xC0] =	vst v43  }
0x50: {  	v45 =	vadd.s32 $0x57800, v32;
	[tilespmem:$0xD0] =	vst v44  }
0x51: {  	v46 =	vadd.s32 $0x5DC00, v32;
	[tilespmem:$0xE0] =	vst v45  }
0x52: {  	v47 =	vadd.s32 $0x64000, v32;
	[tilespmem:$0xF0] =	vst v46  }
0x53: {  	v48 =	vadd.s32 $0x6A400, v32;
	[tilespmem:$0x100] =	vst v47  }
0x54: {  	v49 =	vadd.s32 $0x70800, v32;
	[tilespmem:$0x110] =	vst v48  }
0x55: {  	v50 =	vadd.s32 $0x76C00, v32;
	[tilespmem:$0x120] =	vst v49  }
0x56: {  	v51 =	vadd.s32 $0x7D000, v32;
	[tilespmem:$0x130] =	vst v50  }
0x57: {  	v52 =	vadd.s32 $0x83400, v32;
	[tilespmem:$0x140] =	vst v51  }
0x58: {  	v53 =	vadd.s32 $0x89800, v32;
	[tilespmem:$0x150] =	vst v52  }
0x59: {  	v54 =	vadd.s32 $0x8FC00, v32;
	[tilespmem:$0x160] =	vst v53  }
0x5a: {  	v55 =	vadd.s32 $0x96000, v32;
	[tilespmem:$0x170] =	vst v54  }
0x5b: {  	v56 =	vadd.s32 $0x9C400, v32;
	[tilespmem:$0x180] =	vst v55  }
0x5c: {  	v57 =	vadd.s32 $0xA2800, v32;
	[tilespmem:$0x190] =	vst v56  }
0x5d: {  	v58 =	vadd.s32 $0xA8C00, v32;
	[tilespmem:$0x1A0] =	vst v57  }
0x5e: {  	v59 =	vadd.s32 $0xAF000, v32;
	[tilespmem:$0x1B0] =	vst v58  }
0x5f: {  	v60 =	vadd.s32 $0xB5400, v32;
	[tilespmem:$0x1C0] =	vst v59  }
0x60: {  	v61 =	vadd.s32 $0xBB800, v32;
	[tilespmem:$0x1D0] =	vst v60  }
0x61: {  	[tilespmem:$0x1E0] =	vst v61;
	v62 =	vadd.s32 $0xC1C00, v32  }
0x62: {  	v63 =	vadd.s32 $0xC8000, v32;
	[tilespmem:$0x1F0] =	vst v62  }
0x63: {  	v36 =	vadd.s32 $0xCE400, v32;
	[tilespmem:$0x200] =	vst v63  }
0x64: {  	v37 =	vadd.s32 $0xD4800, v32;
	[tilespmem:$0x210] =	vst v36  }
0x65: {  	v38 =	vadd.s32 $0xDAC00, v32;
	[tilespmem:$0x220] =	vst v37  }
0x66: {  	v39 =	vadd.s32 $0xE1000, v32;
	[tilespmem:$0x230] =	vst v38  }
0x67: {  	v40 =	vadd.s32 $0xE7400, v32;
	[tilespmem:$0x240] =	vst v39  }
0x68: {  	v41 =	vadd.s32 $0xED800, v32;
	[tilespmem:$0x250] =	vst v40  }
0x69: {  	v42 =	vadd.s32 $0xF3C00, v32;
	[tilespmem:$0x260] =	vst v41  }
0x6a: {  	v43 =	vadd.s32 $0xFA000, v32;
	[tilespmem:$0x270] =	vst v42  }
0x6b: {  	v44 =	vadd.s32 $0x100400, v32;
	[tilespmem:$0x280] =	vst v43  }
0x6c: {  	v45 =	vadd.s32 $0x106800, v32;
	[tilespmem:$0x290] =	vst v44  }
0x6d: {  	v46 =	vadd.s32 $0x10CC00, v32;
	[tilespmem:$0x2A0] =	vst v45  }
0x6e: {  	v47 =	vadd.s32 $0x113000, v32;
	[tilespmem:$0x2B0] =	vst v46  }
0x6f: {  	v48 =	vadd.s32 $0x119400, v32;
	[tilespmem:$0x2C0] =	vst v47  }
0x70: {  	v49 =	vadd.s32 $0x11F800, v32;
	[tilespmem:$0x2D0] =	vst v48  }
0x71: {  	v50 =	vadd.s32 $0x125C00, v32;
	[tilespmem:$0x2E0] =	vst v49  }
0x72: {  	v51 =	vadd.s32 $0x12C000, v32;
	[tilespmem:$0x2F0] =	vst v50  }
0x73: {  	v52 =	vadd.s32 $0x132400, v32;
	[tilespmem:$0x300] =	vst v51  }
0x74: {  	v53 =	vadd.s32 $0x138800, v32;
	[tilespmem:$0x310] =	vst v52  }
0x75: {  	v54 =	vadd.s32 $0x13EC00, v32;
	[tilespmem:$0x320] =	vst v53  }
0x76: {  	v55 =	vadd.s32 $0x145000, v32;
	[tilespmem:$0x330] =	vst v54  }
0x77: {  	v56 =	vadd.s32 $0x14B400, v32;
	[tilespmem:$0x340] =	vst v55  }
0x78: {  	v57 =	vadd.s32 $0x151800, v32;
	[tilespmem:$0x350] =	vst v56  }
0x79: {  	v58 =	vadd.s32 $0x157C00, v32;
	[tilespmem:$0x360] =	vst v57  }
0x7a: {  	v59 =	vadd.s32 $0x15E000, v32;
	[tilespmem:$0x370] =	vst v58  }
0x7b: {  	v60 =	vadd.s32 $0x164400, v32;
	[tilespmem:$0x380] =	vst v59  }
0x7c: {  	v61 =	vadd.s32 $0x16A800, v32;
	[tilespmem:$0x390] =	vst v60  }
0x7d: {  	[tilespmem:$0x3A0] =	vst v61;
	v62 =	vadd.s32 $0x170C00, v32  }
0x7e: {  	v63 =	vadd.s32 $0x177000, v32;
	[tilespmem:$0x3B0] =	vst v62  }
0x7f: {  	v36 =	vadd.s32 $0x17D400, v32;
	[tilespmem:$0x3C0] =	vst v63  }
0x80: {  	v37 =	vadd.s32 $0x183800, v32;
	[tilespmem:$0x3D0] =	vst v36  }
0x81: {  	v38 =	vadd.s32 $0x189C00, v32;
	[tilespmem:$0x3E0] =	vst v37  }
0x82: {  	v39 =	vadd.s32 $0x190000, v32;
	[tilespmem:$0x3F0] =	vst v38  }
0x83: {  	v40 =	vadd.s32 $0x196400, v32;
	[tilespmem:$0x400] =	vst v39  }
0x84: {  	v41 =	vadd.s32 $0x19C800, v32;
	[tilespmem:$0x410] =	vst v40  }
0x85: {  	v42 =	vadd.s32 $0x1A2C00, v32;
	[tilespmem:$0x420] =	vst v41  }
0x86: {  	v43 =	vadd.s32 $0x1A9000, v32;
	[tilespmem:$0x430] =	vst v42  }
0x87: {  	v44 =	vadd.s32 $0x1AF400, v32;
	[tilespmem:$0x440] =	vst v43  }
0x88: {  	v45 =	vadd.s32 $0x1B5800, v32;
	[tilespmem:$0x450] =	vst v44  }
0x89: {  	v46 =	vadd.s32 $0x1BBC00, v32;
	[tilespmem:$0x460] =	vst v45  }
0x8a: {  	v47 =	vadd.s32 $0x1C2000, v32;
	[tilespmem:$0x470] =	vst v46  }
0x8b: {  	v48 =	vadd.s32 $0x1C8400, v32;
	[tilespmem:$0x480] =	vst v47  }
0x8c: {  	v49 =	vadd.s32 $0x1CE800, v32;
	[tilespmem:$0x490] =	vst v48  }
0x8d: {  	v50 =	vadd.s32 $0x1D4C00, v32;
	[tilespmem:$0x4A0] =	vst v49  }
0x8e: {  	v51 =	vadd.s32 $0x1DB000, v32;
	[tilespmem:$0x4B0] =	vst v50  }
0x8f: {  	v52 =	vadd.s32 $0x1E1400, v32;
	[tilespmem:$0x4C0] =	vst v51  }
0x90: {  	v53 =	vadd.s32 $0x1E7800, v32;
	[tilespmem:$0x4D0] =	vst v52  }
0x91: {  	v54 =	vadd.s32 $0x1EDC00, v32;
	[tilespmem:$0x4E0] =	vst v53  }
0x92: {  	v55 =	vadd.s32 $0x1F4000, v32;
	v33 =	vtrunc.f32 v33;
	[tilespmem:$0x4F0] =	vst v54  }
0x93: {  	v56 =	vadd.s32 $0x1FA400, v32;
	[tilespmem:$0x500] =	vst v55;
	v33 =	vcvt.f32.s32 v33  }
0x94: {  	v57 =	vadd.s32 $0x200800, v32;
	[tilespmem:$0x510] =	vst v56  }
0x95: {  	v58 =	vadd.s32 $0x206C00, v32;
	[tilespmem:$0x520] =	vst v57;
	v36 =	vmul.u32 $0x6400, v33  }
0x96: {  	v35 =	vld [tilespmem:$0xB70];
	v32 =	vadd.s32 $0x20D000, v32;
	[tilespmem:$0x530] =	vst v58  }
0x97: {  	[tilespmem:$0x540] =	vst v32;
	v32 =	vld [tilespmem:$0xB80];
	v34 =	vadd.s32 v36, v34  }
0x98: {  	v33 =	vld [tilespmem:$0xB60];
	[tilespmem:$0x550] =	vst v34  }
0x99: {  	v34 =	vld [tilespmem:$0xB90];
	[tilespmem:s15], [sflag:$0x1] =	stream.indirect.gather [hbm4b:s4+s15], $0x1, s2, s15, $0xb8  }
0x9a: {  	_ =	swait.ge [sflag:s5], $0x580  }
0x9b: {  	[sflag:s5] =	ssyncset.done $0x0  }
0x9c: {  	s18 =	simm.s32 $0x50;
	[sflag:s5] =	ssyncadd.s32 $0xFFFFFA80  }
0x9d: {  	v49 =	vld [tilespmem:s18+$0x580];
	_ =	sdelay $0x4  }
0x9e: {  	v59 =	vand.u32 $0x7FFFFFFF, v49  }
0x9f: {  	v36 =	vsub.f32 $0.0e+00, v59  }
0xa0: {  	s25 =	simm.s32 $0x60  }
0xa1: {  	v42 =	vld [tilespmem:s25+$0x580];
	v36 =	vmul.f32 $1.442695020e+00, v36;
	_ =	sdelay $0x1  }
0xa2: {  	(erf) = vpow2.f32 v36;
	_ =	sdelay $0x2  }
0xa3: {  	v60 =	vand.u32 $0x7FFFFFFF, v42  }
0xa4: {  	v36 =	vsub.f32 $0.0e+00, v60;
	_ =	sdelay $0x1  }
0xa5: {  	s26 =	simm.s32 $0x70;
	v36 =	vmul.f32 $1.442695020e+00, v36  }
0xa6: {  	v39 =	vld [tilespmem:s26+$0x580]  }
0xa7: {  	(erf) = vpow2.f32 v36  }
0xa8: {  	v47 =	vpop (erf)  }
0xa9: {  	v61 =	vmul.f32 $3.705070120e-03, v47;
	_ =	sdelay $0x1  }
0xaa: {  	v37 =	vand.u32 $0x7FFFFFFF, v39;
	v36 =	vadd.f32 $-2.274769360e-02, v61  }
0xab: {  	v37 =	vsub.f32 $0.0e+00, v37  }
0xac: {  	v36 =	vmul.f32 v36, v47  }
0xad: {  	v37 =	vmul.f32 $1.442695020e+00, v37  }
0xae: {  	s28 =	simm.s32 $0x80;
	v36 =	vadd.f32 $6.580252200e-02, v36  }
0xaf: {  	v38 =	vld [tilespmem:s28+$0x580];
	(erf) = vpow2.f32 v37;
	v46 =	vpop (erf)  }
0xb0: {  	v62 =	vmul.f32 $3.705070120e-03, v46;
	v36 =	vmul.f32 v36, v47;
	_ =	sdelay $0x1  }
0xb1: {  	v37 =	vadd.f32 $-2.274769360e-02, v62;
	v36 =	vadd.f32 $-1.243510400e-01, v36;
	_ =	sdelay $0x1  }
0xb2: {  	v40 =	vand.u32 $0x7FFFFFFF, v38;
	v37 =	vmul.f32 v37, v46;
	v36 =	vmul.f32 v36, v47  }
0xb3: {  	s29 =	simm.s32 $0x90;
	v40 =	vsub.f32 $0.0e+00, v40  }
0xb4: {  	v41 =	vld [tilespmem:s29+$0x580];
	v37 =	vadd.f32 $6.580252200e-02, v37;
	v36 =	vadd.f32 $1.840053050e-01, v36  }
0xb5: {  	v40 =	vmul.f32 $1.442695020e+00, v40  }
0xb6: {  	v37 =	vmul.f32 v37, v46;
	v36 =	vmul.f32 v36, v47  }
0xb7: {  	(erf) = vpow2.f32 v40;
	v44 =	vpop (erf)  }
0xb8: {  	v63 =	vmul.f32 $3.705070120e-03, v44;
	v37 =	vadd.f32 $-1.243510400e-01, v37;
	v36 =	vadd.f32 $-2.460553050e-01, v36  }
0xb9: {  	v45 =	vand.u32 $0x7FFFFFFF, v41  }
0xba: {  	v40 =	vadd.f32 $-2.274769360e-02, v63;
	v37 =	vmul.f32 v37, v46;
	v36 =	vmul.f32 v36, v47  }
0xbb: {  	v48 =	vsub.f32 $0.0e+00, v45  }
0xbc: {  	v43 =	vmul.f32 v40, v44;
	v37 =	vadd.f32 $1.840053050e-01, v37;
	v36 =	vadd.f32 $3.327420060e-01, v36  }
0xbd: {  	s30 =	simm.s32 $0xA0;
	v51 =	vmul.f32 $1.442695020e+00, v48  }
0xbe: {  	v40 =	vld [tilespmem:s30+$0x580];
	v43 =	vadd.f32 $6.580252200e-02, v43;
	v37 =	vmul.f32 v37, v46;
	v36 =	vmul.f32 v36, v47  }
0xbf: {  	(erf) = vpow2.f32 v51  }
0xc0: {  	v45 =	vpop (erf);
	v43 =	vmul.f32 v43, v44;
	v37 =	vadd.f32 $-2.460553050e-01, v37;
	v36 =	vadd.f32 $-4.999519880e-01, v36  }
0xc1: {  	v50 =	vmul.f32 $3.705070120e-03, v45  }
0xc2: {  	v52 =	vadd.f32 $-1.243510400e-01, v43;
	v54 =	vmul.f32 v37, v46;
	v36 =	vmul.f32 v36, v47  }
0xc3: {  	v48 =	vld [tilespmem:$0x580];
	v50 =	vadd.f32 $-2.274769360e-02, v50;
	v53 =	vand.u32 $0x7FFFFFFF, v40  }
0xc4: {  	v43 =	vld [tilespmem:$0x590];
	v52 =	vmul.f32 v52, v44;
	v56 =	vadd.f32 $3.327420060e-01, v54;
	v55 =	vadd.f32 $9.999983310e-01, v36  }
0xc5: {  	s31 =	simm.s32 $0xB0;
	v50 =	vmul.f32 v50, v45;
	v53 =	vsub.f32 $0.0e+00, v53;
	v37 =	vld [tilespmem:$0x5A0]  }
0xc6: {  	v51 =	vadd.f32 $1.840053050e-01, v52;
	v52 =	vmul.f32 v56, v46;
	v54 =	vmul.f32 v55, v47;
	v47 =	vld [tilespmem:s31+$0x580]  }
0xc7: {  	s18 =	simm.s32 $0x300;
	v36 =	vld [tilespmem:$0x5B0];
	v55 =	vmul.f32 $1.442695020e+00, v53;
	v53 =	vadd.f32 $6.580252200e-02, v50;
	v50 =	vimm.f32 $0.0e+00  }
.LBB2_2:
0xc8: {  	p1 =	sne.s32 s18, $0x1500;
	v51 =	vmul.f32 v51, v44;
	v54 =	vadd.f32 $1.477029880e-08, v54;
	v56 =	vmax.f32 v49, $0.0e+00;
	v49 =	vmovc v42;
	v42 =	vmovc v39  }
0xc9: {  	(erf) = vpow2.f32 v55;
	v55 =	vpop (erf);
	v53 =	vmul.f32 v53, v45;
	v52 =	vadd.f32 $-4.999519880e-01, v52  }
0xca: {  	v39 =	vmovc v38;
	v38 =	vmovc v41;
	v57 =	vmul.f32 $3.705070120e-03, v55;
	v51 =	vadd.f32 $-2.460553050e-01, v51;
	v54 =	vadd.f32 v54, v56  }
0xcb: {  	v41 =	vmovc v40;
	v56 =	vand.u32 $0x7FFFFFFF, v47;
	v53 =	vadd.f32 $-1.243510400e-01, v53;
	v52 =	vmul.f32 v52, v46;
	v40 =	vmovc v47  }
.Ltmp0:
0xcc: {  	v47 =	vadd.f32 $-2.274769360e-02, v57;
	v51 =	vmul.f32 v51, v44;
	v54 =	vmin.f32 v54, $1.000000000e+02;
	(pc) =	sbr.rel @p1 .LBB2_2-.Ltmp0, $4  }
0xcd: {  	v53 =	vmul.f32 v53, v45;
	v52 =	vadd.f32 $9.999983310e-01, v52;
	v50 =	vadd.f32 v54, v50  }
0xce: {  	s19 =	sshra.s32 s18, $0x2;
	v56 =	vsub.f32 $0.0e+00, v56;
	v57 =	vmul.f32 v47, v55;
	v58 =	vadd.f32 $3.327420060e-01, v51  }
0xcf: {  	v47 =	vld [tilespmem:s19+$0x580];
	v51 =	vadd.f32 $1.840053050e-01, v53;
	v54 =	vmul.f32 v52, v46;
	v46 =	vmovc v44;
	v44 =	vmovc v45;
	v45 =	vmov v55  }
0xd0: {  	s18 =	sadd.s32 $0x40, s18;
	v55 =	vmul.f32 $1.442695020e+00, v56;
	v53 =	vadd.f32 $6.580252200e-02, v57;
	v52 =	vmul.f32 v58, v46  }
0xd1: {  	_ = 	snop  }
0xd2: {  	(erf) = vpow2.f32 v55;
	_ =	sdelay $0x1  }
0xd3: {  	v56 =	vand.u32 $0x7FFFFFFF, v47  }
0xd4: {  	v56 =	vsub.f32 $0.0e+00, v56;
	_ =	sdelay $0x1  }
0xd5: {  	v60 =	vmul.f32 $1.442695020e+00, v56;
	_ =	sdelay $0x1  }
0xd6: {  	v55 =	vpop (erf);
	(erf) = vpow2.f32 v60  }
0xd7: {  	v61 =	vmul.f32 $3.705070120e-03, v55  }
0xd8: {  	v57 =	vpop (erf)  }
0xd9: {  	v54 =	vadd.f32 $1.477029880e-08, v54;
	v56 =	vadd.f32 $-2.274769360e-02, v61;
	v58 =	vmul.f32 $3.705070120e-03, v57  }
0xda: {  	v49 =	vmax.f32 v49, $0.0e+00;
	v51 =	vmul.f32 v51, v44;
	v42 =	vmax.f32 v42, $0.0e+00  }
0xdb: {  	v48 =	vsub.f32 $0.0e+00, v48;
	v56 =	vmul.f32 v56, v55;
	v58 =	vadd.f32 $-2.274769360e-02, v58  }
0xdc: {  	v39 =	vmax.f32 v39, $0.0e+00;
	v38 =	vmax.f32 v38, $0.0e+00;
	v53 =	vmul.f32 v53, v45  }
0xdd: {  	v49 =	vadd.f32 v54, v49;
	v62 =	vadd.f32 $6.580252200e-02, v56;
	v63 =	vmul.f32 v58, v57  }
0xde: {  	v41 =	vmax.f32 v41, $0.0e+00;
	v43 =	vsub.f32 $0.0e+00, v43;
	v53 =	vadd.f32 $-1.243510400e-01, v53  }
0xdf: {  	v49 =	vmin.f32 v49, $1.000000000e+02;
	v54 =	vmul.f32 v62, v55;
	v59 =	vpop (erf);
	v62 =	vadd.f32 $6.580252200e-02, v63  }
0xe0: {  	v31 =	vsel vm1, v31, v4;
	v49 =	vadd.f32 v49, v50;
	v60 =	vmul.f32 $3.705070120e-03, v59  }
0xe1: {  	v53 =	vmul.f32 v53, v45;
	v54 =	vadd.f32 $-1.243510400e-01, v54;
	v50 =	vmul.f32 v62, v57  }
0xe2: {  	v29 =	vpsel p0, v27, v29;
	v28 =	vpsel p0, v26, v28;
	v61 =	vadd.f32 $-2.274769360e-02, v60  }
0xe3: {  	v53 =	vadd.f32 $1.840053050e-01, v53;
	v54 =	vmul.f32 v54, v55;
	v50 =	vadd.f32 $-1.243510400e-01, v50  }
0xe4: {  	v52 =	vadd.f32 $-4.999519880e-01, v52;
	v51 =	vadd.f32 $-2.460553050e-01, v51;
	v63 =	vmul.f32 v61, v59  }
0xe5: {  	v53 =	vmul.f32 v53, v45;
	v54 =	vadd.f32 $1.840053050e-01, v54;
	v50 =	vmul.f32 v50, v57  }
0xe6: {  	v52 =	vmul.f32 v52, v46;
	v51 =	vmul.f32 v51, v44;
	v56 =	vadd.f32 $6.580252200e-02, v63  }
0xe7: {  	v53 =	vadd.f32 $-2.460553050e-01, v53;
	v54 =	vmul.f32 v54, v55;
	v50 =	vadd.f32 $1.840053050e-01, v50  }
0xe8: {  	v52 =	vadd.f32 $9.999983310e-01, v52;
	v51 =	vadd.f32 $3.327420060e-01, v51;
	v56 =	vmul.f32 v56, v59  }
0xe9: {  	v53 =	vmul.f32 v53, v45;
	v54 =	vadd.f32 $-2.460553050e-01, v54;
	v50 =	vmul.f32 v50, v57  }
0xea: {  	v51 =	vmul.f32 v51, v44;
	v58 =	vmul.f32 v52, v46;
	v56 =	vadd.f32 $-1.243510400e-01, v56  }
0xeb: {  	v53 =	vadd.f32 $3.327420060e-01, v53;
	v54 =	vmul.f32 v54, v55;
	v50 =	vadd.f32 $-2.460553050e-01, v50  }
0xec: {  	v51 =	vadd.f32 $-4.999519880e-01, v51;
	v46 =	vadd.f32 $1.477029880e-08, v58;
	v60 =	vmul.f32 v56, v59  }
0xed: {  	v53 =	vmul.f32 v53, v45;
	v54 =	vadd.f32 $3.327420060e-01, v54;
	v61 =	vmul.f32 v50, v57  }
0xee: {  	v51 =	vmul.f32 v51, v44;
	v42 =	vadd.f32 v46, v42;
	v52 =	vadd.f32 $1.840053050e-01, v60  }
0xef: {  	v63 =	vadd.f32 $-4.999519880e-01, v53;
	v56 =	vmul.f32 v54, v55;
	v46 =	vadd.f32 $3.327420060e-01, v61  }
0xf0: {  	v26 =	vpsel p0, v33, v35;
	v51 =	vadd.f32 $9.999983310e-01, v51;
	v52 =	vmul.f32 v52, v59  }
0xf1: {  	v60 =	vmul.f32 v63, v45;
	v61 =	vadd.f32 $-4.999519880e-01, v56;
	v46 =	vmul.f32 v46, v57  }
0xf2: {  	v48 =	vmul.f32 $1.442695020e+00, v48;
	v58 =	vmul.f32 v51, v44;
	v62 =	vadd.f32 $-2.460553050e-01, v52  }
0xf3: {  	v51 =	vadd.f32 $9.999983310e-01, v60;
	v52 =	vmul.f32 v61, v55;
	v46 =	vadd.f32 $-4.999519880e-01, v46  }
0xf4: {  	(erf) = vpow2.f32 v48;
	v44 =	vadd.f32 $1.477029880e-08, v58;
	v50 =	vmul.f32 v62, v59  }
0xf5: {  	v62 =	vmul.f32 v51, v45;
	v63 =	vadd.f32 $9.999983310e-01, v52;
	v46 =	vmul.f32 v46, v57  }
0xf6: {  	v27 =	vpsel p0, v32, v34;
	v42 =	vmin.f32 v42, $1.000000000e+02;
	v39 =	vadd.f32 v44, v39  }
0xf7: {  	v54 =	vadd.f32 $1.477029880e-08, v62;
	v55 =	vmul.f32 v63, v55;
	v46 =	vadd.f32 $9.999983310e-01, v46  }
0xf8: {  	v42 =	vadd.f32 v42, v49;
	v39 =	vmin.f32 v39, $1.000000000e+02;
	v50 =	vadd.f32 $3.327420060e-01, v50  }
0xf9: {  	v38 =	vadd.f32 v54, v38;
	v58 =	vadd.f32 $1.477029880e-08, v55;
	v60 =	vmul.f32 v46, v57  }
0xfa: {  	v37 =	vmul.f32 $1.442695020e+00, v37;
	v39 =	vadd.f32 v39, v42;
	v50 =	vmul.f32 v50, v59  }
0xfb: {  	v38 =	vmin.f32 v38, $1.000000000e+02;
	v41 =	vadd.f32 v58, v41;
	v62 =	vadd.f32 $1.477029880e-08, v60  }
0xfc: {  	v32 =	vmul.f32 v29, v25;
	v46 =	vmax.f32 v40, $0.0e+00;
	v38 =	vadd.f32 v38, v39  }
0xfd: {  	v51 =	vpop (erf);
	v50 =	vadd.f32 $-4.999519880e-01, v50;
	v48 =	vmin.f32 v41, $1.000000000e+02;
	v39 =	vadd.f32 v62, v46  }
0xfe: {  	v35 =	vmul.f32 v28, v24;
	v52 =	vadd.f32 $1.000000000e+00, v51;
	v38 =	vadd.f32 v48, v38  }
0xff: {  	v53 =	vmul.f32 $1.442695020e+00, v43;
	v56 =	vmul.f32 v50, v59;
	v39 =	vmin.f32 v39, $1.000000000e+02  }
0x100: {  	(erf) = vrcp.f32 v52;
	v39 =	vadd.f32 v39, v38;
	v38 =	vpsel p0, v31, v30  }
0x101: {  	v61 =	vadd.f32 $9.999983310e-01, v56;
	v31 =	vpsel p0, v30, v31;
	v54 =	vperm.xlane v38, v0  }
0x102: {  	(erf) = vpow2.f32 v53;
	v55 =	vperm.xlane v31, v5  }
0x103: {  	v60 =	vtrunc.f32 v32;
	v63 =	vmul.f32 v61, v59;
	vm6 =	veq.s32 v31, v54  }
0x104: {  	v57 =	vperm.xlane v38, v5;
	v56 =	vsel vm6, $0x40000000, v3;
	vm6 =	veq.s32 v31, v55  }
0x105: {  	v50 =	vmax.f32 v47, $0.0e+00;
	v49 =	vadd.f32 $1.477029880e-08, v63;
	v58 =	vsel vm6, $0x3F800000, v6  }
0x106: {  	v59 =	vperm.xlane v31, v7;
	vm6 =	veq.s32 v31, v57;
	v29 =	vadd.f32 v58, v56  }
0x107: {  	v33 =	vcvt.f32.s32 v60;
	v40 =	vadd.f32 v49, v50;
	v61 =	vsel vm6, $0x3F800000, v6  }
0x108: {  	v62 =	vperm.xlane v38, v7;
	vm6 =	veq.s32 v31, v59;
	v28 =	vadd.f32 v61, v29  }
0x109: {  	v46 =	vperm.xlane v31, v8;
	v40 =	vmin.f32 v40, $1.000000000e+02;
	v44 =	vsel vm6, $0x3F800000, v6  }
0x10a: {  	v30 =	vadd.f32 v40, v39;
	vm6 =	veq.s32 v31, v62;
	v40 =	vadd.f32 v44, v28  }
0x10b: {  	v36 =	vmul.f32 $1.442695020e+00, v36;
	v33 =	vcvt.s32.f32 v33;
	v39 =	vpop (erf);
	v47 =	vsel vm6, $0x3F800000, v6  }
0x10c: {  	v48 =	vperm.xlane v38, v8;
	v45 =	vpop (erf);
	vm6 =	veq.s32 v31, v46;
	v40 =	vadd.f32 v47, v40  }
0x10d: {  	v52 =	vperm.xlane v38, v9;
	v41 =	vadd.f32 $1.000000000e+00, v45;
	v49 =	vsel vm6, $0x3F800000, v6  }
0x10e: {  	v50 =	vperm.xlane v31, v9;
	vm6 =	veq.s32 v31, v48;
	v28 =	vld [tilespmem:$0xAD0];
	v40 =	vadd.f32 v49, v40  }
0x10f: {  	v63 =	vtrunc.f32 v35;
	v29 =	vld [tilespmem:$0x5C0];
	v51 =	vsel vm6, $0x3F800000, v6;
	(erf) = vrcp.f32 v41  }
0x110: {  	vm6 =	veq.s32 v31, v50;
	(erf) = vpow2.f32 v37;
	v37 =	vadd.f32 v51, v40  }
0x111: {  	v54 =	vperm.xlane v31, v10;
	v41 =	vsel vm6, $0x3F800000, v6;
	vm6 =	veq.s32 v31, v52  }
0x112: {  	v57 =	vperm.xlane v38, v10;
	v56 =	vsel vm6, $0x3F800000, v6;
	v37 =	vadd.f32 v41, v37  }
0x113: {  	vm6 =	veq.s32 v31, v54;
	(erf) = vpow2.f32 v36;
	v53 =	vand.u32 $0x7FFFFFFF, v28  }
0x114: {  	v55 =	vand.u32 $0x7FFFFFFF, v29;
	v36 =	vsub.f32 $0.0e+00, v53;
	v37 =	vadd.f32 v56, v37  }
0x115: {  	v59 =	vperm.xlane v31, v11;
	v58 =	vsel vm6, $0x3F800000, v6;
	v41 =	vsub.f32 $0.0e+00, v55  }
0x116: {  	vm6 =	veq.s32 v31, v57;
	v36 =	vmul.f32 $1.442695020e+00, v36;
	v37 =	vadd.f32 v58, v37  }
0x117: {  	v62 =	vperm.xlane v38, v11;
	v61 =	vsel vm6, $0x3F800000, v6;
	v60 =	vmul.f32 $1.442695020e+00, v41  }
0x118: {  	vm6 =	veq.s32 v31, v59;
	(erf) = vpow2.f32 v36;
	v37 =	vadd.f32 v61, v37  }
0x119: {  	v34 =	vcvt.f32.s32 v63;
	v63 =	vsel vm6, $0x3F800000, v6;
	(erf) = vpow2.f32 v60  }
0x11a: {  	vm6 =	veq.s32 v31, v62;
	v41 =	vperm.xlane v31, v12;
	v36 =	vadd.f32 v63, v37  }
0x11b: {  	v32 =	vsub.f32 v32, v33;
	v42 =	vcvt.s32.f32 v34;
	v43 =	vsel vm6, $0x3F800000, v6  }
0x11c: {  	v44 =	vperm.xlane v38, v12;
	vm6 =	veq.s32 v31, v41;
	v34 =	vadd.f32 v43, v36  }
0x11d: {  	v32 =	vsub.f32 v39, v32;
	v46 =	vsel vm6, $0x3F800000, v6  }
0x11e: {  	v47 =	vperm.xlane v31, v13;
	v45 =	vpop (erf);
	vm6 =	veq.s32 v31, v44;
	v34 =	vadd.f32 v46, v34  }
0x11f: {  	v33 =	vsub.f32 v35, v42;
	v32 =	vmul.f32 v32, v32;
	v39 =	vpop (erf);
	v48 =	vsel vm6, $0x3F800000, v6  }
0x120: {  	v49 =	vperm.xlane v38, v13;
	vm6 =	veq.s32 v31, v47;
	v36 =	vpop (erf);
	v34 =	vadd.f32 v48, v34  }
0x121: {  	v52 =	vperm.xlane v31, v14;
	v57 =	vperm.xlane v31, v15;
	v51 =	vsel vm6, $0x3F800000, v6;
	v40 =	vpop (erf)  }
0x122: {  	vm6 =	veq.s32 v31, v49;
	v50 =	vmul.f32 $3.705070120e-03, v40;
	v42 =	vpop (erf);
	v34 =	vadd.f32 v51, v34  }
0x123: {  	v55 =	vperm.xlane v38, v14;
	v54 =	vsel vm6, $0x3F800000, v6;
	v53 =	vmul.f32 $3.705070120e-03, v42  }
0x124: {  	vm6 =	veq.s32 v31, v52;
	v37 =	vadd.f32 $-2.274769360e-02, v50;
	v34 =	vadd.f32 v54, v34  }
0x125: {  	v59 =	vperm.xlane v38, v15;
	v56 =	vsel vm6, $0x3F800000, v6;
	v41 =	vadd.f32 $-2.274769360e-02, v53  }
0x126: {  	vm6 =	veq.s32 v31, v55;
	v37 =	vmul.f32 v37, v40;
	v34 =	vadd.f32 v56, v34  }
0x127: {  	v33 =	vsub.f32 v45, v33;
	v58 =	vsel vm6, $0x3F800000, v6;
	v41 =	vmul.f32 v41, v42  }
0x128: {  	vm6 =	veq.s32 v31, v57;
	v37 =	vadd.f32 $6.580252200e-02, v37;
	v34 =	vadd.f32 v58, v34  }
0x129: {  	v61 =	vperm.xlane v31, v16;
	v60 =	vsel vm6, $0x3F800000, v6;
	v41 =	vadd.f32 $6.580252200e-02, v41  }
0x12a: {  	vm6 =	veq.s32 v31, v59;
	v37 =	vmul.f32 v37, v40;
	v34 =	vadd.f32 v60, v34  }
0x12b: {  	v63 =	vperm.xlane v38, v16;
	v62 =	vsel vm6, $0x3F800000, v6;
	v41 =	vmul.f32 v41, v42  }
0x12c: {  	vm6 =	veq.s32 v31, v61;
	v37 =	vadd.f32 $-1.243510400e-01, v37;
	v34 =	vadd.f32 v62, v34  }
0x12d: {  	v46 =	vperm.xlane v31, v17;
	v45 =	vsel vm6, $0x3F800000, v6;
	v41 =	vadd.f32 $-1.243510400e-01, v41  }
0x12e: {  	vm6 =	veq.s32 v31, v63;
	v37 =	vmul.f32 v37, v40;
	v34 =	vadd.f32 v45, v34  }
0x12f: {  	v47 =	vsel vm6, $0x3F800000, v6;
	v48 =	vperm.xlane v38, v17;
	v41 =	vmul.f32 v41, v42  }
0x130: {  	vm6 =	veq.s32 v31, v46;
	v37 =	vadd.f32 $1.840053050e-01, v37;
	v34 =	vadd.f32 v47, v34  }
0x131: {  	v49 =	vsel vm6, $0x3F800000, v6;
	vm6 =	veq.s32 v31, v48;
	v41 =	vadd.f32 $1.840053050e-01, v41  }
0x132: {  	v50 =	vperm.xlane v31, v18;
	v37 =	vmul.f32 v37, v40;
	v34 =	vadd.f32 v49, v34  }
0x133: {  	v52 =	vperm.xlane v38, v18;
	v51 =	vsel vm6, $0x3F800000, v6;
	v41 =	vmul.f32 v41, v42  }
0x134: {  	vm6 =	veq.s32 v31, v50;
	v37 =	vadd.f32 $-2.460553050e-01, v37;
	v34 =	vadd.f32 v51, v34  }
0x135: {  	v54 =	vperm.xlane v31, v19;
	v53 =	vsel vm6, $0x3F800000, v6;
	v41 =	vadd.f32 $-2.460553050e-01, v41  }
0x136: {  	vm6 =	veq.s32 v31, v52;
	v37 =	vmul.f32 v37, v40;
	v34 =	vadd.f32 v53, v34  }
0x137: {  	v55 =	vsel vm6, $0x3F800000, v6;
	vm6 =	veq.s32 v31, v54;
	v41 =	vmul.f32 v41, v42  }
0x138: {  	v56 =	vperm.xlane v38, v19;
	v37 =	vadd.f32 $3.327420060e-01, v37;
	v34 =	vadd.f32 v55, v34  }
0x139: {  	v57 =	vsel vm6, $0x3F800000, v6;
	v58 =	vperm.xlane v31, v20;
	v41 =	vadd.f32 $3.327420060e-01, v41  }
0x13a: {  	vm6 =	veq.s32 v31, v56;
	v37 =	vmul.f32 v37, v40;
	v34 =	vadd.f32 v57, v34  }
0x13b: {  	v59 =	vsel vm6, $0x3F800000, v6;
	vm6 =	veq.s32 v31, v58;
	v41 =	vmul.f32 v41, v42  }
0x13c: {  	v60 =	vperm.xlane v38, v20;
	v37 =	vadd.f32 $-4.999519880e-01, v37;
	v34 =	vadd.f32 v59, v34  }
0x13d: {  	v33 =	vmul.f32 v33, v33;
	v62 =	vsel vm6, $0x3F800000, v6;
	v61 =	vadd.f32 $-4.999519880e-01, v41  }
0x13e: {  	vm6 =	veq.s32 v31, v60;
	v37 =	vmul.f32 v37, v40;
	v34 =	vadd.f32 v62, v34  }
0x13f: {  	v32 =	vadd.f32 v33, v32;
	v31 =	vsel vm6, $0x3F800000, v6;
	v33 =	vmul.f32 v61, v42  }
0x140: {  	v35 =	vmul.f32 v27, v24;
	v38 =	vadd.f32 $9.999983310e-01, v37;
	v31 =	vadd.f32 v31, v34  }
0x141: {  	v44 =	vxor.u32 $0x80000000, v29;
	v63 =	vmul.f32 v26, v25;
	v26 =	vadd.f32 $9.999983310e-01, v33  }
0x142: {  	v24 =	vsub.f32 v36, v35;
	v27 =	vmul.f32 v38, v40;
	(erf) = vrcp.f32 v31  }
0x143: {  	v29 =	vmax.f32 v29, $0.0e+00;
	v43 =	vsub.f32 $0.0e+00, v28;
	v26 =	vmul.f32 v26, v42  }
0x144: {  	v25 =	vsub.f32 v39, v63;
	v24 =	vmul.f32 v24, v24;
	v27 =	vadd.f32 $1.477029880e-08, v27  }
0x145: {  	v41 =	vmul.f32 $5.000000000e-01, v32;
	v32 =	vmax.f32 v43, $0.0e+00;
	v26 =	vadd.f32 $1.477029880e-08, v26  }
0x146: {  	v25 =	vmul.f32 v25, v25;
	v33 =	vmax.f32 v44, $0.0e+00;
	v32 =	vadd.f32 v27, v32  }
0x147: {  	v28 =	vmax.f32 v28, $0.0e+00;
	v29 =	vadd.f32 v26, v29;
	v26 =	vadd.f32 v26, v33  }
0x148: {  	v24 =	vadd.f32 v24, v25;
	v45 =	vadd.f32 v27, v28;
	v46 =	vmin.f32 v32, $1.000000000e+02  }
0x149: {  	v27 =	vadd.f32 v46, v30;
	v47 =	vmin.f32 v29, $1.000000000e+02;
	v26 =	vmin.f32 v26, $1.000000000e+02  }
0x14a: {  	v24 =	vmul.f32 $5.000000000e-01, v24;
	v25 =	vmin.f32 v45, $1.000000000e+02;
	v26 =	vsub.f32 v26, v47  }
0x14b: {  	v48 =	vnsel vm0, $0x0, v41;
	v25 =	vsub.f32 v27, v25;
	v49 =	vpop (erf)  }
0x14c: {  	v24 =	vnsel vm0, $0x0, v24;
	v50 =	vperm.xlane v48, v21;
	v26 =	vmul.f32 v49, v26  }
0x14d: {  	v51 =	vperm.xlane v24, v21;
	v25 =	vnsel vm0, $0x0, v25  }
0x14e: {  	v27 =	vadd.f32 v50, v48;
	v52 =	vperm.xlane v25, v21;
	v26 =	vnsel vm0, $0x0, v26  }
0x14f: {  	v24 =	vadd.f32 v51, v24;
	v53 =	vperm.xlane v26, v21  }
0x150: {  	v54 =	vperm.xlane v27, v22;
	v25 =	vadd.f32 v52, v25  }
0x151: {  	v55 =	vperm.xlane v24, v22;
	v26 =	vadd.f32 v53, v26  }
0x152: {  	v27 =	vadd.f32 v54, v27;
	v56 =	vperm.xlane v25, v22  }
0x153: {  	v24 =	vadd.f32 v55, v24;
	v57 =	vperm.xlane v26, v22  }
0x154: {  	v30 =	vperm.xlane v27, v23;
	v25 =	vadd.f32 v56, v25  }
0x155: {  	v58 =	vperm.xlane v24, v23;
	v26 =	vadd.f32 v57, v26  }
0x156: {  	v27 =	vadd.f32 v30, v27;
	v59 =	vperm.xlane v25, v23  }
0x157: {  	v24 =	vadd.f32 v58, v24;
	v60 =	vperm.xlane v26, v23  }
0x158: {  	v30 =	vperm.xlane v27, v13;
	v25 =	vadd.f32 v59, v25  }
0x159: {  	v61 =	vperm.xlane v24, v13;
	v26 =	vadd.f32 v60, v26  }
0x15a: {  	v27 =	vadd.f32 v30, v27;
	v62 =	vperm.xlane v25, v13  }
0x15b: {  	v24 =	vadd.f32 v61, v24;
	v63 =	vperm.xlane v26, v13  }
0x15c: {  	v27 =	vsel vm2, $0x0, v27;
	v25 =	vadd.f32 v62, v25  }
0x15d: {  	v24 =	vsel vm3, v27, v24;
	v26 =	vadd.f32 v63, v26  }
0x15e: {  	s17 =	sadd.s32 $0x1, s17;
	v24 =	vsel vm4, v24, v25  }
0x15f: {  	p1 =	sne.s32 s17, s8;
	v24 =	vsel vm5, v24, v26  }
.Ltmp1:
0x160: {  	[tilespmem:$0xC80] =	vst v24;
	(pc) =	sbr.rel @p1 .LBB2_1-.Ltmp1, $4  }
0x161: {  	[hbm4b:s7+s2] =	stream.linear.scatter [tilespmem:s16], [sflag:$0x2], $0x80, $0x38;
	[tilespmem:$0xD00] =	vst v63  }
0x162: {  	_ =	swait.ge [sflag:s13], $0x80  }
0x163: {  	[sflag:s13] =	ssyncset.done $0x0  }
0x164: {  	[sflag:s13] =	ssyncadd.s32 $0xFFFFFF80  }
0x165: {  	_ =	sfence.sel $0x180000  }
0x166: {  	[bflag:$0x0] =	sbarrier.arrive $0xFFFF  }
0x167: {  	p0 =	sne.s32 s0, $0x0;
	_ =	strace $0x90000047  }
0x168: {  	s0 =	sadd.s32 @!p0 $0x100000, s3;
	[bflag:$0x2] =	sbarrier.arrive $0xFFFF  }
0x169: {  	[sflag:s0] =	ssyncadd.tile.s32 @!p0 $0x1;
	_ =	shalt  }
.Lfunc_end2:
_tile_overlayer_lowered:
.L_overlay_start_2:
0x16a: {  	(tag) =	ssettag $0x2  }
0x16b: {  	s0 =	rddreg [dreg:$0x0];
	s2 =	stileid.u32  }
0x16c: {  	s1 =	rddreg [dreg:$0x1];
	p0 =	sne.s32 s2, $0x0  }
0x16d: {  	s3 =	rddreg [dreg:$0x2];
	[bflag:$0x3] =	sbarrier.arrive $0xFFFF;
	s2 =	simm.s32 @!p0 $0x1C02  }
0x16e: {  	[timem:s3], [sflag:s2] =	dma.local @!p0 [hbm:s0], s1  }
0x16f: {  	s0 =	simm.s32 @!p0 $0x2  }
0x170: {  	_ =	swait.ge @!p0 [sflag:s0], s1  }
0x171: {  	s1 =	ssub.s32 @!p0 $0x0, s1;
	[sflag:s0] =	ssyncset.done @!p0 $0x0  }
0x172: {  	[sflag:s0] =	ssyncadd.s32 @!p0 s1  }
0x173: {  	[bflag:$0x3] =	sbarrier.arrive $0xFFFF  }
0x174: {  	_ =	shalt  }

</sc_bundles>
